<compile_context>
chip_gen: v7x
topology: tpu7x:2x2x1
jax: 0.10.2.dev20260603
libtpu: 0.0.44.dev20260713+nightly
codegen_flags: <defaults>
</compile_context>

<pallas_src>
import functools

import jax
import jax.numpy as jnp
from jax import lax
from jax.experimental import pallas as pl
from jax.experimental.pallas import tpu as pltpu
from jax.experimental.pallas import tpu_sc as plsc

B, L, H = 1024, 200, 128
N = B * L
NC, NS, LANES = 2, 16, 16
NW = NC * NS
TPW = N // NW
C = 32
NCHUNK = TPW // C
GROUPS = C // LANES
JJ = H // LANES
HP = H // 2
PJ = HP // LANES
EPS = 1e-6


def _tec_body(ids_hbm, bbox_hbm, word_hbm, postt_hbm, x_hbm, y_hbm, h_hbm,
              w_hbm, lnw_hbm, lnb_hbm, out_hbm,
              ids0, ids1, bbox0, bbox1, xi_v, yi_v, hi_v, wi_v,
              wbuf0, wbuf1, pbuf0, pbuf1, xbuf0, xbuf1, ybuf0, ybuf1,
              hbuf0, hbuf1, qbuf0, qbuf1, lnw_v, lnb_v,
              semg, semst, semout):
    wid = lax.axis_index("s") * NC + lax.axis_index("c")
    tbase = wid * TPW
    pltpu.sync_copy(lnw_hbm, lnw_v)
    pltpu.sync_copy(lnb_hbm, lnb_v)
    iota = lax.iota(jnp.int32, LANES)

    ids = (ids0, ids1)
    bbox = (bbox0, bbox1)
    wbuf = (wbuf0, wbuf1)
    pbuf = (pbuf0, pbuf1)
    xbuf = (xbuf0, xbuf1)
    ybuf = (ybuf0, ybuf1)
    hbuf = (hbuf0, hbuf1)
    qbuf = (qbuf0, qbuf1)

    def stage(k, s):
        sbase = lax.min(tbase + k * C, N - C)
        pltpu.async_copy(ids_hbm.at[pl.ds(sbase, C)], ids[s], semst.at[s])
        pltpu.async_copy(bbox_hbm.at[pl.ds(sbase * 4, 4 * C)], bbox[s],
                         semst.at[s])

    def wait_stage(s):
        pltpu.make_async_copy(ids_hbm.at[pl.ds(0, C)], ids[s],
                              semst.at[s]).wait()
        pltpu.make_async_copy(bbox_hbm.at[pl.ds(0, 4 * C)], bbox[s],
                              semst.at[s]).wait()

    def build_idx(s):
        for g in range(GROUPS):
            p4 = iota * 4 + (4 * LANES * g)
            b0 = plsc.load_gather(bbox[s], [p4])
            b1 = plsc.load_gather(bbox[s], [p4 + 1])
            b2 = plsc.load_gather(bbox[s], [p4 + 2])
            b3 = plsc.load_gather(bbox[s], [p4 + 3])
            sl = pl.ds(g * LANES, LANES)
            sh = pl.ds(C + g * LANES, LANES)
            xi_v[sl] = b0
            xi_v[sh] = b2
            yi_v[sl] = b1
            yi_v[sh] = b3
            hi_v[sl] = b3 - b1
            wi_v[sl] = b2 - b0

    def issue_gathers(k, s):
        p0 = lax.rem(k * C, L)
        pltpu.async_copy(word_hbm.at[ids[s]], wbuf[s], semg.at[s])
        pltpu.async_copy(postt_hbm.at[pl.ds(p0, C)], pbuf[s], semg.at[s])
        pltpu.async_copy(x_hbm.at[xi_v], xbuf[s], semg.at[s])
        pltpu.async_copy(y_hbm.at[yi_v], ybuf[s], semg.at[s])
        pltpu.async_copy(h_hbm.at[hi_v], hbuf[s], semg.at[s])
        pltpu.async_copy(w_hbm.at[wi_v], qbuf[s], semg.at[s])

    def wait_gathers(s):
        pltpu.make_async_copy(word_hbm.at[ids[s]], wbuf[s], semg.at[s]).wait()
        pltpu.make_async_copy(postt_hbm.at[pl.ds(0, C)], pbuf[s],
                              semg.at[s]).wait()
        pltpu.make_async_copy(x_hbm.at[xi_v], xbuf[s], semg.at[s]).wait()
        pltpu.make_async_copy(y_hbm.at[yi_v], ybuf[s], semg.at[s]).wait()
        pltpu.make_async_copy(h_hbm.at[hi_v], hbuf[s], semg.at[s]).wait()
        pltpu.make_async_copy(w_hbm.at[wi_v], qbuf[s], semg.at[s]).wait()

    def wait_out(s):
        pltpu.make_async_copy(wbuf[s], out_hbm.at[pl.ds(0, C)],
                              semout.at[s]).wait()

    MASK_HI = jnp.int32(-65536)

    def compute(s, lnw, lnb):
        wb, pb, xb, yb, hb, qb = (wbuf[s], pbuf[s], xbuf[s], ybuf[s],
                                  hbuf[s], qbuf[s])

        def row(r):
            vs = []
            for j in range(JJ):
                sj = pl.ds(j * LANES, LANES)
                v = ((wb[r, sj] + xb[r, sj]) + (xb[C + r, sj] + yb[r, sj])
                     + (yb[C + r, sj] + hb[r, sj]) + qb[r, sj])
                vs.append(v)
            for j2 in range(PJ):
                xi32 = pb[r, pl.ds(j2 * LANES, LANES)]
                lo = lax.bitcast_convert_type(
                    lax.shift_left(xi32, 16), jnp.float32)
                hi = lax.bitcast_convert_type(
                    lax.bitwise_and(xi32, MASK_HI), jnp.float32)
                vs[2 * j2] = vs[2 * j2] + lo
                vs[2 * j2 + 1] = vs[2 * j2 + 1] + hi
            s8 = ((vs[0] + vs[1]) + (vs[2] + vs[3])) + \
                 ((vs[4] + vs[5]) + (vs[6] + vs[7]))
            q = [v * v for v in vs]
            q8 = ((q[0] + q[1]) + (q[2] + q[3])) + \
                 ((q[4] + q[5]) + (q[6] + q[7]))
            mean = jnp.sum(s8) * (1.0 / H)
            ex2 = jnp.sum(q8) * (1.0 / H)
            var = ex2 - mean * mean + EPS
            iv = lax.bitcast_convert_type(var, jnp.int32)
            iv = jnp.int32(0x5F3759DF) - lax.shift_right_logical(iv, 1)
            y = lax.bitcast_convert_type(iv, jnp.float32)
            for _ in range(3):
                y = y * (1.5 - 0.5 * var * y * y)
            for j in range(JJ):
                wb[r, pl.ds(j * LANES, LANES)] = \
                    (vs[j] - mean) * y * lnw[j] + lnb[j]

        def body(r2, carry):
            row(2 * r2)
            row(2 * r2 + 1)
            return carry

        lax.fori_loop(0, C // 2, body, (lnw, lnb))

    stage(0, 0)
    wait_stage(0)
    build_idx(0)
    issue_gathers(0, 0)
    stage(1, 1)

    lnw = tuple(lnw_v[pl.ds(j * LANES, LANES)] for j in range(JJ))
    lnb = tuple(lnb_v[pl.ds(j * LANES, LANES)] for j in range(JJ))

    def half_iter(k, s, sn, first, lnw, lnb):
        base = tbase + k * C
        wait_gathers(s)
        wait_stage(sn)
        build_idx(sn)
        if first:
            @pl.when(k > 0)
            def _():
                wait_out(sn)
        else:
            wait_out(sn)
        issue_gathers(k + 1, sn)
        stage(k + 2, s)
        compute(s, lnw, lnb)
        pltpu.async_copy(wbuf[s], out_hbm.at[pl.ds(base, C)], semout.at[s])

    def loop_body(k2, carry):
        lnw, lnb = carry
        k = 2 * k2
        half_iter(k, 0, 1, True, lnw, lnb)
        half_iter(k + 1, 1, 0, False, lnw, lnb)
        return carry

    lax.fori_loop(0, NCHUNK // 2, loop_body, (lnw, lnb))

    wait_gathers(0)
    wait_stage(1)
    wait_out(1)


@jax.jit
def _run(ids_flat, bbox_flat, word_embeddings, postt_p, x_p, y_p, h_p, w_p,
         ln_weight, ln_bias):
    mesh = plsc.VectorSubcoreMesh(core_axis_name="c", subcore_axis_name="s")
    f = functools.partial(
        pl.kernel,
        out_type=jax.ShapeDtypeStruct((N, H), jnp.float32),
        mesh=mesh,
        scratch_types=[
            pltpu.VMEM((C,), jnp.int32),
            pltpu.VMEM((C,), jnp.int32),
            pltpu.VMEM((4 * C,), jnp.int32),
            pltpu.VMEM((4 * C,), jnp.int32),
            pltpu.VMEM((2 * C,), jnp.int32),
            pltpu.VMEM((2 * C,), jnp.int32),
            pltpu.VMEM((C,), jnp.int32),
            pltpu.VMEM((C,), jnp.int32),
            pltpu.VMEM((C, H), jnp.float32),
            pltpu.VMEM((C, H), jnp.float32),
            pltpu.VMEM((C, HP), jnp.int32),
            pltpu.VMEM((C, HP), jnp.int32),
            pltpu.VMEM((2 * C, H), jnp.float32),
            pltpu.VMEM((2 * C, H), jnp.float32),
            pltpu.VMEM((2 * C, H), jnp.float32),
            pltpu.VMEM((2 * C, H), jnp.float32),
            pltpu.VMEM((C, H), jnp.float32),
            pltpu.VMEM((C, H), jnp.float32),
            pltpu.VMEM((C, H), jnp.float32),
            pltpu.VMEM((C, H), jnp.float32),
            pltpu.VMEM((H,), jnp.float32),
            pltpu.VMEM((H,), jnp.float32),
            pltpu.SemaphoreType.DMA((2,)),
            pltpu.SemaphoreType.DMA((2,)),
            pltpu.SemaphoreType.DMA((2,)),
        ],
        compiler_params=pltpu.CompilerParams(needs_layout_passes=False),
    )(_tec_body)
    return f(ids_flat, bbox_flat, word_embeddings, postt_p, x_p, y_p, h_p,
             w_p, ln_weight, ln_bias)


def _pack_bf16_pairs(t):
    v = t.shape[0]
    tr = t.reshape(v, PJ, 2, LANES)
    lob = lax.bitcast_convert_type(
        tr[:, :, 0, :].astype(jnp.bfloat16), jnp.uint16).astype(jnp.uint32)
    hib = lax.bitcast_convert_type(
        tr[:, :, 1, :].astype(jnp.bfloat16), jnp.uint16).astype(jnp.uint32)
    return lax.bitcast_convert_type(
        (lob | (hib << 16)).reshape(v, HP), jnp.int32)


def kernel(input_ids, bbox, word_embeddings, position_embeddings,
           token_type_embeddings, x_position_embeddings,
           y_position_embeddings, h_position_embeddings,
           w_position_embeddings, ln_weight, ln_bias):
    ids_flat = input_ids.reshape(-1)
    bbox_flat = bbox.reshape(-1)
    postt = position_embeddings + token_type_embeddings[0][None, :]
    postt_ext = jnp.concatenate([postt[:L], postt[:C]], axis=0)
    out = _run(ids_flat, bbox_flat, word_embeddings,
               _pack_bf16_pairs(postt_ext),
               x_position_embeddings, y_position_embeddings,
               h_position_embeddings, w_position_embeddings,
               ln_weight, ln_bias)
    return out.reshape(B, L, H)

# --- scband reference (transcript-rebuilt; emitter-appended) ---
"""Pipeline reference for scband-layout-lmembeddings-24721831755916 (READ-ONLY COPY).

The authoritative reference and input builder live on the scoring server;
editing this copy changes nothing except your own understanding.
"""

import jax, jax.numpy as jnp
import numpy as np

B, L, H = 1024, 200, 128
VOCAB = 100000
MAX_POS = 256
MAX_2D = 1024
TYPE_VOCAB = 2
EPS = 1e-6


def setup_inputs(seed: int = 0) -> dict:
    key = jax.random.key(seed)
    ks = jax.random.split(key, 10)
    input_ids = jax.random.randint(ks[0], (B, L), 0, VOCAB, dtype=jnp.int32)
    bbox = jnp.sort(jax.random.randint(ks[1], (B, L, 4), 0, MAX_2D, dtype=jnp.int32), axis=-1)
    word_embeddings = jax.random.normal(ks[2], (VOCAB, H), dtype=jnp.float32) * 0.02
    position_embeddings = jax.random.normal(ks[3], (MAX_POS, H), dtype=jnp.float32) * 0.02
    token_type_embeddings = jax.random.normal(ks[4], (TYPE_VOCAB, H), dtype=jnp.float32) * 0.02
    x_position_embeddings = jax.random.normal(ks[5], (MAX_2D, H), dtype=jnp.float32) * 0.02
    y_position_embeddings = jax.random.normal(ks[6], (MAX_2D, H), dtype=jnp.float32) * 0.02
    h_position_embeddings = jax.random.normal(ks[7], (MAX_2D, H), dtype=jnp.float32) * 0.02
    w_position_embeddings = jax.random.normal(ks[8], (MAX_2D, H), dtype=jnp.float32) * 0.02
    ln_weight = jnp.ones((H,), dtype=jnp.float32)
    ln_bias = jnp.zeros((H,), dtype=jnp.float32)
    return {
        'input_ids': input_ids,
        'bbox': bbox,
        'word_embeddings': word_embeddings,
        'position_embeddings': position_embeddings,
        'token_type_embeddings': token_type_embeddings,
        'x_position_embeddings': x_position_embeddings,
        'y_position_embeddings': y_position_embeddings,
        'h_position_embeddings': h_position_embeddings,
        'w_position_embeddings': w_position_embeddings,
        'ln_weight': ln_weight,
        'ln_bias': ln_bias,
    }


def reference(input_ids, bbox, word_embeddings, position_embeddings,
              token_type_embeddings, x_position_embeddings, y_position_embeddings,
              h_position_embeddings, w_position_embeddings, ln_weight, ln_bias):
    b, l = input_ids.shape
    # word embeddings
    words_embeddings = jnp.take(word_embeddings, input_ids, axis=0)
    # 1d position embeddings (position_ids=None branch)
    position_ids = jnp.broadcast_to(jnp.arange(l, dtype=jnp.int32)[None, :], (b, l))
    pos_emb = jnp.take(position_embeddings, position_ids, axis=0)
    # token_type_ids = 0 (int branch -> zeros_like)
    token_type_ids = jnp.zeros_like(input_ids)
    tt_emb = jnp.take(token_type_embeddings, token_type_ids, axis=0)
    # 2d position embeddings
    left = jnp.take(x_position_embeddings, bbox[:, :, 0], axis=0)
    upper = jnp.take(y_position_embeddings, bbox[:, :, 1], axis=0)
    right = jnp.take(x_position_embeddings, bbox[:, :, 2], axis=0)
    lower = jnp.take(y_position_embeddings, bbox[:, :, 3], axis=0)
    h_emb = jnp.take(h_position_embeddings, bbox[:, :, 3] - bbox[:, :, 1], axis=0)
    w_emb = jnp.take(w_position_embeddings, bbox[:, :, 2] - bbox[:, :, 0], axis=0)
    pos_emb = pos_emb + (left + upper + right + lower + h_emb + w_emb)
    embeddings = words_embeddings + pos_emb + tt_emb
    # LayerNorm (eps=1e-6); dropout is identity in eval mode
    mean = jnp.mean(embeddings, axis=-1, keepdims=True)
    var = jnp.mean((embeddings - mean) ** 2, axis=-1, keepdims=True)
    embeddings = (embeddings - mean) / jnp.sqrt(var + EPS) * ln_weight + ln_bias
    return embeddings

if __name__ == "__main__":
    import jax
    _d = setup_inputs()
    print(jax.jit(kernel)(*tuple(_d.values())))

</pallas_src>

<mosaic_0001>
#map = affine_map<(d0, d1) -> (0)>
#map1 = affine_map<(d0, d1) -> (0, 0)>
module attributes {stable_mosaic.version = 14 : i64} {
  func.func @_tec_body(%arg0: i32, %arg1: i32, %arg2: memref<204800xi32, #tpu.memory_space<hbm>>, %arg3: memref<819200xi32, #tpu.memory_space<hbm>>, %arg4: memref<100000x128xf32, #tpu.memory_space<hbm>>, %arg5: memref<232x64xi32, #tpu.memory_space<hbm>>, %arg6: memref<1024x128xf32, #tpu.memory_space<hbm>>, %arg7: memref<1024x128xf32, #tpu.memory_space<hbm>>, %arg8: memref<1024x128xf32, #tpu.memory_space<hbm>>, %arg9: memref<1024x128xf32, #tpu.memory_space<hbm>>, %arg10: memref<128xf32, #tpu.memory_space<hbm>>, %arg11: memref<128xf32, #tpu.memory_space<hbm>>, %arg12: memref<204800x128xf32, #tpu.memory_space<hbm>>, %arg13: memref<32xi32, #tpu.memory_space<vmem>>, %arg14: memref<32xi32, #tpu.memory_space<vmem>>, %arg15: memref<128xi32, #tpu.memory_space<vmem>>, %arg16: memref<128xi32, #tpu.memory_space<vmem>>, %arg17: memref<64xi32, #tpu.memory_space<vmem>>, %arg18: memref<64xi32, #tpu.memory_space<vmem>>, %arg19: memref<32xi32, #tpu.memory_space<vmem>>, %arg20: memref<32xi32, #tpu.memory_space<vmem>>, %arg21: memref<32x128xf32, #tpu.memory_space<vmem>>, %arg22: memref<32x128xf32, #tpu.memory_space<vmem>>, %arg23: memref<32x64xi32, #tpu.memory_space<vmem>>, %arg24: memref<32x64xi32, #tpu.memory_space<vmem>>, %arg25: memref<64x128xf32, #tpu.memory_space<vmem>>, %arg26: memref<64x128xf32, #tpu.memory_space<vmem>>, %arg27: memref<64x128xf32, #tpu.memory_space<vmem>>, %arg28: memref<64x128xf32, #tpu.memory_space<vmem>>, %arg29: memref<32x128xf32, #tpu.memory_space<vmem>>, %arg30: memref<32x128xf32, #tpu.memory_space<vmem>>, %arg31: memref<32x128xf32, #tpu.memory_space<vmem>>, %arg32: memref<32x128xf32, #tpu.memory_space<vmem>>, %arg33: memref<128xf32, #tpu.memory_space<vmem>>, %arg34: memref<128xf32, #tpu.memory_space<vmem>>, %arg35: memref<2x!tpu.dma_semaphore, #tpu.memory_space<semaphore_mem>>, %arg36: memref<2x!tpu.dma_semaphore, #tpu.memory_space<semaphore_mem>>, %arg37: memref<2x!tpu.dma_semaphore, #tpu.memory_space<semaphore_mem>>) attributes {dimension_semantics = [#tpu.dimension_semantics<core_parallel>, #tpu.dimension_semantics<subcore_parallel>], iteration_bounds = array<i64: 2, 16>, scalar_prefetch = 0 : i64, scratch_operands = 25 : i64, tpu.core_type = #tpu.core_type<sc_vector_subcore>, window_params = [{transform_indices = #map}, {transform_indices = #map}, {transform_indices = #map1}, {transform_indices = #map1}, {transform_indices = #map1}, {transform_indices = #map1}, {transform_indices = #map1}, {transform_indices = #map1}, {transform_indices = #map}, {transform_indices = #map}, {transform_indices = #map1}]} {
    %mul3A = arith.constant 2 : i32
    %mul3A_0 = arith.muli %arg1, %mul3A : i32
    %add3A = arith.addi %mul3A_0, %arg0 : i32
    %mul3A_1 = arith.constant 6400 : i32
    %mul3A_2 = arith.muli %add3A, %mul3A_1 : i32
    "tpu.region"() ({
      %run_scoped3A = tpu.sem_alloc : memref<!tpu.dma_semaphore, #tpu.memory_space<semaphore_mem>>
      tpu.enqueue_dma source(%arg10 : memref<128xf32, #tpu.memory_space<hbm>>) target(%arg33 : memref<128xf32, #tpu.memory_space<vmem>>) target_semaphore(%run_scoped3A : memref<!tpu.dma_semaphore, #tpu.memory_space<semaphore_mem>>)
      tpu.wait_dma2 semaphore(%run_scoped3A : memref<!tpu.dma_semaphore, #tpu.memory_space<semaphore_mem>>) src(%arg10 : memref<128xf32, #tpu.memory_space<hbm>>) dst(%arg33 : memref<128xf32, #tpu.memory_space<vmem>>)
      tpu.yield
    }) : () -> ()
    "tpu.region"() ({
      %run_scoped3A = tpu.sem_alloc : memref<!tpu.dma_semaphore, #tpu.memory_space<semaphore_mem>>
      tpu.enqueue_dma source(%arg11 : memref<128xf32, #tpu.memory_space<hbm>>) target(%arg34 : memref<128xf32, #tpu.memory_space<vmem>>) target_semaphore(%run_scoped3A : memref<!tpu.dma_semaphore, #tpu.memory_space<semaphore_mem>>)
      tpu.wait_dma2 semaphore(%run_scoped3A : memref<!tpu.dma_semaphore, #tpu.memory_space<semaphore_mem>>) src(%arg11 : memref<128xf32, #tpu.memory_space<hbm>>) dst(%arg34 : memref<128xf32, #tpu.memory_space<vmem>>)
      tpu.yield
    }) : () -> ()
    %iota3A = tpu.iota {dimensions = array<i32: 0>} : vector<16xi32>
    %add3A_3 = arith.constant 0 : i32
    %add3A_4 = arith.addi %mul3A_2, %add3A_3 : i32
    %min3A = arith.constant 204768 : i32
    %min3A_5 = arith.minsi %add3A_4, %min3A : i32
    %dma_start3A = arith.constant 0 : i32
    %dma_start3A_6 = tpu.memref_slice %arg2[%min3A_5] : memref<204800xi32, #tpu.memory_space<hbm>> -> memref<32xi32, #tpu.memory_space<hbm>>
    %dma_start3A_7 = tpu.memref_slice %arg36[%dma_start3A] : memref<2x!tpu.dma_semaphore, #tpu.memory_space<semaphore_mem>> -> memref<1x!tpu.dma_semaphore, #tpu.memory_space<semaphore_mem>>
    %dma_start3A_8 = tpu.memref_squeeze %dma_start3A_7 : memref<1x!tpu.dma_semaphore, #tpu.memory_space<semaphore_mem>> -> memref<!tpu.dma_semaphore, #tpu.memory_space<semaphore_mem>>
    %dma_start3A_9 = tpu.memref_slice %arg2[%min3A_5] : memref<204800xi32, #tpu.memory_space<hbm>> -> memref<32xi32, #tpu.memory_space<hbm>>
    tpu.enqueue_dma source(%dma_start3A_9 : memref<32xi32, #tpu.memory_space<hbm>>) target(%arg13 : memref<32xi32, #tpu.memory_space<vmem>>) target_semaphore(%dma_start3A_8 : memref<!tpu.dma_semaphore, #tpu.memory_space<semaphore_mem>>)
    %mul3A_10 = arith.constant 4 : i32
    %mul3A_11 = arith.muli %min3A_5, %mul3A_10 : i32
    %dma_start3A_12 = arith.constant 0 : i32
    %dma_start3A_13 = tpu.memref_slice %arg3[%mul3A_11] : memref<819200xi32, #tpu.memory_space<hbm>> -> memref<128xi32, #tpu.memory_space<hbm>>
    %dma_start3A_14 = tpu.memref_slice %arg36[%dma_start3A_12] : memref<2x!tpu.dma_semaphore, #tpu.memory_space<semaphore_mem>> -> memref<1x!tpu.dma_semaphore, #tpu.memory_space<semaphore_mem>>
    %dma_start3A_15 = tpu.memref_squeeze %dma_start3A_14 : memref<1x!tpu.dma_semaphore, #tpu.memory_space<semaphore_mem>> -> memref<!tpu.dma_semaphore, #tpu.memory_space<semaphore_mem>>
    %dma_start3A_16 = tpu.memref_slice %arg3[%mul3A_11] : memref<819200xi32, #tpu.memory_space<hbm>> -> memref<128xi32, #tpu.memory_space<hbm>>
    tpu.enqueue_dma source(%dma_start3A_16 : memref<128xi32, #tpu.memory_space<hbm>>) target(%arg15 : memref<128xi32, #tpu.memory_space<vmem>>) target_semaphore(%dma_start3A_15 : memref<!tpu.dma_semaphore, #tpu.memory_space<semaphore_mem>>)
    %dma_wait3A = arith.constant 0 : i32
    %dma_wait3A_17 = arith.constant 0 : i32
    %dma_wait3A_18 = tpu.memref_slice %arg2[%dma_wait3A_17] : memref<204800xi32, #tpu.memory_space<hbm>> -> memref<32xi32, #tpu.memory_space<hbm>>
    %dma_wait3A_19 = tpu.memref_slice %arg36[%dma_wait3A] : memref<2x!tpu.dma_semaphore, #tpu.memory_space<semaphore_mem>> -> memref<1x!tpu.dma_semaphore, #tpu.memory_space<semaphore_mem>>
    %dma_wait3A_20 = tpu.memref_squeeze %dma_wait3A_19 : memref<1x!tpu.dma_semaphore, #tpu.memory_space<semaphore_mem>> -> memref<!tpu.dma_semaphore, #tpu.memory_space<semaphore_mem>>
    %dma_wait3A_21 = arith.constant 0 : i32
    %dma_wait3A_22 = tpu.memref_slice %arg2[%dma_wait3A_21] : memref<204800xi32, #tpu.memory_space<hbm>> -> memref<32xi32, #tpu.memory_space<hbm>>
    tpu.wait_dma2 semaphore(%dma_wait3A_20 : memref<!tpu.dma_semaphore, #tpu.memory_space<semaphore_mem>>) src(%dma_wait3A_22 : memref<32xi32, #tpu.memory_space<hbm>>) dst(%arg13 : memref<32xi32, #tpu.memory_space<vmem>>)
    %dma_wait3A_23 = arith.constant 0 : i32
    %dma_wait3A_24 = arith.constant 0 : i32
    %dma_wait3A_25 = tpu.memref_slice %arg3[%dma_wait3A_24] : memref<819200xi32, #tpu.memory_space<hbm>> -> memref<128xi32, #tpu.memory_space<hbm>>
    %dma_wait3A_26 = tpu.memref_slice %arg36[%dma_wait3A_23] : memref<2x!tpu.dma_semaphore, #tpu.memory_space<semaphore_mem>> -> memref<1x!tpu.dma_semaphore, #tpu.memory_space<semaphore_mem>>
    %dma_wait3A_27 = tpu.memref_squeeze %dma_wait3A_26 : memref<1x!tpu.dma_semaphore, #tpu.memory_space<semaphore_mem>> -> memref<!tpu.dma_semaphore, #tpu.memory_space<semaphore_mem>>
    %dma_wait3A_28 = arith.constant 0 : i32
    %dma_wait3A_29 = tpu.memref_slice %arg3[%dma_wait3A_28] : memref<819200xi32, #tpu.memory_space<hbm>> -> memref<128xi32, #tpu.memory_space<hbm>>
    tpu.wait_dma2 semaphore(%dma_wait3A_27 : memref<!tpu.dma_semaphore, #tpu.memory_space<semaphore_mem>>) src(%dma_wait3A_29 : memref<128xi32, #tpu.memory_space<hbm>>) dst(%arg15 : memref<128xi32, #tpu.memory_space<vmem>>)
    %mul3A_30 = arith.constant 4 : i32
    %mul3A_31 = vector.broadcast %mul3A_30 : i32 to vector<16xi32>
    %mul3A_32 = arith.muli %iota3A, %mul3A_31 : vector<16xi32>
    %add3A_33 = arith.constant 0 : i32
    %add3A_34 = vector.broadcast %add3A_33 : i32 to vector<16xi32>
    %add3A_35 = arith.addi %mul3A_32, %add3A_34 : vector<16xi32>
    %gather3A = tpu.vector_load_idx %arg15[%add3A_35] : memref<128xi32, #tpu.memory_space<vmem>>[vector<16xi32>], vector<16xi32>,
    %add3A_36 = arith.constant 1 : i32
    %add3A_37 = vector.broadcast %add3A_36 : i32 to vector<16xi32>
    %add3A_38 = arith.addi %add3A_35, %add3A_37 : vector<16xi32>
    %gather3A_39 = tpu.vector_load_idx %arg15[%add3A_38] : memref<128xi32, #tpu.memory_space<vmem>>[vector<16xi32>], vector<16xi32>,
    %add3A_40 = arith.constant 2 : i32
    %add3A_41 = vector.broadcast %add3A_40 : i32 to vector<16xi32>
    %add3A_42 = arith.addi %add3A_35, %add3A_41 : vector<16xi32>
    %gather3A_43 = tpu.vector_load_idx %arg15[%add3A_42] : memref<128xi32, #tpu.memory_space<vmem>>[vector<16xi32>], vector<16xi32>,
    %add3A_44 = arith.constant 3 : i32
    %add3A_45 = vector.broadcast %add3A_44 : i32 to vector<16xi32>
    %add3A_46 = arith.addi %add3A_35, %add3A_45 : vector<16xi32>
    %gather3A_47 = tpu.vector_load_idx %arg15[%add3A_46] : memref<128xi32, #tpu.memory_space<vmem>>[vector<16xi32>], vector<16xi32>,
    %swap3A = arith.constant 0 : index
    %swap3A_48 = tpu.vector_load %arg17[%swap3A] {strides = array<i32>} : memref<64xi32, #tpu.memory_space<vmem>>, vector<16xi32>,
    tpu.vector_store %arg17[%swap3A], %gather3A {strides = array<i32>} : memref<64xi32, #tpu.memory_space<vmem>>, vector<16xi32>,
    %swap3A_49 = arith.constant 32 : index
    %swap3A_50 = tpu.vector_load %arg17[%swap3A_49] {strides = array<i32>} : memref<64xi32, #tpu.memory_space<vmem>>, vector<16xi32>,
    tpu.vector_store %arg17[%swap3A_49], %gather3A_43 {strides = array<i32>} : memref<64xi32, #tpu.memory_space<vmem>>, vector<16xi32>,
    %swap3A_51 = arith.constant 0 : index
    %swap3A_52 = tpu.vector_load %arg18[%swap3A_51] {strides = array<i32>} : memref<64xi32, #tpu.memory_space<vmem>>, vector<16xi32>,
    tpu.vector_store %arg18[%swap3A_51], %gather3A_39 {strides = array<i32>} : memref<64xi32, #tpu.memory_space<vmem>>, vector<16xi32>,
    %swap3A_53 = arith.constant 32 : index
    %swap3A_54 = tpu.vector_load %arg18[%swap3A_53] {strides = array<i32>} : memref<64xi32, #tpu.memory_space<vmem>>, vector<16xi32>,
    tpu.vector_store %arg18[%swap3A_53], %gather3A_47 {strides = array<i32>} : memref<64xi32, #tpu.memory_space<vmem>>, vector<16xi32>,
    %sub3A = arith.subi %gather3A_47, %gather3A_39 : vector<16xi32>
    %swap3A_55 = arith.constant 0 : index
    %swap3A_56 = tpu.vector_load %arg19[%swap3A_55] {strides = array<i32>} : memref<32xi32, #tpu.memory_space<vmem>>, vector<16xi32>,
    tpu.vector_store %arg19[%swap3A_55], %sub3A {strides = array<i32>} : memref<32xi32, #tpu.memory_space<vmem>>, vector<16xi32>,
    %sub3A_57 = arith.subi %gather3A_43, %gather3A : vector<16xi32>
    %swap3A_58 = arith.constant 0 : index
    %swap3A_59 = tpu.vector_load %arg20[%swap3A_58] {strides = array<i32>} : memref<32xi32, #tpu.memory_space<vmem>>, vector<16xi32>,
    tpu.vector_store %arg20[%swap3A_58], %sub3A_57 {strides = array<i32>} : memref<32xi32, #tpu.memory_space<vmem>>, vector<16xi32>,
    %mul3A_60 = arith.constant 4 : i32
    %mul3A_61 = vector.broadcast %mul3A_60 : i32 to vector<16xi32>
    %mul3A_62 = arith.muli %iota3A, %mul3A_61 : vector<16xi32>
    %add3A_63 = arith.constant 64 : i32
    %add3A_64 = vector.broadcast %add3A_63 : i32 to vector<16xi32>
    %add3A_65 = arith.addi %mul3A_62, %add3A_64 : vector<16xi32>
    %gather3A_66 = tpu.vector_load_idx %arg15[%add3A_65] : memref<128xi32, #tpu.memory_space<vmem>>[vector<16xi32>], vector<16xi32>,
    %add3A_67 = arith.constant 1 : i32
    %add3A_68 = vector.broadcast %add3A_67 : i32 to vector<16xi32>
    %add3A_69 = arith.addi %add3A_65, %add3A_68 : vector<16xi32>
    %gather3A_70 = tpu.vector_load_idx %arg15[%add3A_69] : memref<128xi32, #tpu.memory_space<vmem>>[vector<16xi32>], vector<16xi32>,
    %add3A_71 = arith.constant 2 : i32
    %add3A_72 = vector.broadcast %add3A_71 : i32 to vector<16xi32>
    %add3A_73 = arith.addi %add3A_65, %add3A_72 : vector<16xi32>
    %gather3A_74 = tpu.vector_load_idx %arg15[%add3A_73] : memref<128xi32, #tpu.memory_space<vmem>>[vector<16xi32>], vector<16xi32>,
    %add3A_75 = arith.constant 3 : i32
    %add3A_76 = vector.broadcast %add3A_75 : i32 to vector<16xi32>
    %add3A_77 = arith.addi %add3A_65, %add3A_76 : vector<16xi32>
    %gather3A_78 = tpu.vector_load_idx %arg15[%add3A_77] : memref<128xi32, #tpu.memory_space<vmem>>[vector<16xi32>], vector<16xi32>,
    %swap3A_79 = arith.constant 16 : index
    %swap3A_80 = tpu.vector_load %arg17[%swap3A_79] {strides = array<i32>} : memref<64xi32, #tpu.memory_space<vmem>>, vector<16xi32>,
    tpu.vector_store %arg17[%swap3A_79], %gather3A_66 {strides = array<i32>} : memref<64xi32, #tpu.memory_space<vmem>>, vector<16xi32>,
    %swap3A_81 = arith.constant 48 : index
    %swap3A_82 = tpu.vector_load %arg17[%swap3A_81] {strides = array<i32>} : memref<64xi32, #tpu.memory_space<vmem>>, vector<16xi32>,
    tpu.vector_store %arg17[%swap3A_81], %gather3A_74 {strides = array<i32>} : memref<64xi32, #tpu.memory_space<vmem>>, vector<16xi32>,
    %swap3A_83 = arith.constant 16 : index
    %swap3A_84 = tpu.vector_load %arg18[%swap3A_83] {strides = array<i32>} : memref<64xi32, #tpu.memory_space<vmem>>, vector<16xi32>,
    tpu.vector_store %arg18[%swap3A_83], %gather3A_70 {strides = array<i32>} : memref<64xi32, #tpu.memory_space<vmem>>, vector<16xi32>,
    %swap3A_85 = arith.constant 48 : index
    %swap3A_86 = tpu.vector_load %arg18[%swap3A_85] {strides = array<i32>} : memref<64xi32, #tpu.memory_space<vmem>>, vector<16xi32>,
    tpu.vector_store %arg18[%swap3A_85], %gather3A_78 {strides = array<i32>} : memref<64xi32, #tpu.memory_space<vmem>>, vector<16xi32>,
    %sub3A_87 = arith.subi %gather3A_78, %gather3A_70 : vector<16xi32>
    %swap3A_88 = arith.constant 16 : index
    %swap3A_89 = tpu.vector_load %arg19[%swap3A_88] {strides = array<i32>} : memref<32xi32, #tpu.memory_space<vmem>>, vector<16xi32>,
    tpu.vector_store %arg19[%swap3A_88], %sub3A_87 {strides = array<i32>} : memref<32xi32, #tpu.memory_space<vmem>>, vector<16xi32>,
    %sub3A_90 = arith.subi %gather3A_74, %gather3A_66 : vector<16xi32>
    %swap3A_91 = arith.constant 16 : index
    %swap3A_92 = tpu.vector_load %arg20[%swap3A_91] {strides = array<i32>} : memref<32xi32, #tpu.memory_space<vmem>>, vector<16xi32>,
    tpu.vector_store %arg20[%swap3A_91], %sub3A_90 {strides = array<i32>} : memref<32xi32, #tpu.memory_space<vmem>>, vector<16xi32>,
    %rem3A = arith.constant 0 : i32
    %rem3A_93 = arith.constant 200 : i32
    %rem3A_94 = arith.remsi %rem3A, %rem3A_93 : i32
    %dma_start3A_95 = arith.constant 0 : i32
    %dma_start3A_96 = arith.constant 0 : i32
    %dma_start3A_97 = arith.constant 0 : i32
    %dma_start3A_98 = tpu.memref_slice %arg4[%dma_start3A_96, %dma_start3A_97] : memref<100000x128xf32, #tpu.memory_space<hbm>> -> memref<100000x128xf32, #tpu.memory_space<hbm>>
    %dma_start3A_99 = tpu.memref_slice %arg35[%dma_start3A_95] : memref<2x!tpu.dma_semaphore, #tpu.memory_space<semaphore_mem>> -> memref<1x!tpu.dma_semaphore, #tpu.memory_space<semaphore_mem>>
    %dma_start3A_100 = tpu.memref_squeeze %dma_start3A_99 : memref<1x!tpu.dma_semaphore, #tpu.memory_space<semaphore_mem>> -> memref<!tpu.dma_semaphore, #tpu.memory_space<semaphore_mem>>
    tpu.enqueue_indirect_dma source(%dma_start3A_98 : memref<100000x128xf32, #tpu.memory_space<hbm>>) target(%arg21 : memref<32x128xf32, #tpu.memory_space<vmem>>) offsets(%arg13 : memref<32xi32, #tpu.memory_space<vmem>>) semaphore(%dma_start3A_100 : memref<!tpu.dma_semaphore, #tpu.memory_space<semaphore_mem>>)
    %dma_start3A_101 = arith.constant 0 : i32
    %dma_start3A_102 = arith.constant 0 : i32
    %dma_start3A_103 = tpu.memref_slice %arg5[%rem3A_94, %dma_start3A_102] : memref<232x64xi32, #tpu.memory_space<hbm>> -> memref<32x64xi32, #tpu.memory_space<hbm>>
    %dma_start3A_104 = tpu.memref_slice %arg35[%dma_start3A_101] : memref<2x!tpu.dma_semaphore, #tpu.memory_space<semaphore_mem>> -> memref<1x!tpu.dma_semaphore, #tpu.memory_space<semaphore_mem>>
    %dma_start3A_105 = tpu.memref_squeeze %dma_start3A_104 : memref<1x!tpu.dma_semaphore, #tpu.memory_space<semaphore_mem>> -> memref<!tpu.dma_semaphore, #tpu.memory_space<semaphore_mem>>
    %dma_start3A_106 = arith.constant 0 : i32
    %dma_start3A_107 = tpu.memref_slice %arg5[%rem3A_94, %dma_start3A_106] : memref<232x64xi32, #tpu.memory_space<hbm>> -> memref<32x64xi32, #tpu.memory_space<hbm>>
    tpu.enqueue_dma source(%dma_start3A_107 : memref<32x64xi32, #tpu.memory_space<hbm>>) target(%arg23 : memref<32x64xi32, #tpu.memory_space<vmem>>) target_semaphore(%dma_start3A_105 : memref<!tpu.dma_semaphore, #tpu.memory_space<semaphore_mem>>)
    %dma_start3A_108 = arith.constant 0 : i32
    %dma_start3A_109 = arith.constant 0 : i32
    %dma_start3A_110 = arith.constant 0 : i32
    %dma_start3A_111 = tpu.memref_slice %arg6[%dma_start3A_109, %dma_start3A_110] : memref<1024x128xf32, #tpu.memory_space<hbm>> -> memref<1024x128xf32, #tpu.memory_space<hbm>>
    %dma_start3A_112 = tpu.memref_slice %arg35[%dma_start3A_108] : memref<2x!tpu.dma_semaphore, #tpu.memory_space<semaphore_mem>> -> memref<1x!tpu.dma_semaphore, #tpu.memory_space<semaphore_mem>>
    %dma_start3A_113 = tpu.memref_squeeze %dma_start3A_112 : memref<1x!tpu.dma_semaphore, #tpu.memory_space<semaphore_mem>> -> memref<!tpu.dma_semaphore, #tpu.memory_space<semaphore_mem>>
    tpu.enqueue_indirect_dma source(%dma_start3A_111 : memref<1024x128xf32, #tpu.memory_space<hbm>>) target(%arg25 : memref<64x128xf32, #tpu.memory_space<vmem>>) offsets(%arg17 : memref<64xi32, #tpu.memory_space<vmem>>) semaphore(%dma_start3A_113 : memref<!tpu.dma_semaphore, #tpu.memory_space<semaphore_mem>>)
    %dma_start3A_114 = arith.constant 0 : i32
    %dma_start3A_115 = arith.constant 0 : i32
    %dma_start3A_116 = arith.constant 0 : i32
    %dma_start3A_117 = tpu.memref_slice %arg7[%dma_start3A_115, %dma_start3A_116] : memref<1024x128xf32, #tpu.memory_space<hbm>> -> memref<1024x128xf32, #tpu.memory_space<hbm>>
    %dma_start3A_118 = tpu.memref_slice %arg35[%dma_start3A_114] : memref<2x!tpu.dma_semaphore, #tpu.memory_space<semaphore_mem>> -> memref<1x!tpu.dma_semaphore, #tpu.memory_space<semaphore_mem>>
    %dma_start3A_119 = tpu.memref_squeeze %dma_start3A_118 : memref<1x!tpu.dma_semaphore, #tpu.memory_space<semaphore_mem>> -> memref<!tpu.dma_semaphore, #tpu.memory_space<semaphore_mem>>
    tpu.enqueue_indirect_dma source(%dma_start3A_117 : memref<1024x128xf32, #tpu.memory_space<hbm>>) target(%arg27 : memref<64x128xf32, #tpu.memory_space<vmem>>) offsets(%arg18 : memref<64xi32, #tpu.memory_space<vmem>>) semaphore(%dma_start3A_119 : memref<!tpu.dma_semaphore, #tpu.memory_space<semaphore_mem>>)
    %dma_start3A_120 = arith.constant 0 : i32
    %dma_start3A_121 = arith.constant 0 : i32
    %dma_start3A_122 = arith.constant 0 : i32
    %dma_start3A_123 = tpu.memref_slice %arg8[%dma_start3A_121, %dma_start3A_122] : memref<1024x128xf32, #tpu.memory_space<hbm>> -> memref<1024x128xf32, #tpu.memory_space<hbm>>
    %dma_start3A_124 = tpu.memref_slice %arg35[%dma_start3A_120] : memref<2x!tpu.dma_semaphore, #tpu.memory_space<semaphore_mem>> -> memref<1x!tpu.dma_semaphore, #tpu.memory_space<semaphore_mem>>
    %dma_start3A_125 = tpu.memref_squeeze %dma_start3A_124 : memref<1x!tpu.dma_semaphore, #tpu.memory_space<semaphore_mem>> -> memref<!tpu.dma_semaphore, #tpu.memory_space<semaphore_mem>>
    tpu.enqueue_indirect_dma source(%dma_start3A_123 : memref<1024x128xf32, #tpu.memory_space<hbm>>) target(%arg29 : memref<32x128xf32, #tpu.memory_space<vmem>>) offsets(%arg19 : memref<32xi32, #tpu.memory_space<vmem>>) semaphore(%dma_start3A_125 : memref<!tpu.dma_semaphore, #tpu.memory_space<semaphore_mem>>)
    %dma_start3A_126 = arith.constant 0 : i32
    %dma_start3A_127 = arith.constant 0 : i32
    %dma_start3A_128 = arith.constant 0 : i32
    %dma_start3A_129 = tpu.memref_slice %arg9[%dma_start3A_127, %dma_start3A_128] : memref<1024x128xf32, #tpu.memory_space<hbm>> -> memref<1024x128xf32, #tpu.memory_space<hbm>>
    %dma_start3A_130 = tpu.memref_slice %arg35[%dma_start3A_126] : memref<2x!tpu.dma_semaphore, #tpu.memory_space<semaphore_mem>> -> memref<1x!tpu.dma_semaphore, #tpu.memory_space<semaphore_mem>>
    %dma_start3A_131 = tpu.memref_squeeze %dma_start3A_130 : memref<1x!tpu.dma_semaphore, #tpu.memory_space<semaphore_mem>> -> memref<!tpu.dma_semaphore, #tpu.memory_space<semaphore_mem>>
    tpu.enqueue_indirect_dma source(%dma_start3A_129 : memref<1024x128xf32, #tpu.memory_space<hbm>>) target(%arg31 : memref<32x128xf32, #tpu.memory_space<vmem>>) offsets(%arg20 : memref<32xi32, #tpu.memory_space<vmem>>) semaphore(%dma_start3A_131 : memref<!tpu.dma_semaphore, #tpu.memory_space<semaphore_mem>>)
    %add3A_132 = arith.constant 32 : i32
    %add3A_133 = arith.addi %mul3A_2, %add3A_132 : i32
    %min3A_134 = arith.constant 204768 : i32
    %min3A_135 = arith.minsi %add3A_133, %min3A_134 : i32
    %dma_start3A_136 = arith.constant 1 : i32
    %dma_start3A_137 = tpu.memref_slice %arg2[%min3A_135] : memref<204800xi32, #tpu.memory_space<hbm>> -> memref<32xi32, #tpu.memory_space<hbm>>
    %dma_start3A_138 = tpu.memref_slice %arg36[%dma_start3A_136] : memref<2x!tpu.dma_semaphore, #tpu.memory_space<semaphore_mem>> -> memref<1x!tpu.dma_semaphore, #tpu.memory_space<semaphore_mem>>
    %dma_start3A_139 = tpu.memref_squeeze %dma_start3A_138 : memref<1x!tpu.dma_semaphore, #tpu.memory_space<semaphore_mem>> -> memref<!tpu.dma_semaphore, #tpu.memory_space<semaphore_mem>>
    %dma_start3A_140 = tpu.memref_slice %arg2[%min3A_135] : memref<204800xi32, #tpu.memory_space<hbm>> -> memref<32xi32, #tpu.memory_space<hbm>>
    tpu.enqueue_dma source(%dma_start3A_140 : memref<32xi32, #tpu.memory_space<hbm>>) target(%arg14 : memref<32xi32, #tpu.memory_space<vmem>>) target_semaphore(%dma_start3A_139 : memref<!tpu.dma_semaphore, #tpu.memory_space<semaphore_mem>>)
    %mul3A_141 = arith.constant 4 : i32
    %mul3A_142 = arith.muli %min3A_135, %mul3A_141 : i32
    %dma_start3A_143 = arith.constant 1 : i32
    %dma_start3A_144 = tpu.memref_slice %arg3[%mul3A_142] : memref<819200xi32, #tpu.memory_space<hbm>> -> memref<128xi32, #tpu.memory_space<hbm>>
    %dma_start3A_145 = tpu.memref_slice %arg36[%dma_start3A_143] : memref<2x!tpu.dma_semaphore, #tpu.memory_space<semaphore_mem>> -> memref<1x!tpu.dma_semaphore, #tpu.memory_space<semaphore_mem>>
    %dma_start3A_146 = tpu.memref_squeeze %dma_start3A_145 : memref<1x!tpu.dma_semaphore, #tpu.memory_space<semaphore_mem>> -> memref<!tpu.dma_semaphore, #tpu.memory_space<semaphore_mem>>
    %dma_start3A_147 = tpu.memref_slice %arg3[%mul3A_142] : memref<819200xi32, #tpu.memory_space<hbm>> -> memref<128xi32, #tpu.memory_space<hbm>>
    tpu.enqueue_dma source(%dma_start3A_147 : memref<128xi32, #tpu.memory_space<hbm>>) target(%arg16 : memref<128xi32, #tpu.memory_space<vmem>>) target_semaphore(%dma_start3A_146 : memref<!tpu.dma_semaphore, #tpu.memory_space<semaphore_mem>>)
    %get3A = arith.constant 0 : index
    %get3A_148 = tpu.vector_load %arg33[%get3A] {strides = array<i32>} : memref<128xf32, #tpu.memory_space<vmem>>, vector<16xf32>,
    %get3A_149 = arith.constant 16 : index
    %get3A_150 = tpu.vector_load %arg33[%get3A_149] {strides = array<i32>} : memref<128xf32, #tpu.memory_space<vmem>>, vector<16xf32>,
    %get3A_151 = arith.constant 32 : index
    %get3A_152 = tpu.vector_load %arg33[%get3A_151] {strides = array<i32>} : memref<128xf32, #tpu.memory_space<vmem>>, vector<16xf32>,
    %get3A_153 = arith.constant 48 : index
    %get3A_154 = tpu.vector_load %arg33[%get3A_153] {strides = array<i32>} : memref<128xf32, #tpu.memory_space<vmem>>, vector<16xf32>,
    %get3A_155 = arith.constant 64 : index
    %get3A_156 = tpu.vector_load %arg33[%get3A_155] {strides = array<i32>} : memref<128xf32, #tpu.memory_space<vmem>>, vector<16xf32>,
    %get3A_157 = arith.constant 80 : index
    %get3A_158 = tpu.vector_load %arg33[%get3A_157] {strides = array<i32>} : memref<128xf32, #tpu.memory_space<vmem>>, vector<16xf32>,
    %get3A_159 = arith.constant 96 : index
    %get3A_160 = tpu.vector_load %arg33[%get3A_159] {strides = array<i32>} : memref<128xf32, #tpu.memory_space<vmem>>, vector<16xf32>,
    %get3A_161 = arith.constant 112 : index
    %get3A_162 = tpu.vector_load %arg33[%get3A_161] {strides = array<i32>} : memref<128xf32, #tpu.memory_space<vmem>>, vector<16xf32>,
    %get3A_163 = arith.constant 0 : index
    %get3A_164 = tpu.vector_load %arg34[%get3A_163] {strides = array<i32>} : memref<128xf32, #tpu.memory_space<vmem>>, vector<16xf32>,
    %get3A_165 = arith.constant 16 : index
    %get3A_166 = tpu.vector_load %arg34[%get3A_165] {strides = array<i32>} : memref<128xf32, #tpu.memory_space<vmem>>, vector<16xf32>,
    %get3A_167 = arith.constant 32 : index
    %get3A_168 = tpu.vector_load %arg34[%get3A_167] {strides = array<i32>} : memref<128xf32, #tpu.memory_space<vmem>>, vector<16xf32>,
    %get3A_169 = arith.constant 48 : index
    %get3A_170 = tpu.vector_load %arg34[%get3A_169] {strides = array<i32>} : memref<128xf32, #tpu.memory_space<vmem>>, vector<16xf32>,
    %get3A_171 = arith.constant 64 : index
    %get3A_172 = tpu.vector_load %arg34[%get3A_171] {strides = array<i32>} : memref<128xf32, #tpu.memory_space<vmem>>, vector<16xf32>,
    %get3A_173 = arith.constant 80 : index
    %get3A_174 = tpu.vector_load %arg34[%get3A_173] {strides = array<i32>} : memref<128xf32, #tpu.memory_space<vmem>>, vector<16xf32>,
    %get3A_175 = arith.constant 96 : index
    %get3A_176 = tpu.vector_load %arg34[%get3A_175] {strides = array<i32>} : memref<128xf32, #tpu.memory_space<vmem>>, vector<16xf32>,
    %get3A_177 = arith.constant 112 : index
    %get3A_178 = tpu.vector_load %arg34[%get3A_177] {strides = array<i32>} : memref<128xf32, #tpu.memory_space<vmem>>, vector<16xf32>,
    %scan3A = arith.constant -65536 : i32
    %scan3A_179 = arith.constant 0 : i32
    %scan3A_180 = arith.constant 100 : i32
    %scan3A_181 = arith.addi %scan3A_179, %scan3A_180 : i32
    %scan3A_182 = arith.constant 1 : i32
    scf.for %scan3A_246 = %scan3A_179 to %scan3A_181 step %scan3A_182  : i32 {
      %mul3A_247 = arith.constant 2 : i32
      %mul3A_248 = arith.muli %mul3A_247, %scan3A_246 : i32
      %mul3A_249 = arith.constant 32 : i32
      %mul3A_250 = arith.muli %mul3A_248, %mul3A_249 : i32
      %add3A_251 = arith.addi %mul3A_2, %mul3A_250 : i32
      %dma_wait3A_252 = arith.constant 0 : i32
      %dma_wait3A_253 = arith.constant 0 : i32
      %dma_wait3A_254 = arith.constant 0 : i32
      %dma_wait3A_255 = tpu.memref_slice %arg4[%dma_wait3A_253, %dma_wait3A_254] : memref<100000x128xf32, #tpu.memory_space<hbm>> -> memref<100000x128xf32, #tpu.memory_space<hbm>>
      %dma_wait3A_256 = tpu.memref_slice %arg35[%dma_wait3A_252] : memref<2x!tpu.dma_semaphore, #tpu.memory_space<semaphore_mem>> -> memref<1x!tpu.dma_semaphore, #tpu.memory_space<semaphore_mem>>
      %dma_wait3A_257 = tpu.memref_squeeze %dma_wait3A_256 : memref<1x!tpu.dma_semaphore, #tpu.memory_space<semaphore_mem>> -> memref<!tpu.dma_semaphore, #tpu.memory_space<semaphore_mem>>
      tpu.wait_indirect_dma semaphore(%dma_wait3A_257 : memref<!tpu.dma_semaphore, #tpu.memory_space<semaphore_mem>>) src(%dma_wait3A_255 : memref<100000x128xf32, #tpu.memory_space<hbm>>) dst(%arg21 : memref<32x128xf32, #tpu.memory_space<vmem>>)
      %dma_wait3A_258 = arith.constant 0 : i32
      %dma_wait3A_259 = arith.constant 0 : i32
      %dma_wait3A_260 = arith.constant 0 : i32
      %dma_wait3A_261 = tpu.memref_slice %arg5[%dma_wait3A_259, %dma_wait3A_260] : memref<232x64xi32, #tpu.memory_space<hbm>> -> memref<32x64xi32, #tpu.memory_space<hbm>>
      %dma_wait3A_262 = tpu.memref_slice %arg35[%dma_wait3A_258] : memref<2x!tpu.dma_semaphore, #tpu.memory_space<semaphore_mem>> -> memref<1x!tpu.dma_semaphore, #tpu.memory_space<semaphore_mem>>
      %dma_wait3A_263 = tpu.memref_squeeze %dma_wait3A_262 : memref<1x!tpu.dma_semaphore, #tpu.memory_space<semaphore_mem>> -> memref<!tpu.dma_semaphore, #tpu.memory_space<semaphore_mem>>
      %dma_wait3A_264 = arith.constant 0 : i32
      %dma_wait3A_265 = arith.constant 0 : i32
      %dma_wait3A_266 = tpu.memref_slice %arg5[%dma_wait3A_264, %dma_wait3A_265] : memref<232x64xi32, #tpu.memory_space<hbm>> -> memref<32x64xi32, #tpu.memory_space<hbm>>
      tpu.wait_dma2 semaphore(%dma_wait3A_263 : memref<!tpu.dma_semaphore, #tpu.memory_space<semaphore_mem>>) src(%dma_wait3A_266 : memref<32x64xi32, #tpu.memory_space<hbm>>) dst(%arg23 : memref<32x64xi32, #tpu.memory_space<vmem>>)
      %dma_wait3A_267 = arith.constant 0 : i32
      %dma_wait3A_268 = arith.constant 0 : i32
      %dma_wait3A_269 = arith.constant 0 : i32
      %dma_wait3A_270 = tpu.memref_slice %arg6[%dma_wait3A_268, %dma_wait3A_269] : memref<1024x128xf32, #tpu.memory_space<hbm>> -> memref<1024x128xf32, #tpu.memory_space<hbm>>
      %dma_wait3A_271 = tpu.memref_slice %arg35[%dma_wait3A_267] : memref<2x!tpu.dma_semaphore, #tpu.memory_space<semaphore_mem>> -> memref<1x!tpu.dma_semaphore, #tpu.memory_space<semaphore_mem>>
      %dma_wait3A_272 = tpu.memref_squeeze %dma_wait3A_271 : memref<1x!tpu.dma_semaphore, #tpu.memory_space<semaphore_mem>> -> memref<!tpu.dma_semaphore, #tpu.memory_space<semaphore_mem>>
      tpu.wait_indirect_dma semaphore(%dma_wait3A_272 : memref<!tpu.dma_semaphore, #tpu.memory_space<semaphore_mem>>) src(%dma_wait3A_270 : memref<1024x128xf32, #tpu.memory_space<hbm>>) dst(%arg25 : memref<64x128xf32, #tpu.memory_space<vmem>>)
      %dma_wait3A_273 = arith.constant 0 : i32
      %dma_wait3A_274 = arith.constant 0 : i32
      %dma_wait3A_275 = arith.constant 0 : i32
      %dma_wait3A_276 = tpu.memref_slice %arg7[%dma_wait3A_274, %dma_wait3A_275] : memref<1024x128xf32, #tpu.memory_space<hbm>> -> memref<1024x128xf32, #tpu.memory_space<hbm>>
      %dma_wait3A_277 = tpu.memref_slice %arg35[%dma_wait3A_273] : memref<2x!tpu.dma_semaphore, #tpu.memory_space<semaphore_mem>> -> memref<1x!tpu.dma_semaphore, #tpu.memory_space<semaphore_mem>>
      %dma_wait3A_278 = tpu.memref_squeeze %dma_wait3A_277 : memref<1x!tpu.dma_semaphore, #tpu.memory_space<semaphore_mem>> -> memref<!tpu.dma_semaphore, #tpu.memory_space<semaphore_mem>>
      tpu.wait_indirect_dma semaphore(%dma_wait3A_278 : memref<!tpu.dma_semaphore, #tpu.memory_space<semaphore_mem>>) src(%dma_wait3A_276 : memref<1024x128xf32, #tpu.memory_space<hbm>>) dst(%arg27 : memref<64x128xf32, #tpu.memory_space<vmem>>)
      %dma_wait3A_279 = arith.constant 0 : i32
      %dma_wait3A_280 = arith.constant 0 : i32
      %dma_wait3A_281 = arith.constant 0 : i32
      %dma_wait3A_282 = tpu.memref_slice %arg8[%dma_wait3A_280, %dma_wait3A_281] : memref<1024x128xf32, #tpu.memory_space<hbm>> -> memref<1024x128xf32, #tpu.memory_space<hbm>>
      %dma_wait3A_283 = tpu.memref_slice %arg35[%dma_wait3A_279] : memref<2x!tpu.dma_semaphore, #tpu.memory_space<semaphore_mem>> -> memref<1x!tpu.dma_semaphore, #tpu.memory_space<semaphore_mem>>
      %dma_wait3A_284 = tpu.memref_squeeze %dma_wait3A_283 : memref<1x!tpu.dma_semaphore, #tpu.memory_space<semaphore_mem>> -> memref<!tpu.dma_semaphore, #tpu.memory_space<semaphore_mem>>
      tpu.wait_indirect_dma semaphore(%dma_wait3A_284 : memref<!tpu.dma_semaphore, #tpu.memory_space<semaphore_mem>>) src(%dma_wait3A_282 : memref<1024x128xf32, #tpu.memory_space<hbm>>) dst(%arg29 : memref<32x128xf32, #tpu.memory_space<vmem>>)
      %dma_wait3A_285 = arith.constant 0 : i32
      %dma_wait3A_286 = arith.constant 0 : i32
      %dma_wait3A_287 = arith.constant 0 : i32
      %dma_wait3A_288 = tpu.memref_slice %arg9[%dma_wait3A_286, %dma_wait3A_287] : memref<1024x128xf32, #tpu.memory_space<hbm>> -> memref<1024x128xf32, #tpu.memory_space<hbm>>
      %dma_wait3A_289 = tpu.memref_slice %arg35[%dma_wait3A_285] : memref<2x!tpu.dma_semaphore, #tpu.memory_space<semaphore_mem>> -> memref<1x!tpu.dma_semaphore, #tpu.memory_space<semaphore_mem>>
      %dma_wait3A_290 = tpu.memref_squeeze %dma_wait3A_289 : memref<1x!tpu.dma_semaphore, #tpu.memory_space<semaphore_mem>> -> memref<!tpu.dma_semaphore, #tpu.memory_space<semaphore_mem>>
      tpu.wait_indirect_dma semaphore(%dma_wait3A_290 : memref<!tpu.dma_semaphore, #tpu.memory_space<semaphore_mem>>) src(%dma_wait3A_288 : memref<1024x128xf32, #tpu.memory_space<hbm>>) dst(%arg31 : memref<32x128xf32, #tpu.memory_space<vmem>>)
      %dma_wait3A_291 = arith.constant 1 : i32
      %dma_wait3A_292 = arith.constant 0 : i32
      %dma_wait3A_293 = tpu.memref_slice %arg2[%dma_wait3A_292] : memref<204800xi32, #tpu.memory_space<hbm>> -> memref<32xi32, #tpu.memory_space<hbm>>
      %dma_wait3A_294 = tpu.memref_slice %arg36[%dma_wait3A_291] : memref<2x!tpu.dma_semaphore, #tpu.memory_space<semaphore_mem>> -> memref<1x!tpu.dma_semaphore, #tpu.memory_space<semaphore_mem>>
      %dma_wait3A_295 = tpu.memref_squeeze %dma_wait3A_294 : memref<1x!tpu.dma_semaphore, #tpu.memory_space<semaphore_mem>> -> memref<!tpu.dma_semaphore, #tpu.memory_space<semaphore_mem>>
      %dma_wait3A_296 = arith.constant 0 : i32
      %dma_wait3A_297 = tpu.memref_slice %arg2[%dma_wait3A_296] : memref<204800xi32, #tpu.memory_space<hbm>> -> memref<32xi32, #tpu.memory_space<hbm>>
      tpu.wait_dma2 semaphore(%dma_wait3A_295 : memref<!tpu.dma_semaphore, #tpu.memory_space<semaphore_mem>>) src(%dma_wait3A_297 : memref<32xi32, #tpu.memory_space<hbm>>) dst(%arg14 : memref<32xi32, #tpu.memory_space<vmem>>)
      %dma_wait3A_298 = arith.constant 1 : i32
      %dma_wait3A_299 = arith.constant 0 : i32
      %dma_wait3A_300 = tpu.memref_slice %arg3[%dma_wait3A_299] : memref<819200xi32, #tpu.memory_space<hbm>> -> memref<128xi32, #tpu.memory_space<hbm>>
      %dma_wait3A_301 = tpu.memref_slice %arg36[%dma_wait3A_298] : memref<2x!tpu.dma_semaphore, #tpu.memory_space<semaphore_mem>> -> memref<1x!tpu.dma_semaphore, #tpu.memory_space<semaphore_mem>>
      %dma_wait3A_302 = tpu.memref_squeeze %dma_wait3A_301 : memref<1x!tpu.dma_semaphore, #tpu.memory_space<semaphore_mem>> -> memref<!tpu.dma_semaphore, #tpu.memory_space<semaphore_mem>>
      %dma_wait3A_303 = arith.constant 0 : i32
      %dma_wait3A_304 = tpu.memref_slice %arg3[%dma_wait3A_303] : memref<819200xi32, #tpu.memory_space<hbm>> -> memref<128xi32, #tpu.memory_space<hbm>>
      tpu.wait_dma2 semaphore(%dma_wait3A_302 : memref<!tpu.dma_semaphore, #tpu.memory_space<semaphore_mem>>) src(%dma_wait3A_304 : memref<128xi32, #tpu.memory_space<hbm>>) dst(%arg16 : memref<128xi32, #tpu.memory_space<vmem>>)
      %mul3A_305 = arith.constant 4 : i32
      %mul3A_306 = vector.broadcast %mul3A_305 : i32 to vector<16xi32>
      %mul3A_307 = arith.muli %iota3A, %mul3A_306 : vector<16xi32>
      %add3A_308 = arith.constant 0 : i32
      %add3A_309 = vector.broadcast %add3A_308 : i32 to vector<16xi32>
      %add3A_310 = arith.addi %mul3A_307, %add3A_309 : vector<16xi32>
      %gather3A_311 = tpu.vector_load_idx %arg16[%add3A_310] : memref<128xi32, #tpu.memory_space<vmem>>[vector<16xi32>], vector<16xi32>,
      %add3A_312 = arith.constant 1 : i32
      %add3A_313 = vector.broadcast %add3A_312 : i32 to vector<16xi32>
      %add3A_314 = arith.addi %add3A_310, %add3A_313 : vector<16xi32>
      %gather3A_315 = tpu.vector_load_idx %arg16[%add3A_314] : memref<128xi32, #tpu.memory_space<vmem>>[vector<16xi32>], vector<16xi32>,
      %add3A_316 = arith.constant 2 : i32
      %add3A_317 = vector.broadcast %add3A_316 : i32 to vector<16xi32>
      %add3A_318 = arith.addi %add3A_310, %add3A_317 : vector<16xi32>
      %gather3A_319 = tpu.vector_load_idx %arg16[%add3A_318] : memref<128xi32, #tpu.memory_space<vmem>>[vector<16xi32>], vector<16xi32>,
      %add3A_320 = arith.constant 3 : i32
      %add3A_321 = vector.broadcast %add3A_320 : i32 to vector<16xi32>
      %add3A_322 = arith.addi %add3A_310, %add3A_321 : vector<16xi32>
      %gather3A_323 = tpu.vector_load_idx %arg16[%add3A_322] : memref<128xi32, #tpu.memory_space<vmem>>[vector<16xi32>], vector<16xi32>,
      %swap3A_324 = arith.constant 0 : index
      %swap3A_325 = tpu.vector_load %arg17[%swap3A_324] {strides = array<i32>} : memref<64xi32, #tpu.memory_space<vmem>>, vector<16xi32>,
      tpu.vector_store %arg17[%swap3A_324], %gather3A_311 {strides = array<i32>} : memref<64xi32, #tpu.memory_space<vmem>>, vector<16xi32>,
      %swap3A_326 = arith.constant 32 : index
      %swap3A_327 = tpu.vector_load %arg17[%swap3A_326] {strides = array<i32>} : memref<64xi32, #tpu.memory_space<vmem>>, vector<16xi32>,
      tpu.vector_store %arg17[%swap3A_326], %gather3A_319 {strides = array<i32>} : memref<64xi32, #tpu.memory_space<vmem>>, vector<16xi32>,
      %swap3A_328 = arith.constant 0 : index
      %swap3A_329 = tpu.vector_load %arg18[%swap3A_328] {strides = array<i32>} : memref<64xi32, #tpu.memory_space<vmem>>, vector<16xi32>,
      tpu.vector_store %arg18[%swap3A_328], %gather3A_315 {strides = array<i32>} : memref<64xi32, #tpu.memory_space<vmem>>, vector<16xi32>,
      %swap3A_330 = arith.constant 32 : index
      %swap3A_331 = tpu.vector_load %arg18[%swap3A_330] {strides = array<i32>} : memref<64xi32, #tpu.memory_space<vmem>>, vector<16xi32>,
      tpu.vector_store %arg18[%swap3A_330], %gather3A_323 {strides = array<i32>} : memref<64xi32, #tpu.memory_space<vmem>>, vector<16xi32>,
      %sub3A_332 = arith.subi %gather3A_323, %gather3A_315 : vector<16xi32>
      %swap3A_333 = arith.constant 0 : index
      %swap3A_334 = tpu.vector_load %arg19[%swap3A_333] {strides = array<i32>} : memref<32xi32, #tpu.memory_space<vmem>>, vector<16xi32>,
      tpu.vector_store %arg19[%swap3A_333], %sub3A_332 {strides = array<i32>} : memref<32xi32, #tpu.memory_space<vmem>>, vector<16xi32>,
      %sub3A_335 = arith.subi %gather3A_319, %gather3A_311 : vector<16xi32>
      %swap3A_336 = arith.constant 0 : index
      %swap3A_337 = tpu.vector_load %arg20[%swap3A_336] {strides = array<i32>} : memref<32xi32, #tpu.memory_space<vmem>>, vector<16xi32>,
      tpu.vector_store %arg20[%swap3A_336], %sub3A_335 {strides = array<i32>} : memref<32xi32, #tpu.memory_space<vmem>>, vector<16xi32>,
      %mul3A_338 = arith.constant 4 : i32
      %mul3A_339 = vector.broadcast %mul3A_338 : i32 to vector<16xi32>
      %mul3A_340 = arith.muli %iota3A, %mul3A_339 : vector<16xi32>
      %add3A_341 = arith.constant 64 : i32
      %add3A_342 = vector.broadcast %add3A_341 : i32 to vector<16xi32>
      %add3A_343 = arith.addi %mul3A_340, %add3A_342 : vector<16xi32>
      %gather3A_344 = tpu.vector_load_idx %arg16[%add3A_343] : memref<128xi32, #tpu.memory_space<vmem>>[vector<16xi32>], vector<16xi32>,
      %add3A_345 = arith.constant 1 : i32
      %add3A_346 = vector.broadcast %add3A_345 : i32 to vector<16xi32>
      %add3A_347 = arith.addi %add3A_343, %add3A_346 : vector<16xi32>
      %gather3A_348 = tpu.vector_load_idx %arg16[%add3A_347] : memref<128xi32, #tpu.memory_space<vmem>>[vector<16xi32>], vector<16xi32>,
      %add3A_349 = arith.constant 2 : i32
      %add3A_350 = vector.broadcast %add3A_349 : i32 to vector<16xi32>
      %add3A_351 = arith.addi %add3A_343, %add3A_350 : vector<16xi32>
      %gather3A_352 = tpu.vector_load_idx %arg16[%add3A_351] : memref<128xi32, #tpu.memory_space<vmem>>[vector<16xi32>], vector<16xi32>,
      %add3A_353 = arith.constant 3 : i32
      %add3A_354 = vector.broadcast %add3A_353 : i32 to vector<16xi32>
      %add3A_355 = arith.addi %add3A_343, %add3A_354 : vector<16xi32>
      %gather3A_356 = tpu.vector_load_idx %arg16[%add3A_355] : memref<128xi32, #tpu.memory_space<vmem>>[vector<16xi32>], vector<16xi32>,
      %swap3A_357 = arith.constant 16 : index
      %swap3A_358 = tpu.vector_load %arg17[%swap3A_357] {strides = array<i32>} : memref<64xi32, #tpu.memory_space<vmem>>, vector<16xi32>,
      tpu.vector_store %arg17[%swap3A_357], %gather3A_344 {strides = array<i32>} : memref<64xi32, #tpu.memory_space<vmem>>, vector<16xi32>,
      %swap3A_359 = arith.constant 48 : index
      %swap3A_360 = tpu.vector_load %arg17[%swap3A_359] {strides = array<i32>} : memref<64xi32, #tpu.memory_space<vmem>>, vector<16xi32>,
      tpu.vector_store %arg17[%swap3A_359], %gather3A_352 {strides = array<i32>} : memref<64xi32, #tpu.memory_space<vmem>>, vector<16xi32>,
      %swap3A_361 = arith.constant 16 : index
      %swap3A_362 = tpu.vector_load %arg18[%swap3A_361] {strides = array<i32>} : memref<64xi32, #tpu.memory_space<vmem>>, vector<16xi32>,
      tpu.vector_store %arg18[%swap3A_361], %gather3A_348 {strides = array<i32>} : memref<64xi32, #tpu.memory_space<vmem>>, vector<16xi32>,
      %swap3A_363 = arith.constant 48 : index
      %swap3A_364 = tpu.vector_load %arg18[%swap3A_363] {strides = array<i32>} : memref<64xi32, #tpu.memory_space<vmem>>, vector<16xi32>,
      tpu.vector_store %arg18[%swap3A_363], %gather3A_356 {strides = array<i32>} : memref<64xi32, #tpu.memory_space<vmem>>, vector<16xi32>,
      %sub3A_365 = arith.subi %gather3A_356, %gather3A_348 : vector<16xi32>
      %swap3A_366 = arith.constant 16 : index
      %swap3A_367 = tpu.vector_load %arg19[%swap3A_366] {strides = array<i32>} : memref<32xi32, #tpu.memory_space<vmem>>, vector<16xi32>,
      tpu.vector_store %arg19[%swap3A_366], %sub3A_365 {strides = array<i32>} : memref<32xi32, #tpu.memory_space<vmem>>, vector<16xi32>,
      %sub3A_368 = arith.subi %gather3A_352, %gather3A_344 : vector<16xi32>
      %swap3A_369 = arith.constant 16 : index
      %swap3A_370 = tpu.vector_load %arg20[%swap3A_369] {strides = array<i32>} : memref<32xi32, #tpu.memory_space<vmem>>, vector<16xi32>,
      tpu.vector_store %arg20[%swap3A_369], %sub3A_368 {strides = array<i32>} : memref<32xi32, #tpu.memory_space<vmem>>, vector<16xi32>,
      %gt3A = arith.constant 0 : i32
      %gt3A_371 = arith.cmpi sgt, %mul3A_248, %gt3A : i32
      %convert_element_type3A = arith.extui %gt3A_371 : i1 to i32
      %cond3A = arith.constant 0 : i32
      %cond3A_372 = arith.cmpi ne, %convert_element_type3A, %cond3A : i32
      scf.if %cond3A_372 {
        %dma_wait3A_654 = arith.constant 1 : i32
        %dma_wait3A_655 = arith.constant 0 : i32
        %dma_wait3A_656 = arith.constant 0 : i32
        %dma_wait3A_657 = tpu.memref_slice %arg12[%dma_wait3A_655, %dma_wait3A_656] : memref<204800x128xf32, #tpu.memory_space<hbm>> -> memref<32x128xf32, #tpu.memory_space<hbm>>
        %dma_wait3A_658 = tpu.memref_slice %arg37[%dma_wait3A_654] : memref<2x!tpu.dma_semaphore, #tpu.memory_space<semaphore_mem>> -> memref<1x!tpu.dma_semaphore, #tpu.memory_space<semaphore_mem>>
        %dma_wait3A_659 = tpu.memref_squeeze %dma_wait3A_658 : memref<1x!tpu.dma_semaphore, #tpu.memory_space<semaphore_mem>> -> memref<!tpu.dma_semaphore, #tpu.memory_space<semaphore_mem>>
        %dma_wait3A_660 = arith.constant 0 : i32
        %dma_wait3A_661 = arith.constant 0 : i32
        %dma_wait3A_662 = tpu.memref_slice %arg12[%dma_wait3A_660, %dma_wait3A_661] : memref<204800x128xf32, #tpu.memory_space<hbm>> -> memref<32x128xf32, #tpu.memory_space<hbm>>
        tpu.wait_dma2 semaphore(%dma_wait3A_659 : memref<!tpu.dma_semaphore, #tpu.memory_space<semaphore_mem>>) src(%arg22 : memref<32x128xf32, #tpu.memory_space<vmem>>) dst(%dma_wait3A_662 : memref<32x128xf32, #tpu.memory_space<hbm>>)
      } else {
      }
      %add3A_373 = arith.constant 1 : i32
      %add3A_374 = arith.addi %mul3A_248, %add3A_373 : i32
      %mul3A_375 = arith.constant 32 : i32
      %mul3A_376 = arith.muli %add3A_374, %mul3A_375 : i32
      %rem3A_377 = arith.constant 200 : i32
      %rem3A_378 = arith.remsi %mul3A_376, %rem3A_377 : i32
      %dma_start3A_379 = arith.constant 1 : i32
      %dma_start3A_380 = arith.constant 0 : i32
      %dma_start3A_381 = arith.constant 0 : i32
      %dma_start3A_382 = tpu.memref_slice %arg4[%dma_start3A_380, %dma_start3A_381] : memref<100000x128xf32, #tpu.memory_space<hbm>> -> memref<100000x128xf32, #tpu.memory_space<hbm>>
      %dma_start3A_383 = tpu.memref_slice %arg35[%dma_start3A_379] : memref<2x!tpu.dma_semaphore, #tpu.memory_space<semaphore_mem>> -> memref<1x!tpu.dma_semaphore, #tpu.memory_space<semaphore_mem>>
      %dma_start3A_384 = tpu.memref_squeeze %dma_start3A_383 : memref<1x!tpu.dma_semaphore, #tpu.memory_space<semaphore_mem>> -> memref<!tpu.dma_semaphore, #tpu.memory_space<semaphore_mem>>
      tpu.enqueue_indirect_dma source(%dma_start3A_382 : memref<100000x128xf32, #tpu.memory_space<hbm>>) target(%arg22 : memref<32x128xf32, #tpu.memory_space<vmem>>) offsets(%arg14 : memref<32xi32, #tpu.memory_space<vmem>>) semaphore(%dma_start3A_384 : memref<!tpu.dma_semaphore, #tpu.memory_space<semaphore_mem>>)
      %dma_start3A_385 = arith.constant 1 : i32
      %dma_start3A_386 = arith.constant 0 : i32
      %dma_start3A_387 = tpu.memref_slice %arg5[%rem3A_378, %dma_start3A_386] : memref<232x64xi32, #tpu.memory_space<hbm>> -> memref<32x64xi32, #tpu.memory_space<hbm>>
      %dma_start3A_388 = tpu.memref_slice %arg35[%dma_start3A_385] : memref<2x!tpu.dma_semaphore, #tpu.memory_space<semaphore_mem>> -> memref<1x!tpu.dma_semaphore, #tpu.memory_space<semaphore_mem>>
      %dma_start3A_389 = tpu.memref_squeeze %dma_start3A_388 : memref<1x!tpu.dma_semaphore, #tpu.memory_space<semaphore_mem>> -> memref<!tpu.dma_semaphore, #tpu.memory_space<semaphore_mem>>
      %dma_start3A_390 = arith.constant 0 : i32
      %dma_start3A_391 = tpu.memref_slice %arg5[%rem3A_378, %dma_start3A_390] : memref<232x64xi32, #tpu.memory_space<hbm>> -> memref<32x64xi32, #tpu.memory_space<hbm>>
      tpu.enqueue_dma source(%dma_start3A_391 : memref<32x64xi32, #tpu.memory_space<hbm>>) target(%arg24 : memref<32x64xi32, #tpu.memory_space<vmem>>) target_semaphore(%dma_start3A_389 : memref<!tpu.dma_semaphore, #tpu.memory_space<semaphore_mem>>)
      %dma_start3A_392 = arith.constant 1 : i32
      %dma_start3A_393 = arith.constant 0 : i32
      %dma_start3A_394 = arith.constant 0 : i32
      %dma_start3A_395 = tpu.memref_slice %arg6[%dma_start3A_393, %dma_start3A_394] : memref<1024x128xf32, #tpu.memory_space<hbm>> -> memref<1024x128xf32, #tpu.memory_space<hbm>>
      %dma_start3A_396 = tpu.memref_slice %arg35[%dma_start3A_392] : memref<2x!tpu.dma_semaphore, #tpu.memory_space<semaphore_mem>> -> memref<1x!tpu.dma_semaphore, #tpu.memory_space<semaphore_mem>>
      %dma_start3A_397 = tpu.memref_squeeze %dma_start3A_396 : memref<1x!tpu.dma_semaphore, #tpu.memory_space<semaphore_mem>> -> memref<!tpu.dma_semaphore, #tpu.memory_space<semaphore_mem>>
      tpu.enqueue_indirect_dma source(%dma_start3A_395 : memref<1024x128xf32, #tpu.memory_space<hbm>>) target(%arg26 : memref<64x128xf32, #tpu.memory_space<vmem>>) offsets(%arg17 : memref<64xi32, #tpu.memory_space<vmem>>) semaphore(%dma_start3A_397 : memref<!tpu.dma_semaphore, #tpu.memory_space<semaphore_mem>>)
      %dma_start3A_398 = arith.constant 1 : i32
      %dma_start3A_399 = arith.constant 0 : i32
      %dma_start3A_400 = arith.constant 0 : i32
      %dma_start3A_401 = tpu.memref_slice %arg7[%dma_start3A_399, %dma_start3A_400] : memref<1024x128xf32, #tpu.memory_space<hbm>> -> memref<1024x128xf32, #tpu.memory_space<hbm>>
      %dma_start3A_402 = tpu.memref_slice %arg35[%dma_start3A_398] : memref<2x!tpu.dma_semaphore, #tpu.memory_space<semaphore_mem>> -> memref<1x!tpu.dma_semaphore, #tpu.memory_space<semaphore_mem>>
      %dma_start3A_403 = tpu.memref_squeeze %dma_start3A_402 : memref<1x!tpu.dma_semaphore, #tpu.memory_space<semaphore_mem>> -> memref<!tpu.dma_semaphore, #tpu.memory_space<semaphore_mem>>
      tpu.enqueue_indirect_dma source(%dma_start3A_401 : memref<1024x128xf32, #tpu.memory_space<hbm>>) target(%arg28 : memref<64x128xf32, #tpu.memory_space<vmem>>) offsets(%arg18 : memref<64xi32, #tpu.memory_space<vmem>>) semaphore(%dma_start3A_403 : memref<!tpu.dma_semaphore, #tpu.memory_space<semaphore_mem>>)
      %dma_start3A_404 = arith.constant 1 : i32
      %dma_start3A_405 = arith.constant 0 : i32
      %dma_start3A_406 = arith.constant 0 : i32
      %dma_start3A_407 = tpu.memref_slice %arg8[%dma_start3A_405, %dma_start3A_406] : memref<1024x128xf32, #tpu.memory_space<hbm>> -> memref<1024x128xf32, #tpu.memory_space<hbm>>
      %dma_start3A_408 = tpu.memref_slice %arg35[%dma_start3A_404] : memref<2x!tpu.dma_semaphore, #tpu.memory_space<semaphore_mem>> -> memref<1x!tpu.dma_semaphore, #tpu.memory_space<semaphore_mem>>
      %dma_start3A_409 = tpu.memref_squeeze %dma_start3A_408 : memref<1x!tpu.dma_semaphore, #tpu.memory_space<semaphore_mem>> -> memref<!tpu.dma_semaphore, #tpu.memory_space<semaphore_mem>>
      tpu.enqueue_indirect_dma source(%dma_start3A_407 : memref<1024x128xf32, #tpu.memory_space<hbm>>) target(%arg30 : memref<32x128xf32, #tpu.memory_space<vmem>>) offsets(%arg19 : memref<32xi32, #tpu.memory_space<vmem>>) semaphore(%dma_start3A_409 : memref<!tpu.dma_semaphore, #tpu.memory_space<semaphore_mem>>)
      %dma_start3A_410 = arith.constant 1 : i32
      %dma_start3A_411 = arith.constant 0 : i32
      %dma_start3A_412 = arith.constant 0 : i32
      %dma_start3A_413 = tpu.memref_slice %arg9[%dma_start3A_411, %dma_start3A_412] : memref<1024x128xf32, #tpu.memory_space<hbm>> -> memref<1024x128xf32, #tpu.memory_space<hbm>>
      %dma_start3A_414 = tpu.memref_slice %arg35[%dma_start3A_410] : memref<2x!tpu.dma_semaphore, #tpu.memory_space<semaphore_mem>> -> memref<1x!tpu.dma_semaphore, #tpu.memory_space<semaphore_mem>>
      %dma_start3A_415 = tpu.memref_squeeze %dma_start3A_414 : memref<1x!tpu.dma_semaphore, #tpu.memory_space<semaphore_mem>> -> memref<!tpu.dma_semaphore, #tpu.memory_space<semaphore_mem>>
      tpu.enqueue_indirect_dma source(%dma_start3A_413 : memref<1024x128xf32, #tpu.memory_space<hbm>>) target(%arg32 : memref<32x128xf32, #tpu.memory_space<vmem>>) offsets(%arg20 : memref<32xi32, #tpu.memory_space<vmem>>) semaphore(%dma_start3A_415 : memref<!tpu.dma_semaphore, #tpu.memory_space<semaphore_mem>>)
      %add3A_416 = arith.constant 2 : i32
      %add3A_417 = arith.addi %mul3A_248, %add3A_416 : i32
      %mul3A_418 = arith.constant 32 : i32
      %mul3A_419 = arith.muli %add3A_417, %mul3A_418 : i32
      %add3A_420 = arith.addi %mul3A_2, %mul3A_419 : i32
      %min3A_421 = arith.constant 204768 : i32
      %min3A_422 = arith.minsi %add3A_420, %min3A_421 : i32
      %dma_start3A_423 = arith.constant 0 : i32
      %dma_start3A_424 = tpu.memref_slice %arg2[%min3A_422] : memref<204800xi32, #tpu.memory_space<hbm>> -> memref<32xi32, #tpu.memory_space<hbm>>
      %dma_start3A_425 = tpu.memref_slice %arg36[%dma_start3A_423] : memref<2x!tpu.dma_semaphore, #tpu.memory_space<semaphore_mem>> -> memref<1x!tpu.dma_semaphore, #tpu.memory_space<semaphore_mem>>
      %dma_start3A_426 = tpu.memref_squeeze %dma_start3A_425 : memref<1x!tpu.dma_semaphore, #tpu.memory_space<semaphore_mem>> -> memref<!tpu.dma_semaphore, #tpu.memory_space<semaphore_mem>>
      %dma_start3A_427 = tpu.memref_slice %arg2[%min3A_422] : memref<204800xi32, #tpu.memory_space<hbm>> -> memref<32xi32, #tpu.memory_space<hbm>>
      tpu.enqueue_dma source(%dma_start3A_427 : memref<32xi32, #tpu.memory_space<hbm>>) target(%arg13 : memref<32xi32, #tpu.memory_space<vmem>>) target_semaphore(%dma_start3A_426 : memref<!tpu.dma_semaphore, #tpu.memory_space<semaphore_mem>>)
      %mul3A_428 = arith.constant 4 : i32
      %mul3A_429 = arith.muli %min3A_422, %mul3A_428 : i32
      %dma_start3A_430 = arith.constant 0 : i32
      %dma_start3A_431 = tpu.memref_slice %arg3[%mul3A_429] : memref<819200xi32, #tpu.memory_space<hbm>> -> memref<128xi32, #tpu.memory_space<hbm>>
      %dma_start3A_432 = tpu.memref_slice %arg36[%dma_start3A_430] : memref<2x!tpu.dma_semaphore, #tpu.memory_space<semaphore_mem>> -> memref<1x!tpu.dma_semaphore, #tpu.memory_space<semaphore_mem>>
      %dma_start3A_433 = tpu.memref_squeeze %dma_start3A_432 : memref<1x!tpu.dma_semaphore, #tpu.memory_space<semaphore_mem>> -> memref<!tpu.dma_semaphore, #tpu.memory_space<semaphore_mem>>
      %dma_start3A_434 = tpu.memref_slice %arg3[%mul3A_429] : memref<819200xi32, #tpu.memory_space<hbm>> -> memref<128xi32, #tpu.memory_space<hbm>>
      tpu.enqueue_dma source(%dma_start3A_434 : memref<128xi32, #tpu.memory_space<hbm>>) target(%arg15 : memref<128xi32, #tpu.memory_space<vmem>>) target_semaphore(%dma_start3A_433 : memref<!tpu.dma_semaphore, #tpu.memory_space<semaphore_mem>>)
      %scan3A_435 = arith.constant 0 : i32
      %scan3A_436 = arith.constant 16 : i32
      %scan3A_437 = arith.addi %scan3A_435, %scan3A_436 : i32
      %scan3A_438 = arith.constant 1 : i32
      scf.for %scan3A_654 = %scan3A_435 to %scan3A_437 step %scan3A_438  : i32 {
        %mul3A_655 = arith.constant 2 : i32
        %mul3A_656 = arith.muli %mul3A_655, %scan3A_654 : i32
        %get3A_657 = arith.index_cast %mul3A_656 : i32 to index
        %get3A_658 = arith.constant 0 : index
        %get3A_659 = tpu.vector_load %arg21[%get3A_657, %get3A_658] {strides = array<i32>} : memref<32x128xf32, #tpu.memory_space<vmem>>, vector<16xf32>,
        %get3A_660 = arith.index_cast %mul3A_656 : i32 to index
        %get3A_661 = arith.constant 0 : index
        %get3A_662 = tpu.vector_load %arg25[%get3A_660, %get3A_661] {strides = array<i32>} : memref<64x128xf32, #tpu.memory_space<vmem>>, vector<16xf32>,
        %add3A_663 = arith.addf %get3A_659, %get3A_662 : vector<16xf32>
        %add3A_664 = arith.constant 32 : i32
        %add3A_665 = arith.addi %add3A_664, %mul3A_656 : i32
        %get3A_666 = arith.index_cast %add3A_665 : i32 to index
        %get3A_667 = arith.constant 0 : index
        %get3A_668 = tpu.vector_load %arg25[%get3A_666, %get3A_667] {strides = array<i32>} : memref<64x128xf32, #tpu.memory_space<vmem>>, vector<16xf32>,
        %get3A_669 = arith.index_cast %mul3A_656 : i32 to index
        %get3A_670 = arith.constant 0 : index
        %get3A_671 = tpu.vector_load %arg27[%get3A_669, %get3A_670] {strides = array<i32>} : memref<64x128xf32, #tpu.memory_space<vmem>>, vector<16xf32>,
        %add3A_672 = arith.addf %get3A_668, %get3A_671 : vector<16xf32>
        %add3A_673 = arith.addf %add3A_663, %add3A_672 : vector<16xf32>
        %add3A_674 = arith.constant 32 : i32
        %add3A_675 = arith.addi %add3A_674, %mul3A_656 : i32
        %get3A_676 = arith.index_cast %add3A_675 : i32 to index
        %get3A_677 = arith.constant 0 : index
        %get3A_678 = tpu.vector_load %arg27[%get3A_676, %get3A_677] {strides = array<i32>} : memref<64x128xf32, #tpu.memory_space<vmem>>, vector<16xf32>,
        %get3A_679 = arith.index_cast %mul3A_656 : i32 to index
        %get3A_680 = arith.constant 0 : index
        %get3A_681 = tpu.vector_load %arg29[%get3A_679, %get3A_680] {strides = array<i32>} : memref<32x128xf32, #tpu.memory_space<vmem>>, vector<16xf32>,
        %add3A_682 = arith.addf %get3A_678, %get3A_681 : vector<16xf32>
        %add3A_683 = arith.addf %add3A_673, %add3A_682 : vector<16xf32>
        %get3A_684 = arith.index_cast %mul3A_656 : i32 to index
        %get3A_685 = arith.constant 0 : index
        %get3A_686 = tpu.vector_load %arg31[%get3A_684, %get3A_685] {strides = array<i32>} : memref<32x128xf32, #tpu.memory_space<vmem>>, vector<16xf32>,
        %add3A_687 = arith.addf %add3A_683, %get3A_686 : vector<16xf32>
        %get3A_688 = arith.index_cast %mul3A_656 : i32 to index
        %get3A_689 = arith.constant 16 : index
        %get3A_690 = tpu.vector_load %arg21[%get3A_688, %get3A_689] {strides = array<i32>} : memref<32x128xf32, #tpu.memory_space<vmem>>, vector<16xf32>,
        %get3A_691 = arith.index_cast %mul3A_656 : i32 to index
        %get3A_692 = arith.constant 16 : index
        %get3A_693 = tpu.vector_load %arg25[%get3A_691, %get3A_692] {strides = array<i32>} : memref<64x128xf32, #tpu.memory_space<vmem>>, vector<16xf32>,
        %add3A_694 = arith.addf %get3A_690, %get3A_693 : vector<16xf32>
        %add3A_695 = arith.constant 32 : i32
        %add3A_696 = arith.addi %add3A_695, %mul3A_656 : i32
        %get3A_697 = arith.index_cast %add3A_696 : i32 to index
        %get3A_698 = arith.constant 16 : index
        %get3A_699 = tpu.vector_load %arg25[%get3A_697, %get3A_698] {strides = array<i32>} : memref<64x128xf32, #tpu.memory_space<vmem>>, vector<16xf32>,
        %get3A_700 = arith.index_cast %mul3A_656 : i32 to index
        %get3A_701 = arith.constant 16 : index
        %get3A_702 = tpu.vector_load %arg27[%get3A_700, %get3A_701] {strides = array<i32>} : memref<64x128xf32, #tpu.memory_space<vmem>>, vector<16xf32>,
        %add3A_703 = arith.addf %get3A_699, %get3A_702 : vector<16xf32>
        %add3A_704 = arith.addf %add3A_694, %add3A_703 : vector<16xf32>
        %add3A_705 = arith.constant 32 : i32
        %add3A_706 = arith.addi %add3A_705, %mul3A_656 : i32
        %get3A_707 = arith.index_cast %add3A_706 : i32 to index
        %get3A_708 = arith.constant 16 : index
        %get3A_709 = tpu.vector_load %arg27[%get3A_707, %get3A_708] {strides = array<i32>} : memref<64x128xf32, #tpu.memory_space<vmem>>, vector<16xf32>,
        %get3A_710 = arith.index_cast %mul3A_656 : i32 to index
        %get3A_711 = arith.constant 16 : index
        %get3A_712 = tpu.vector_load %arg29[%get3A_710, %get3A_711] {strides = array<i32>} : memref<32x128xf32, #tpu.memory_space<vmem>>, vector<16xf32>,
        %add3A_713 = arith.addf %get3A_709, %get3A_712 : vector<16xf32>
        %add3A_714 = arith.addf %add3A_704, %add3A_713 : vector<16xf32>
        %get3A_715 = arith.index_cast %mul3A_656 : i32 to index
        %get3A_716 = arith.constant 16 : index
        %get3A_717 = tpu.vector_load %arg31[%get3A_715, %get3A_716] {strides = array<i32>} : memref<32x128xf32, #tpu.memory_space<vmem>>, vector<16xf32>,
        %add3A_718 = arith.addf %add3A_714, %get3A_717 : vector<16xf32>
        %get3A_719 = arith.index_cast %mul3A_656 : i32 to index
        %get3A_720 = arith.constant 32 : index
        %get3A_721 = tpu.vector_load %arg21[%get3A_719, %get3A_720] {strides = array<i32>} : memref<32x128xf32, #tpu.memory_space<vmem>>, vector<16xf32>,
        %get3A_722 = arith.index_cast %mul3A_656 : i32 to index
        %get3A_723 = arith.constant 32 : index
        %get3A_724 = tpu.vector_load %arg25[%get3A_722, %get3A_723] {strides = array<i32>} : memref<64x128xf32, #tpu.memory_space<vmem>>, vector<16xf32>,
        %add3A_725 = arith.addf %get3A_721, %get3A_724 : vector<16xf32>
        %add3A_726 = arith.constant 32 : i32
        %add3A_727 = arith.addi %add3A_726, %mul3A_656 : i32
        %get3A_728 = arith.index_cast %add3A_727 : i32 to index
        %get3A_729 = arith.constant 32 : index
        %get3A_730 = tpu.vector_load %arg25[%get3A_728, %get3A_729] {strides = array<i32>} : memref<64x128xf32, #tpu.memory_space<vmem>>, vector<16xf32>,
        %get3A_731 = arith.index_cast %mul3A_656 : i32 to index
        %get3A_732 = arith.constant 32 : index
        %get3A_733 = tpu.vector_load %arg27[%get3A_731, %get3A_732] {strides = array<i32>} : memref<64x128xf32, #tpu.memory_space<vmem>>, vector<16xf32>,
        %add3A_734 = arith.addf %get3A_730, %get3A_733 : vector<16xf32>
        %add3A_735 = arith.addf %add3A_725, %add3A_734 : vector<16xf32>
        %add3A_736 = arith.constant 32 : i32
        %add3A_737 = arith.addi %add3A_736, %mul3A_656 : i32
        %get3A_738 = arith.index_cast %add3A_737 : i32 to index
        %get3A_739 = arith.constant 32 : index
        %get3A_740 = tpu.vector_load %arg27[%get3A_738, %get3A_739] {strides = array<i32>} : memref<64x128xf32, #tpu.memory_space<vmem>>, vector<16xf32>,
        %get3A_741 = arith.index_cast %mul3A_656 : i32 to index
        %get3A_742 = arith.constant 32 : index
        %get3A_743 = tpu.vector_load %arg29[%get3A_741, %get3A_742] {strides = array<i32>} : memref<32x128xf32, #tpu.memory_space<vmem>>, vector<16xf32>,
        %add3A_744 = arith.addf %get3A_740, %get3A_743 : vector<16xf32>
        %add3A_745 = arith.addf %add3A_735, %add3A_744 : vector<16xf32>
        %get3A_746 = arith.index_cast %mul3A_656 : i32 to index
        %get3A_747 = arith.constant 32 : index
        %get3A_748 = tpu.vector_load %arg31[%get3A_746, %get3A_747] {strides = array<i32>} : memref<32x128xf32, #tpu.memory_space<vmem>>, vector<16xf32>,
        %add3A_749 = arith.addf %add3A_745, %get3A_748 : vector<16xf32>
        %get3A_750 = arith.index_cast %mul3A_656 : i32 to index
        %get3A_751 = arith.constant 48 : index
        %get3A_752 = tpu.vector_load %arg21[%get3A_750, %get3A_751] {strides = array<i32>} : memref<32x128xf32, #tpu.memory_space<vmem>>, vector<16xf32>,
        %get3A_753 = arith.index_cast %mul3A_656 : i32 to index
        %get3A_754 = arith.constant 48 : index
        %get3A_755 = tpu.vector_load %arg25[%get3A_753, %get3A_754] {strides = array<i32>} : memref<64x128xf32, #tpu.memory_space<vmem>>, vector<16xf32>,
        %add3A_756 = arith.addf %get3A_752, %get3A_755 : vector<16xf32>
        %add3A_757 = arith.constant 32 : i32
        %add3A_758 = arith.addi %add3A_757, %mul3A_656 : i32
        %get3A_759 = arith.index_cast %add3A_758 : i32 to index
        %get3A_760 = arith.constant 48 : index
        %get3A_761 = tpu.vector_load %arg25[%get3A_759, %get3A_760] {strides = array<i32>} : memref<64x128xf32, #tpu.memory_space<vmem>>, vector<16xf32>,
        %get3A_762 = arith.index_cast %mul3A_656 : i32 to index
        %get3A_763 = arith.constant 48 : index
        %get3A_764 = tpu.vector_load %arg27[%get3A_762, %get3A_763] {strides = array<i32>} : memref<64x128xf32, #tpu.memory_space<vmem>>, vector<16xf32>,
        %add3A_765 = arith.addf %get3A_761, %get3A_764 : vector<16xf32>
        %add3A_766 = arith.addf %add3A_756, %add3A_765 : vector<16xf32>
        %add3A_767 = arith.constant 32 : i32
        %add3A_768 = arith.addi %add3A_767, %mul3A_656 : i32
        %get3A_769 = arith.index_cast %add3A_768 : i32 to index
        %get3A_770 = arith.constant 48 : index
        %get3A_771 = tpu.vector_load %arg27[%get3A_769, %get3A_770] {strides = array<i32>} : memref<64x128xf32, #tpu.memory_space<vmem>>, vector<16xf32>,
        %get3A_772 = arith.index_cast %mul3A_656 : i32 to index
        %get3A_773 = arith.constant 48 : index
        %get3A_774 = tpu.vector_load %arg29[%get3A_772, %get3A_773] {strides = array<i32>} : memref<32x128xf32, #tpu.memory_space<vmem>>, vector<16xf32>,
        %add3A_775 = arith.addf %get3A_771, %get3A_774 : vector<16xf32>
        %add3A_776 = arith.addf %add3A_766, %add3A_775 : vector<16xf32>
        %get3A_777 = arith.index_cast %mul3A_656 : i32 to index
        %get3A_778 = arith.constant 48 : index
        %get3A_779 = tpu.vector_load %arg31[%get3A_777, %get3A_778] {strides = array<i32>} : memref<32x128xf32, #tpu.memory_space<vmem>>, vector<16xf32>,
        %add3A_780 = arith.addf %add3A_776, %get3A_779 : vector<16xf32>
        %get3A_781 = arith.index_cast %mul3A_656 : i32 to index
        %get3A_782 = arith.constant 64 : index
        %get3A_783 = tpu.vector_load %arg21[%get3A_781, %get3A_782] {strides = array<i32>} : memref<32x128xf32, #tpu.memory_space<vmem>>, vector<16xf32>,
        %get3A_784 = arith.index_cast %mul3A_656 : i32 to index
        %get3A_785 = arith.constant 64 : index
        %get3A_786 = tpu.vector_load %arg25[%get3A_784, %get3A_785] {strides = array<i32>} : memref<64x128xf32, #tpu.memory_space<vmem>>, vector<16xf32>,
        %add3A_787 = arith.addf %get3A_783, %get3A_786 : vector<16xf32>
        %add3A_788 = arith.constant 32 : i32
        %add3A_789 = arith.addi %add3A_788, %mul3A_656 : i32
        %get3A_790 = arith.index_cast %add3A_789 : i32 to index
        %get3A_791 = arith.constant 64 : index
        %get3A_792 = tpu.vector_load %arg25[%get3A_790, %get3A_791] {strides = array<i32>} : memref<64x128xf32, #tpu.memory_space<vmem>>, vector<16xf32>,
        %get3A_793 = arith.index_cast %mul3A_656 : i32 to index
        %get3A_794 = arith.constant 64 : index
        %get3A_795 = tpu.vector_load %arg27[%get3A_793, %get3A_794] {strides = array<i32>} : memref<64x128xf32, #tpu.memory_space<vmem>>, vector<16xf32>,
        %add3A_796 = arith.addf %get3A_792, %get3A_795 : vector<16xf32>
        %add3A_797 = arith.addf %add3A_787, %add3A_796 : vector<16xf32>
        %add3A_798 = arith.constant 32 : i32
        %add3A_799 = arith.addi %add3A_798, %mul3A_656 : i32
        %get3A_800 = arith.index_cast %add3A_799 : i32 to index
        %get3A_801 = arith.constant 64 : index
        %get3A_802 = tpu.vector_load %arg27[%get3A_800, %get3A_801] {strides = array<i32>} : memref<64x128xf32, #tpu.memory_space<vmem>>, vector<16xf32>,
        %get3A_803 = arith.index_cast %mul3A_656 : i32 to index
        %get3A_804 = arith.constant 64 : index
        %get3A_805 = tpu.vector_load %arg29[%get3A_803, %get3A_804] {strides = array<i32>} : memref<32x128xf32, #tpu.memory_space<vmem>>, vector<16xf32>,
        %add3A_806 = arith.addf %get3A_802, %get3A_805 : vector<16xf32>
        %add3A_807 = arith.addf %add3A_797, %add3A_806 : vector<16xf32>
        %get3A_808 = arith.index_cast %mul3A_656 : i32 to index
        %get3A_809 = arith.constant 64 : index
        %get3A_810 = tpu.vector_load %arg31[%get3A_808, %get3A_809] {strides = array<i32>} : memref<32x128xf32, #tpu.memory_space<vmem>>, vector<16xf32>,
        %add3A_811 = arith.addf %add3A_807, %get3A_810 : vector<16xf32>
        %get3A_812 = arith.index_cast %mul3A_656 : i32 to index
        %get3A_813 = arith.constant 80 : index
        %get3A_814 = tpu.vector_load %arg21[%get3A_812, %get3A_813] {strides = array<i32>} : memref<32x128xf32, #tpu.memory_space<vmem>>, vector<16xf32>,
        %get3A_815 = arith.index_cast %mul3A_656 : i32 to index
        %get3A_816 = arith.constant 80 : index
        %get3A_817 = tpu.vector_load %arg25[%get3A_815, %get3A_816] {strides = array<i32>} : memref<64x128xf32, #tpu.memory_space<vmem>>, vector<16xf32>,
        %add3A_818 = arith.addf %get3A_814, %get3A_817 : vector<16xf32>
        %add3A_819 = arith.constant 32 : i32
        %add3A_820 = arith.addi %add3A_819, %mul3A_656 : i32
        %get3A_821 = arith.index_cast %add3A_820 : i32 to index
        %get3A_822 = arith.constant 80 : index
        %get3A_823 = tpu.vector_load %arg25[%get3A_821, %get3A_822] {strides = array<i32>} : memref<64x128xf32, #tpu.memory_space<vmem>>, vector<16xf32>,
        %get3A_824 = arith.index_cast %mul3A_656 : i32 to index
        %get3A_825 = arith.constant 80 : index
        %get3A_826 = tpu.vector_load %arg27[%get3A_824, %get3A_825] {strides = array<i32>} : memref<64x128xf32, #tpu.memory_space<vmem>>, vector<16xf32>,
        %add3A_827 = arith.addf %get3A_823, %get3A_826 : vector<16xf32>
        %add3A_828 = arith.addf %add3A_818, %add3A_827 : vector<16xf32>
        %add3A_829 = arith.constant 32 : i32
        %add3A_830 = arith.addi %add3A_829, %mul3A_656 : i32
        %get3A_831 = arith.index_cast %add3A_830 : i32 to index
        %get3A_832 = arith.constant 80 : index
        %get3A_833 = tpu.vector_load %arg27[%get3A_831, %get3A_832] {strides = array<i32>} : memref<64x128xf32, #tpu.memory_space<vmem>>, vector<16xf32>,
        %get3A_834 = arith.index_cast %mul3A_656 : i32 to index
        %get3A_835 = arith.constant 80 : index
        %get3A_836 = tpu.vector_load %arg29[%get3A_834, %get3A_835] {strides = array<i32>} : memref<32x128xf32, #tpu.memory_space<vmem>>, vector<16xf32>,
        %add3A_837 = arith.addf %get3A_833, %get3A_836 : vector<16xf32>
        %add3A_838 = arith.addf %add3A_828, %add3A_837 : vector<16xf32>
        %get3A_839 = arith.index_cast %mul3A_656 : i32 to index
        %get3A_840 = arith.constant 80 : index
        %get3A_841 = tpu.vector_load %arg31[%get3A_839, %get3A_840] {strides = array<i32>} : memref<32x128xf32, #tpu.memory_space<vmem>>, vector<16xf32>,
        %add3A_842 = arith.addf %add3A_838, %get3A_841 : vector<16xf32>
        %get3A_843 = arith.index_cast %mul3A_656 : i32 to index
        %get3A_844 = arith.constant 96 : index
        %get3A_845 = tpu.vector_load %arg21[%get3A_843, %get3A_844] {strides = array<i32>} : memref<32x128xf32, #tpu.memory_space<vmem>>, vector<16xf32>,
        %get3A_846 = arith.index_cast %mul3A_656 : i32 to index
        %get3A_847 = arith.constant 96 : index
        %get3A_848 = tpu.vector_load %arg25[%get3A_846, %get3A_847] {strides = array<i32>} : memref<64x128xf32, #tpu.memory_space<vmem>>, vector<16xf32>,
        %add3A_849 = arith.addf %get3A_845, %get3A_848 : vector<16xf32>
        %add3A_850 = arith.constant 32 : i32
        %add3A_851 = arith.addi %add3A_850, %mul3A_656 : i32
        %get3A_852 = arith.index_cast %add3A_851 : i32 to index
        %get3A_853 = arith.constant 96 : index
        %get3A_854 = tpu.vector_load %arg25[%get3A_852, %get3A_853] {strides = array<i32>} : memref<64x128xf32, #tpu.memory_space<vmem>>, vector<16xf32>,
        %get3A_855 = arith.index_cast %mul3A_656 : i32 to index
        %get3A_856 = arith.constant 96 : index
        %get3A_857 = tpu.vector_load %arg27[%get3A_855, %get3A_856] {strides = array<i32>} : memref<64x128xf32, #tpu.memory_space<vmem>>, vector<16xf32>,
        %add3A_858 = arith.addf %get3A_854, %get3A_857 : vector<16xf32>
        %add3A_859 = arith.addf %add3A_849, %add3A_858 : vector<16xf32>
        %add3A_860 = arith.constant 32 : i32
        %add3A_861 = arith.addi %add3A_860, %mul3A_656 : i32
        %get3A_862 = arith.index_cast %add3A_861 : i32 to index
        %get3A_863 = arith.constant 96 : index
        %get3A_864 = tpu.vector_load %arg27[%get3A_862, %get3A_863] {strides = array<i32>} : memref<64x128xf32, #tpu.memory_space<vmem>>, vector<16xf32>,
        %get3A_865 = arith.index_cast %mul3A_656 : i32 to index
        %get3A_866 = arith.constant 96 : index
        %get3A_867 = tpu.vector_load %arg29[%get3A_865, %get3A_866] {strides = array<i32>} : memref<32x128xf32, #tpu.memory_space<vmem>>, vector<16xf32>,
        %add3A_868 = arith.addf %get3A_864, %get3A_867 : vector<16xf32>
        %add3A_869 = arith.addf %add3A_859, %add3A_868 : vector<16xf32>
        %get3A_870 = arith.index_cast %mul3A_656 : i32 to index
        %get3A_871 = arith.constant 96 : index
        %get3A_872 = tpu.vector_load %arg31[%get3A_870, %get3A_871] {strides = array<i32>} : memref<32x128xf32, #tpu.memory_space<vmem>>, vector<16xf32>,
        %add3A_873 = arith.addf %add3A_869, %get3A_872 : vector<16xf32>
        %get3A_874 = arith.index_cast %mul3A_656 : i32 to index
        %get3A_875 = arith.constant 112 : index
        %get3A_876 = tpu.vector_load %arg21[%get3A_874, %get3A_875] {strides = array<i32>} : memref<32x128xf32, #tpu.memory_space<vmem>>, vector<16xf32>,
        %get3A_877 = arith.index_cast %mul3A_656 : i32 to index
        %get3A_878 = arith.constant 112 : index
        %get3A_879 = tpu.vector_load %arg25[%get3A_877, %get3A_878] {strides = array<i32>} : memref<64x128xf32, #tpu.memory_space<vmem>>, vector<16xf32>,
        %add3A_880 = arith.addf %get3A_876, %get3A_879 : vector<16xf32>
        %add3A_881 = arith.constant 32 : i32
        %add3A_882 = arith.addi %add3A_881, %mul3A_656 : i32
        %get3A_883 = arith.index_cast %add3A_882 : i32 to index
        %get3A_884 = arith.constant 112 : index
        %get3A_885 = tpu.vector_load %arg25[%get3A_883, %get3A_884] {strides = array<i32>} : memref<64x128xf32, #tpu.memory_space<vmem>>, vector<16xf32>,
        %get3A_886 = arith.index_cast %mul3A_656 : i32 to index
        %get3A_887 = arith.constant 112 : index
        %get3A_888 = tpu.vector_load %arg27[%get3A_886, %get3A_887] {strides = array<i32>} : memref<64x128xf32, #tpu.memory_space<vmem>>, vector<16xf32>,
        %add3A_889 = arith.addf %get3A_885, %get3A_888 : vector<16xf32>
        %add3A_890 = arith.addf %add3A_880, %add3A_889 : vector<16xf32>
        %add3A_891 = arith.constant 32 : i32
        %add3A_892 = arith.addi %add3A_891, %mul3A_656 : i32
        %get3A_893 = arith.index_cast %add3A_892 : i32 to index
        %get3A_894 = arith.constant 112 : index
        %get3A_895 = tpu.vector_load %arg27[%get3A_893, %get3A_894] {strides = array<i32>} : memref<64x128xf32, #tpu.memory_space<vmem>>, vector<16xf32>,
        %get3A_896 = arith.index_cast %mul3A_656 : i32 to index
        %get3A_897 = arith.constant 112 : index
        %get3A_898 = tpu.vector_load %arg29[%get3A_896, %get3A_897] {strides = array<i32>} : memref<32x128xf32, #tpu.memory_space<vmem>>, vector<16xf32>,
        %add3A_899 = arith.addf %get3A_895, %get3A_898 : vector<16xf32>
        %add3A_900 = arith.addf %add3A_890, %add3A_899 : vector<16xf32>
        %get3A_901 = arith.index_cast %mul3A_656 : i32 to index
        %get3A_902 = arith.constant 112 : index
        %get3A_903 = tpu.vector_load %arg31[%get3A_901, %get3A_902] {strides = array<i32>} : memref<32x128xf32, #tpu.memory_space<vmem>>, vector<16xf32>,
        %add3A_904 = arith.addf %add3A_900, %get3A_903 : vector<16xf32>
        %get3A_905 = arith.index_cast %mul3A_656 : i32 to index
        %get3A_906 = arith.constant 0 : index
        %get3A_907 = tpu.vector_load %arg23[%get3A_905, %get3A_906] {strides = array<i32>} : memref<32x64xi32, #tpu.memory_space<vmem>>, vector<16xi32>,
        %shift_left3A = arith.constant 16 : i32
        %shift_left3A_908 = vector.broadcast %shift_left3A : i32 to vector<16xi32>
        %shift_left3A_909 = arith.shli %get3A_907, %shift_left3A_908 : vector<16xi32>
        %bitcast_convert_type3A = tpu.bitcast %shift_left3A_909 : vector<16xi32> -> vector<16xf32>
        %and3A = vector.broadcast %scan3A : i32 to vector<16xi32>
        %and3A_910 = arith.andi %get3A_907, %and3A : vector<16xi32>
        %bitcast_convert_type3A_911 = tpu.bitcast %and3A_910 : vector<16xi32> -> vector<16xf32>
        %add3A_912 = arith.addf %add3A_687, %bitcast_convert_type3A : vector<16xf32>
        %add3A_913 = arith.addf %add3A_718, %bitcast_convert_type3A_911 : vector<16xf32>
        %get3A_914 = arith.index_cast %mul3A_656 : i32 to index
        %get3A_915 = arith.constant 16 : index
        %get3A_916 = tpu.vector_load %arg23[%get3A_914, %get3A_915] {strides = array<i32>} : memref<32x64xi32, #tpu.memory_space<vmem>>, vector<16xi32>,
        %shift_left3A_917 = arith.constant 16 : i32
        %shift_left3A_918 = vector.broadcast %shift_left3A_917 : i32 to vector<16xi32>
        %shift_left3A_919 = arith.shli %get3A_916, %shift_left3A_918 : vector<16xi32>
        %bitcast_convert_type3A_920 = tpu.bitcast %shift_left3A_919 : vector<16xi32> -> vector<16xf32>
        %and3A_921 = vector.broadcast %scan3A : i32 to vector<16xi32>
        %and3A_922 = arith.andi %get3A_916, %and3A_921 : vector<16xi32>
        %bitcast_convert_type3A_923 = tpu.bitcast %and3A_922 : vector<16xi32> -> vector<16xf32>
        %add3A_924 = arith.addf %add3A_749, %bitcast_convert_type3A_920 : vector<16xf32>
        %add3A_925 = arith.addf %add3A_780, %bitcast_convert_type3A_923 : vector<16xf32>
        %get3A_926 = arith.index_cast %mul3A_656 : i32 to index
        %get3A_927 = arith.constant 32 : index
        %get3A_928 = tpu.vector_load %arg23[%get3A_926, %get3A_927] {strides = array<i32>} : memref<32x64xi32, #tpu.memory_space<vmem>>, vector<16xi32>,
        %shift_left3A_929 = arith.constant 16 : i32
        %shift_left3A_930 = vector.broadcast %shift_left3A_929 : i32 to vector<16xi32>
        %shift_left3A_931 = arith.shli %get3A_928, %shift_left3A_930 : vector<16xi32>
        %bitcast_convert_type3A_932 = tpu.bitcast %shift_left3A_931 : vector<16xi32> -> vector<16xf32>
        %and3A_933 = vector.broadcast %scan3A : i32 to vector<16xi32>
        %and3A_934 = arith.andi %get3A_928, %and3A_933 : vector<16xi32>
        %bitcast_convert_type3A_935 = tpu.bitcast %and3A_934 : vector<16xi32> -> vector<16xf32>
        %add3A_936 = arith.addf %add3A_811, %bitcast_convert_type3A_932 : vector<16xf32>
        %add3A_937 = arith.addf %add3A_842, %bitcast_convert_type3A_935 : vector<16xf32>
        %get3A_938 = arith.index_cast %mul3A_656 : i32 to index
        %get3A_939 = arith.constant 48 : index
        %get3A_940 = tpu.vector_load %arg23[%get3A_938, %get3A_939] {strides = array<i32>} : memref<32x64xi32, #tpu.memory_space<vmem>>, vector<16xi32>,
        %shift_left3A_941 = arith.constant 16 : i32
        %shift_left3A_942 = vector.broadcast %shift_left3A_941 : i32 to vector<16xi32>
        %shift_left3A_943 = arith.shli %get3A_940, %shift_left3A_942 : vector<16xi32>
        %bitcast_convert_type3A_944 = tpu.bitcast %shift_left3A_943 : vector<16xi32> -> vector<16xf32>
        %and3A_945 = vector.broadcast %scan3A : i32 to vector<16xi32>
        %and3A_946 = arith.andi %get3A_940, %and3A_945 : vector<16xi32>
        %bitcast_convert_type3A_947 = tpu.bitcast %and3A_946 : vector<16xi32> -> vector<16xf32>
        %add3A_948 = arith.addf %add3A_873, %bitcast_convert_type3A_944 : vector<16xf32>
        %add3A_949 = arith.addf %add3A_904, %bitcast_convert_type3A_947 : vector<16xf32>
        %add3A_950 = arith.addf %add3A_912, %add3A_913 : vector<16xf32>
        %add3A_951 = arith.addf %add3A_924, %add3A_925 : vector<16xf32>
        %add3A_952 = arith.addf %add3A_950, %add3A_951 : vector<16xf32>
        %add3A_953 = arith.addf %add3A_936, %add3A_937 : vector<16xf32>
        %add3A_954 = arith.addf %add3A_948, %add3A_949 : vector<16xf32>
        %add3A_955 = arith.addf %add3A_953, %add3A_954 : vector<16xf32>
        %add3A_956 = arith.addf %add3A_952, %add3A_955 : vector<16xf32>
        %mul3A_957 = arith.mulf %add3A_912, %add3A_912 : vector<16xf32>
        %mul3A_958 = arith.mulf %add3A_913, %add3A_913 : vector<16xf32>
        %mul3A_959 = arith.mulf %add3A_924, %add3A_924 : vector<16xf32>
        %mul3A_960 = arith.mulf %add3A_925, %add3A_925 : vector<16xf32>
        %mul3A_961 = arith.mulf %add3A_936, %add3A_936 : vector<16xf32>
        %mul3A_962 = arith.mulf %add3A_937, %add3A_937 : vector<16xf32>
        %mul3A_963 = arith.mulf %add3A_948, %add3A_948 : vector<16xf32>
        %mul3A_964 = arith.mulf %add3A_949, %add3A_949 : vector<16xf32>
        %add3A_965 = arith.addf %mul3A_957, %mul3A_958 : vector<16xf32>
        %add3A_966 = arith.addf %mul3A_959, %mul3A_960 : vector<16xf32>
        %add3A_967 = arith.addf %add3A_965, %add3A_966 : vector<16xf32>
        %add3A_968 = arith.addf %mul3A_961, %mul3A_962 : vector<16xf32>
        %add3A_969 = arith.addf %mul3A_963, %mul3A_964 : vector<16xf32>
        %add3A_970 = arith.addf %add3A_968, %add3A_969 : vector<16xf32>
        %add3A_971 = arith.addf %add3A_967, %add3A_970 : vector<16xf32>
        %reduce_sum3A = arith.constant true
        %reduce_sum3A_972 = vector.broadcast %reduce_sum3A : i1 to vector<16xi1>
        %reduce_sum3A_973 = tpu.scan <sum>, %add3A_956 masked %reduce_sum3A_972 : vector<16xf32>, vector<16xi1> -> vector<16xf32>
        %reduce_sum3A_974 = vector.extract %reduce_sum3A_973[15] : f32 from vector<16xf32>
        %mul3A_975 = arith.constant 7.812500e-03 : f32
        %mul3A_976 = arith.mulf %reduce_sum3A_974, %mul3A_975 : f32
        %reduce_sum3A_977 = arith.constant true
        %reduce_sum3A_978 = vector.broadcast %reduce_sum3A_977 : i1 to vector<16xi1>
        %reduce_sum3A_979 = tpu.scan <sum>, %add3A_971 masked %reduce_sum3A_978 : vector<16xf32>, vector<16xi1> -> vector<16xf32>
        %reduce_sum3A_980 = vector.extract %reduce_sum3A_979[15] : f32 from vector<16xf32>
        %mul3A_981 = arith.constant 7.812500e-03 : f32
        %mul3A_982 = arith.mulf %reduce_sum3A_980, %mul3A_981 : f32
        %mul3A_983 = arith.mulf %mul3A_976, %mul3A_976 : f32
        %sub3A_984 = arith.subf %mul3A_982, %mul3A_983 : f32
        %add3A_985 = arith.constant 9.99999997E-7 : f32
        %add3A_986 = arith.addf %sub3A_984, %add3A_985 : f32
        %bitcast_convert_type3A_987 = arith.bitcast %add3A_986 : f32 to i32
        %shift_right_logical3A = arith.constant 1 : i32
        %shift_right_logical3A_988 = arith.shrui %bitcast_convert_type3A_987, %shift_right_logical3A : i32
        %sub3A_989 = arith.constant 1597463007 : i32
        %sub3A_990 = arith.subi %sub3A_989, %shift_right_logical3A_988 : i32
        %bitcast_convert_type3A_991 = arith.bitcast %sub3A_990 : i32 to f32
        %mul3A_992 = arith.constant 5.000000e-01 : f32
        %mul3A_993 = arith.mulf %mul3A_992, %add3A_986 : f32
        %mul3A_994 = arith.mulf %mul3A_993, %bitcast_convert_type3A_991 : f32
        %mul3A_995 = arith.mulf %mul3A_994, %bitcast_convert_type3A_991 : f32
        %sub3A_996 = arith.constant 1.500000e+00 : f32
        %sub3A_997 = arith.subf %sub3A_996, %mul3A_995 : f32
        %mul3A_998 = arith.mulf %bitcast_convert_type3A_991, %sub3A_997 : f32
        %mul3A_999 = arith.constant 5.000000e-01 : f32
        %mul3A_1000 = arith.mulf %mul3A_999, %add3A_986 : f32
        %mul3A_1001 = arith.mulf %mul3A_1000, %mul3A_998 : f32
        %mul3A_1002 = arith.mulf %mul3A_1001, %mul3A_998 : f32
        %sub3A_1003 = arith.constant 1.500000e+00 : f32
        %sub3A_1004 = arith.subf %sub3A_1003, %mul3A_1002 : f32
        %mul3A_1005 = arith.mulf %mul3A_998, %sub3A_1004 : f32
        %mul3A_1006 = arith.constant 5.000000e-01 : f32
        %mul3A_1007 = arith.mulf %mul3A_1006, %add3A_986 : f32
        %mul3A_1008 = arith.mulf %mul3A_1007, %mul3A_1005 : f32
        %mul3A_1009 = arith.mulf %mul3A_1008, %mul3A_1005 : f32
        %sub3A_1010 = arith.constant 1.500000e+00 : f32
        %sub3A_1011 = arith.subf %sub3A_1010, %mul3A_1009 : f32
        %mul3A_1012 = arith.mulf %mul3A_1005, %sub3A_1011 : f32
        %sub3A_1013 = vector.broadcast %mul3A_976 : f32 to vector<16xf32>
        %sub3A_1014 = arith.subf %add3A_912, %sub3A_1013 : vector<16xf32>
        %mul3A_1015 = vector.broadcast %mul3A_1012 : f32 to vector<16xf32>
        %mul3A_1016 = arith.mulf %sub3A_1014, %mul3A_1015 : vector<16xf32>
        %mul3A_1017 = arith.mulf %mul3A_1016, %get3A_148 : vector<16xf32>
        %add3A_1018 = arith.addf %mul3A_1017, %get3A_164 : vector<16xf32>
        %swap3A_1019 = arith.index_cast %mul3A_656 : i32 to index
        %swap3A_1020 = arith.constant 0 : index
        %swap3A_1021 = tpu.vector_load %arg21[%swap3A_1019, %swap3A_1020] {strides = array<i32>} : memref<32x128xf32, #tpu.memory_space<vmem>>, vector<16xf32>,
        tpu.vector_store %arg21[%swap3A_1019, %swap3A_1020], %add3A_1018 {strides = array<i32>} : memref<32x128xf32, #tpu.memory_space<vmem>>, vector<16xf32>,
        %sub3A_1022 = vector.broadcast %mul3A_976 : f32 to vector<16xf32>
        %sub3A_1023 = arith.subf %add3A_913, %sub3A_1022 : vector<16xf32>
        %mul3A_1024 = vector.broadcast %mul3A_1012 : f32 to vector<16xf32>
        %mul3A_1025 = arith.mulf %sub3A_1023, %mul3A_1024 : vector<16xf32>
        %mul3A_1026 = arith.mulf %mul3A_1025, %get3A_150 : vector<16xf32>
        %add3A_1027 = arith.addf %mul3A_1026, %get3A_166 : vector<16xf32>
        %swap3A_1028 = arith.index_cast %mul3A_656 : i32 to index
        %swap3A_1029 = arith.constant 16 : index
        %swap3A_1030 = tpu.vector_load %arg21[%swap3A_1028, %swap3A_1029] {strides = array<i32>} : memref<32x128xf32, #tpu.memory_space<vmem>>, vector<16xf32>,
        tpu.vector_store %arg21[%swap3A_1028, %swap3A_1029], %add3A_1027 {strides = array<i32>} : memref<32x128xf32, #tpu.memory_space<vmem>>, vector<16xf32>,
        %sub3A_1031 = vector.broadcast %mul3A_976 : f32 to vector<16xf32>
        %sub3A_1032 = arith.subf %add3A_924, %sub3A_1031 : vector<16xf32>
        %mul3A_1033 = vector.broadcast %mul3A_1012 : f32 to vector<16xf32>
        %mul3A_1034 = arith.mulf %sub3A_1032, %mul3A_1033 : vector<16xf32>
        %mul3A_1035 = arith.mulf %mul3A_1034, %get3A_152 : vector<16xf32>
        %add3A_1036 = arith.addf %mul3A_1035, %get3A_168 : vector<16xf32>
        %swap3A_1037 = arith.index_cast %mul3A_656 : i32 to index
        %swap3A_1038 = arith.constant 32 : index
        %swap3A_1039 = tpu.vector_load %arg21[%swap3A_1037, %swap3A_1038] {strides = array<i32>} : memref<32x128xf32, #tpu.memory_space<vmem>>, vector<16xf32>,
        tpu.vector_store %arg21[%swap3A_1037, %swap3A_1038], %add3A_1036 {strides = array<i32>} : memref<32x128xf32, #tpu.memory_space<vmem>>, vector<16xf32>,
        %sub3A_1040 = vector.broadcast %mul3A_976 : f32 to vector<16xf32>
        %sub3A_1041 = arith.subf %add3A_925, %sub3A_1040 : vector<16xf32>
        %mul3A_1042 = vector.broadcast %mul3A_1012 : f32 to vector<16xf32>
        %mul3A_1043 = arith.mulf %sub3A_1041, %mul3A_1042 : vector<16xf32>
        %mul3A_1044 = arith.mulf %mul3A_1043, %get3A_154 : vector<16xf32>
        %add3A_1045 = arith.addf %mul3A_1044, %get3A_170 : vector<16xf32>
        %swap3A_1046 = arith.index_cast %mul3A_656 : i32 to index
        %swap3A_1047 = arith.constant 48 : index
        %swap3A_1048 = tpu.vector_load %arg21[%swap3A_1046, %swap3A_1047] {strides = array<i32>} : memref<32x128xf32, #tpu.memory_space<vmem>>, vector<16xf32>,
        tpu.vector_store %arg21[%swap3A_1046, %swap3A_1047], %add3A_1045 {strides = array<i32>} : memref<32x128xf32, #tpu.memory_space<vmem>>, vector<16xf32>,
        %sub3A_1049 = vector.broadcast %mul3A_976 : f32 to vector<16xf32>
        %sub3A_1050 = arith.subf %add3A_936, %sub3A_1049 : vector<16xf32>
        %mul3A_1051 = vector.broadcast %mul3A_1012 : f32 to vector<16xf32>
        %mul3A_1052 = arith.mulf %sub3A_1050, %mul3A_1051 : vector<16xf32>
        %mul3A_1053 = arith.mulf %mul3A_1052, %get3A_156 : vector<16xf32>
        %add3A_1054 = arith.addf %mul3A_1053, %get3A_172 : vector<16xf32>
        %swap3A_1055 = arith.index_cast %mul3A_656 : i32 to index
        %swap3A_1056 = arith.constant 64 : index
        %swap3A_1057 = tpu.vector_load %arg21[%swap3A_1055, %swap3A_1056] {strides = array<i32>} : memref<32x128xf32, #tpu.memory_space<vmem>>, vector<16xf32>,
        tpu.vector_store %arg21[%swap3A_1055, %swap3A_1056], %add3A_1054 {strides = array<i32>} : memref<32x128xf32, #tpu.memory_space<vmem>>, vector<16xf32>,
        %sub3A_1058 = vector.broadcast %mul3A_976 : f32 to vector<16xf32>
        %sub3A_1059 = arith.subf %add3A_937, %sub3A_1058 : vector<16xf32>
        %mul3A_1060 = vector.broadcast %mul3A_1012 : f32 to vector<16xf32>
        %mul3A_1061 = arith.mulf %sub3A_1059, %mul3A_1060 : vector<16xf32>
        %mul3A_1062 = arith.mulf %mul3A_1061, %get3A_158 : vector<16xf32>
        %add3A_1063 = arith.addf %mul3A_1062, %get3A_174 : vector<16xf32>
        %swap3A_1064 = arith.index_cast %mul3A_656 : i32 to index
        %swap3A_1065 = arith.constant 80 : index
        %swap3A_1066 = tpu.vector_load %arg21[%swap3A_1064, %swap3A_1065] {strides = array<i32>} : memref<32x128xf32, #tpu.memory_space<vmem>>, vector<16xf32>,
        tpu.vector_store %arg21[%swap3A_1064, %swap3A_1065], %add3A_1063 {strides = array<i32>} : memref<32x128xf32, #tpu.memory_space<vmem>>, vector<16xf32>,
        %sub3A_1067 = vector.broadcast %mul3A_976 : f32 to vector<16xf32>
        %sub3A_1068 = arith.subf %add3A_948, %sub3A_1067 : vector<16xf32>
        %mul3A_1069 = vector.broadcast %mul3A_1012 : f32 to vector<16xf32>
        %mul3A_1070 = arith.mulf %sub3A_1068, %mul3A_1069 : vector<16xf32>
        %mul3A_1071 = arith.mulf %mul3A_1070, %get3A_160 : vector<16xf32>
        %add3A_1072 = arith.addf %mul3A_1071, %get3A_176 : vector<16xf32>
        %swap3A_1073 = arith.index_cast %mul3A_656 : i32 to index
        %swap3A_1074 = arith.constant 96 : index
        %swap3A_1075 = tpu.vector_load %arg21[%swap3A_1073, %swap3A_1074] {strides = array<i32>} : memref<32x128xf32, #tpu.memory_space<vmem>>, vector<16xf32>,
        tpu.vector_store %arg21[%swap3A_1073, %swap3A_1074], %add3A_1072 {strides = array<i32>} : memref<32x128xf32, #tpu.memory_space<vmem>>, vector<16xf32>,
        %sub3A_1076 = vector.broadcast %mul3A_976 : f32 to vector<16xf32>
        %sub3A_1077 = arith.subf %add3A_949, %sub3A_1076 : vector<16xf32>
        %mul3A_1078 = vector.broadcast %mul3A_1012 : f32 to vector<16xf32>
        %mul3A_1079 = arith.mulf %sub3A_1077, %mul3A_1078 : vector<16xf32>
        %mul3A_1080 = arith.mulf %mul3A_1079, %get3A_162 : vector<16xf32>
        %add3A_1081 = arith.addf %mul3A_1080, %get3A_178 : vector<16xf32>
        %swap3A_1082 = arith.index_cast %mul3A_656 : i32 to index
        %swap3A_1083 = arith.constant 112 : index
        %swap3A_1084 = tpu.vector_load %arg21[%swap3A_1082, %swap3A_1083] {strides = array<i32>} : memref<32x128xf32, #tpu.memory_space<vmem>>, vector<16xf32>,
        tpu.vector_store %arg21[%swap3A_1082, %swap3A_1083], %add3A_1081 {strides = array<i32>} : memref<32x128xf32, #tpu.memory_space<vmem>>, vector<16xf32>,
        %mul3A_1085 = arith.constant 2 : i32
        %mul3A_1086 = arith.muli %mul3A_1085, %scan3A_654 : i32
        %add3A_1087 = arith.constant 1 : i32
        %add3A_1088 = arith.addi %mul3A_1086, %add3A_1087 : i32
        %get3A_1089 = arith.index_cast %add3A_1088 : i32 to index
        %get3A_1090 = arith.constant 0 : index
        %get3A_1091 = tpu.vector_load %arg21[%get3A_1089, %get3A_1090] {strides = array<i32>} : memref<32x128xf32, #tpu.memory_space<vmem>>, vector<16xf32>,
        %get3A_1092 = arith.index_cast %add3A_1088 : i32 to index
        %get3A_1093 = arith.constant 0 : index
        %get3A_1094 = tpu.vector_load %arg25[%get3A_1092, %get3A_1093] {strides = array<i32>} : memref<64x128xf32, #tpu.memory_space<vmem>>, vector<16xf32>,
        %add3A_1095 = arith.addf %get3A_1091, %get3A_1094 : vector<16xf32>
        %add3A_1096 = arith.constant 32 : i32
        %add3A_1097 = arith.addi %add3A_1096, %add3A_1088 : i32
        %get3A_1098 = arith.index_cast %add3A_1097 : i32 to index
        %get3A_1099 = arith.constant 0 : index
        %get3A_1100 = tpu.vector_load %arg25[%get3A_1098, %get3A_1099] {strides = array<i32>} : memref<64x128xf32, #tpu.memory_space<vmem>>, vector<16xf32>,
        %get3A_1101 = arith.index_cast %add3A_1088 : i32 to index
        %get3A_1102 = arith.constant 0 : index
        %get3A_1103 = tpu.vector_load %arg27[%get3A_1101, %get3A_1102] {strides = array<i32>} : memref<64x128xf32, #tpu.memory_space<vmem>>, vector<16xf32>,
        %add3A_1104 = arith.addf %get3A_1100, %get3A_1103 : vector<16xf32>
        %add3A_1105 = arith.addf %add3A_1095, %add3A_1104 : vector<16xf32>
        %add3A_1106 = arith.constant 32 : i32
        %add3A_1107 = arith.addi %add3A_1106, %add3A_1088 : i32
        %get3A_1108 = arith.index_cast %add3A_1107 : i32 to index
        %get3A_1109 = arith.constant 0 : index
        %get3A_1110 = tpu.vector_load %arg27[%get3A_1108, %get3A_1109] {strides = array<i32>} : memref<64x128xf32, #tpu.memory_space<vmem>>, vector<16xf32>,
        %get3A_1111 = arith.index_cast %add3A_1088 : i32 to index
        %get3A_1112 = arith.constant 0 : index
        %get3A_1113 = tpu.vector_load %arg29[%get3A_1111, %get3A_1112] {strides = array<i32>} : memref<32x128xf32, #tpu.memory_space<vmem>>, vector<16xf32>,
        %add3A_1114 = arith.addf %get3A_1110, %get3A_1113 : vector<16xf32>
        %add3A_1115 = arith.addf %add3A_1105, %add3A_1114 : vector<16xf32>
        %get3A_1116 = arith.index_cast %add3A_1088 : i32 to index
        %get3A_1117 = arith.constant 0 : index
        %get3A_1118 = tpu.vector_load %arg31[%get3A_1116, %get3A_1117] {strides = array<i32>} : memref<32x128xf32, #tpu.memory_space<vmem>>, vector<16xf32>,
        %add3A_1119 = arith.addf %add3A_1115, %get3A_1118 : vector<16xf32>
        %get3A_1120 = arith.index_cast %add3A_1088 : i32 to index
        %get3A_1121 = arith.constant 16 : index
        %get3A_1122 = tpu.vector_load %arg21[%get3A_1120, %get3A_1121] {strides = array<i32>} : memref<32x128xf32, #tpu.memory_space<vmem>>, vector<16xf32>,
        %get3A_1123 = arith.index_cast %add3A_1088 : i32 to index
        %get3A_1124 = arith.constant 16 : index
        %get3A_1125 = tpu.vector_load %arg25[%get3A_1123, %get3A_1124] {strides = array<i32>} : memref<64x128xf32, #tpu.memory_space<vmem>>, vector<16xf32>,
        %add3A_1126 = arith.addf %get3A_1122, %get3A_1125 : vector<16xf32>
        %add3A_1127 = arith.constant 32 : i32
        %add3A_1128 = arith.addi %add3A_1127, %add3A_1088 : i32
        %get3A_1129 = arith.index_cast %add3A_1128 : i32 to index
        %get3A_1130 = arith.constant 16 : index
        %get3A_1131 = tpu.vector_load %arg25[%get3A_1129, %get3A_1130] {strides = array<i32>} : memref<64x128xf32, #tpu.memory_space<vmem>>, vector<16xf32>,
        %get3A_1132 = arith.index_cast %add3A_1088 : i32 to index
        %get3A_1133 = arith.constant 16 : index
        %get3A_1134 = tpu.vector_load %arg27[%get3A_1132, %get3A_1133] {strides = array<i32>} : memref<64x128xf32, #tpu.memory_space<vmem>>, vector<16xf32>,
        %add3A_1135 = arith.addf %get3A_1131, %get3A_1134 : vector<16xf32>
        %add3A_1136 = arith.addf %add3A_1126, %add3A_1135 : vector<16xf32>
        %add3A_1137 = arith.constant 32 : i32
        %add3A_1138 = arith.addi %add3A_1137, %add3A_1088 : i32
        %get3A_1139 = arith.index_cast %add3A_1138 : i32 to index
        %get3A_1140 = arith.constant 16 : index
        %get3A_1141 = tpu.vector_load %arg27[%get3A_1139, %get3A_1140] {strides = array<i32>} : memref<64x128xf32, #tpu.memory_space<vmem>>, vector<16xf32>,
        %get3A_1142 = arith.index_cast %add3A_1088 : i32 to index
        %get3A_1143 = arith.constant 16 : index
        %get3A_1144 = tpu.vector_load %arg29[%get3A_1142, %get3A_1143] {strides = array<i32>} : memref<32x128xf32, #tpu.memory_space<vmem>>, vector<16xf32>,
        %add3A_1145 = arith.addf %get3A_1141, %get3A_1144 : vector<16xf32>
        %add3A_1146 = arith.addf %add3A_1136, %add3A_1145 : vector<16xf32>
        %get3A_1147 = arith.index_cast %add3A_1088 : i32 to index
        %get3A_1148 = arith.constant 16 : index
        %get3A_1149 = tpu.vector_load %arg31[%get3A_1147, %get3A_1148] {strides = array<i32>} : memref<32x128xf32, #tpu.memory_space<vmem>>, vector<16xf32>,
        %add3A_1150 = arith.addf %add3A_1146, %get3A_1149 : vector<16xf32>
        %get3A_1151 = arith.index_cast %add3A_1088 : i32 to index
        %get3A_1152 = arith.constant 32 : index
        %get3A_1153 = tpu.vector_load %arg21[%get3A_1151, %get3A_1152] {strides = array<i32>} : memref<32x128xf32, #tpu.memory_space<vmem>>, vector<16xf32>,
        %get3A_1154 = arith.index_cast %add3A_1088 : i32 to index
        %get3A_1155 = arith.constant 32 : index
        %get3A_1156 = tpu.vector_load %arg25[%get3A_1154, %get3A_1155] {strides = array<i32>} : memref<64x128xf32, #tpu.memory_space<vmem>>, vector<16xf32>,
        %add3A_1157 = arith.addf %get3A_1153, %get3A_1156 : vector<16xf32>
        %add3A_1158 = arith.constant 32 : i32
        %add3A_1159 = arith.addi %add3A_1158, %add3A_1088 : i32
        %get3A_1160 = arith.index_cast %add3A_1159 : i32 to index
        %get3A_1161 = arith.constant 32 : index
        %get3A_1162 = tpu.vector_load %arg25[%get3A_1160, %get3A_1161] {strides = array<i32>} : memref<64x128xf32, #tpu.memory_space<vmem>>, vector<16xf32>,
        %get3A_1163 = arith.index_cast %add3A_1088 : i32 to index
        %get3A_1164 = arith.constant 32 : index
        %get3A_1165 = tpu.vector_load %arg27[%get3A_1163, %get3A_1164] {strides = array<i32>} : memref<64x128xf32, #tpu.memory_space<vmem>>, vector<16xf32>,
        %add3A_1166 = arith.addf %get3A_1162, %get3A_1165 : vector<16xf32>
        %add3A_1167 = arith.addf %add3A_1157, %add3A_1166 : vector<16xf32>
        %add3A_1168 = arith.constant 32 : i32
        %add3A_1169 = arith.addi %add3A_1168, %add3A_1088 : i32
        %get3A_1170 = arith.index_cast %add3A_1169 : i32 to index
        %get3A_1171 = arith.constant 32 : index
        %get3A_1172 = tpu.vector_load %arg27[%get3A_1170, %get3A_1171] {strides = array<i32>} : memref<64x128xf32, #tpu.memory_space<vmem>>, vector<16xf32>,
        %get3A_1173 = arith.index_cast %add3A_1088 : i32 to index
        %get3A_1174 = arith.constant 32 : index
        %get3A_1175 = tpu.vector_load %arg29[%get3A_1173, %get3A_1174] {strides = array<i32>} : memref<32x128xf32, #tpu.memory_space<vmem>>, vector<16xf32>,
        %add3A_1176 = arith.addf %get3A_1172, %get3A_1175 : vector<16xf32>
        %add3A_1177 = arith.addf %add3A_1167, %add3A_1176 : vector<16xf32>
        %get3A_1178 = arith.index_cast %add3A_1088 : i32 to index
        %get3A_1179 = arith.constant 32 : index
        %get3A_1180 = tpu.vector_load %arg31[%get3A_1178, %get3A_1179] {strides = array<i32>} : memref<32x128xf32, #tpu.memory_space<vmem>>, vector<16xf32>,
        %add3A_1181 = arith.addf %add3A_1177, %get3A_1180 : vector<16xf32>
        %get3A_1182 = arith.index_cast %add3A_1088 : i32 to index
        %get3A_1183 = arith.constant 48 : index
        %get3A_1184 = tpu.vector_load %arg21[%get3A_1182, %get3A_1183] {strides = array<i32>} : memref<32x128xf32, #tpu.memory_space<vmem>>, vector<16xf32>,
        %get3A_1185 = arith.index_cast %add3A_1088 : i32 to index
        %get3A_1186 = arith.constant 48 : index
        %get3A_1187 = tpu.vector_load %arg25[%get3A_1185, %get3A_1186] {strides = array<i32>} : memref<64x128xf32, #tpu.memory_space<vmem>>, vector<16xf32>,
        %add3A_1188 = arith.addf %get3A_1184, %get3A_1187 : vector<16xf32>
        %add3A_1189 = arith.constant 32 : i32
        %add3A_1190 = arith.addi %add3A_1189, %add3A_1088 : i32
        %get3A_1191 = arith.index_cast %add3A_1190 : i32 to index
        %get3A_1192 = arith.constant 48 : index
        %get3A_1193 = tpu.vector_load %arg25[%get3A_1191, %get3A_1192] {strides = array<i32>} : memref<64x128xf32, #tpu.memory_space<vmem>>, vector<16xf32>,
        %get3A_1194 = arith.index_cast %add3A_1088 : i32 to index
        %get3A_1195 = arith.constant 48 : index
        %get3A_1196 = tpu.vector_load %arg27[%get3A_1194, %get3A_1195] {strides = array<i32>} : memref<64x128xf32, #tpu.memory_space<vmem>>, vector<16xf32>,
        %add3A_1197 = arith.addf %get3A_1193, %get3A_1196 : vector<16xf32>
        %add3A_1198 = arith.addf %add3A_1188, %add3A_1197 : vector<16xf32>
        %add3A_1199 = arith.constant 32 : i32
        %add3A_1200 = arith.addi %add3A_1199, %add3A_1088 : i32
        %get3A_1201 = arith.index_cast %add3A_1200 : i32 to index
        %get3A_1202 = arith.constant 48 : index
        %get3A_1203 = tpu.vector_load %arg27[%get3A_1201, %get3A_1202] {strides = array<i32>} : memref<64x128xf32, #tpu.memory_space<vmem>>, vector<16xf32>,
        %get3A_1204 = arith.index_cast %add3A_1088 : i32 to index
        %get3A_1205 = arith.constant 48 : index
        %get3A_1206 = tpu.vector_load %arg29[%get3A_1204, %get3A_1205] {strides = array<i32>} : memref<32x128xf32, #tpu.memory_space<vmem>>, vector<16xf32>,
        %add3A_1207 = arith.addf %get3A_1203, %get3A_1206 : vector<16xf32>
        %add3A_1208 = arith.addf %add3A_1198, %add3A_1207 : vector<16xf32>
        %get3A_1209 = arith.index_cast %add3A_1088 : i32 to index
        %get3A_1210 = arith.constant 48 : index
        %get3A_1211 = tpu.vector_load %arg31[%get3A_1209, %get3A_1210] {strides = array<i32>} : memref<32x128xf32, #tpu.memory_space<vmem>>, vector<16xf32>,
        %add3A_1212 = arith.addf %add3A_1208, %get3A_1211 : vector<16xf32>
        %get3A_1213 = arith.index_cast %add3A_1088 : i32 to index
        %get3A_1214 = arith.constant 64 : index
        %get3A_1215 = tpu.vector_load %arg21[%get3A_1213, %get3A_1214] {strides = array<i32>} : memref<32x128xf32, #tpu.memory_space<vmem>>, vector<16xf32>,
        %get3A_1216 = arith.index_cast %add3A_1088 : i32 to index
        %get3A_1217 = arith.constant 64 : index
        %get3A_1218 = tpu.vector_load %arg25[%get3A_1216, %get3A_1217] {strides = array<i32>} : memref<64x128xf32, #tpu.memory_space<vmem>>, vector<16xf32>,
        %add3A_1219 = arith.addf %get3A_1215, %get3A_1218 : vector<16xf32>
        %add3A_1220 = arith.constant 32 : i32
        %add3A_1221 = arith.addi %add3A_1220, %add3A_1088 : i32
        %get3A_1222 = arith.index_cast %add3A_1221 : i32 to index
        %get3A_1223 = arith.constant 64 : index
        %get3A_1224 = tpu.vector_load %arg25[%get3A_1222, %get3A_1223] {strides = array<i32>} : memref<64x128xf32, #tpu.memory_space<vmem>>, vector<16xf32>,
        %get3A_1225 = arith.index_cast %add3A_1088 : i32 to index
        %get3A_1226 = arith.constant 64 : index
        %get3A_1227 = tpu.vector_load %arg27[%get3A_1225, %get3A_1226] {strides = array<i32>} : memref<64x128xf32, #tpu.memory_space<vmem>>, vector<16xf32>,
        %add3A_1228 = arith.addf %get3A_1224, %get3A_1227 : vector<16xf32>
        %add3A_1229 = arith.addf %add3A_1219, %add3A_1228 : vector<16xf32>
        %add3A_1230 = arith.constant 32 : i32
        %add3A_1231 = arith.addi %add3A_1230, %add3A_1088 : i32
        %get3A_1232 = arith.index_cast %add3A_1231 : i32 to index
        %get3A_1233 = arith.constant 64 : index
        %get3A_1234 = tpu.vector_load %arg27[%get3A_1232, %get3A_1233] {strides = array<i32>} : memref<64x128xf32, #tpu.memory_space<vmem>>, vector<16xf32>,
        %get3A_1235 = arith.index_cast %add3A_1088 : i32 to index
        %get3A_1236 = arith.constant 64 : index
        %get3A_1237 = tpu.vector_load %arg29[%get3A_1235, %get3A_1236] {strides = array<i32>} : memref<32x128xf32, #tpu.memory_space<vmem>>, vector<16xf32>,
        %add3A_1238 = arith.addf %get3A_1234, %get3A_1237 : vector<16xf32>
        %add3A_1239 = arith.addf %add3A_1229, %add3A_1238 : vector<16xf32>
        %get3A_1240 = arith.index_cast %add3A_1088 : i32 to index
        %get3A_1241 = arith.constant 64 : index
        %get3A_1242 = tpu.vector_load %arg31[%get3A_1240, %get3A_1241] {strides = array<i32>} : memref<32x128xf32, #tpu.memory_space<vmem>>, vector<16xf32>,
        %add3A_1243 = arith.addf %add3A_1239, %get3A_1242 : vector<16xf32>
        %get3A_1244 = arith.index_cast %add3A_1088 : i32 to index
        %get3A_1245 = arith.constant 80 : index
        %get3A_1246 = tpu.vector_load %arg21[%get3A_1244, %get3A_1245] {strides = array<i32>} : memref<32x128xf32, #tpu.memory_space<vmem>>, vector<16xf32>,
        %get3A_1247 = arith.index_cast %add3A_1088 : i32 to index
        %get3A_1248 = arith.constant 80 : index
        %get3A_1249 = tpu.vector_load %arg25[%get3A_1247, %get3A_1248] {strides = array<i32>} : memref<64x128xf32, #tpu.memory_space<vmem>>, vector<16xf32>,
        %add3A_1250 = arith.addf %get3A_1246, %get3A_1249 : vector<16xf32>
        %add3A_1251 = arith.constant 32 : i32
        %add3A_1252 = arith.addi %add3A_1251, %add3A_1088 : i32
        %get3A_1253 = arith.index_cast %add3A_1252 : i32 to index
        %get3A_1254 = arith.constant 80 : index
        %get3A_1255 = tpu.vector_load %arg25[%get3A_1253, %get3A_1254] {strides = array<i32>} : memref<64x128xf32, #tpu.memory_space<vmem>>, vector<16xf32>,
        %get3A_1256 = arith.index_cast %add3A_1088 : i32 to index
        %get3A_1257 = arith.constant 80 : index
        %get3A_1258 = tpu.vector_load %arg27[%get3A_1256, %get3A_1257] {strides = array<i32>} : memref<64x128xf32, #tpu.memory_space<vmem>>, vector<16xf32>,
        %add3A_1259 = arith.addf %get3A_1255, %get3A_1258 : vector<16xf32>
        %add3A_1260 = arith.addf %add3A_1250, %add3A_1259 : vector<16xf32>
        %add3A_1261 = arith.constant 32 : i32
        %add3A_1262 = arith.addi %add3A_1261, %add3A_1088 : i32
        %get3A_1263 = arith.index_cast %add3A_1262 : i32 to index
        %get3A_1264 = arith.constant 80 : index
        %get3A_1265 = tpu.vector_load %arg27[%get3A_1263, %get3A_1264] {strides = array<i32>} : memref<64x128xf32, #tpu.memory_space<vmem>>, vector<16xf32>,
        %get3A_1266 = arith.index_cast %add3A_1088 : i32 to index
        %get3A_1267 = arith.constant 80 : index
        %get3A_1268 = tpu.vector_load %arg29[%get3A_1266, %get3A_1267] {strides = array<i32>} : memref<32x128xf32, #tpu.memory_space<vmem>>, vector<16xf32>,
        %add3A_1269 = arith.addf %get3A_1265, %get3A_1268 : vector<16xf32>
        %add3A_1270 = arith.addf %add3A_1260, %add3A_1269 : vector<16xf32>
        %get3A_1271 = arith.index_cast %add3A_1088 : i32 to index
        %get3A_1272 = arith.constant 80 : index
        %get3A_1273 = tpu.vector_load %arg31[%get3A_1271, %get3A_1272] {strides = array<i32>} : memref<32x128xf32, #tpu.memory_space<vmem>>, vector<16xf32>,
        %add3A_1274 = arith.addf %add3A_1270, %get3A_1273 : vector<16xf32>
        %get3A_1275 = arith.index_cast %add3A_1088 : i32 to index
        %get3A_1276 = arith.constant 96 : index
        %get3A_1277 = tpu.vector_load %arg21[%get3A_1275, %get3A_1276] {strides = array<i32>} : memref<32x128xf32, #tpu.memory_space<vmem>>, vector<16xf32>,
        %get3A_1278 = arith.index_cast %add3A_1088 : i32 to index
        %get3A_1279 = arith.constant 96 : index
        %get3A_1280 = tpu.vector_load %arg25[%get3A_1278, %get3A_1279] {strides = array<i32>} : memref<64x128xf32, #tpu.memory_space<vmem>>, vector<16xf32>,
        %add3A_1281 = arith.addf %get3A_1277, %get3A_1280 : vector<16xf32>
        %add3A_1282 = arith.constant 32 : i32
        %add3A_1283 = arith.addi %add3A_1282, %add3A_1088 : i32
        %get3A_1284 = arith.index_cast %add3A_1283 : i32 to index
        %get3A_1285 = arith.constant 96 : index
        %get3A_1286 = tpu.vector_load %arg25[%get3A_1284, %get3A_1285] {strides = array<i32>} : memref<64x128xf32, #tpu.memory_space<vmem>>, vector<16xf32>,
        %get3A_1287 = arith.index_cast %add3A_1088 : i32 to index
        %get3A_1288 = arith.constant 96 : index
        %get3A_1289 = tpu.vector_load %arg27[%get3A_1287, %get3A_1288] {strides = array<i32>} : memref<64x128xf32, #tpu.memory_space<vmem>>, vector<16xf32>,
        %add3A_1290 = arith.addf %get3A_1286, %get3A_1289 : vector<16xf32>
        %add3A_1291 = arith.addf %add3A_1281, %add3A_1290 : vector<16xf32>
        %add3A_1292 = arith.constant 32 : i32
        %add3A_1293 = arith.addi %add3A_1292, %add3A_1088 : i32
        %get3A_1294 = arith.index_cast %add3A_1293 : i32 to index
        %get3A_1295 = arith.constant 96 : index
        %get3A_1296 = tpu.vector_load %arg27[%get3A_1294, %get3A_1295] {strides = array<i32>} : memref<64x128xf32, #tpu.memory_space<vmem>>, vector<16xf32>,
        %get3A_1297 = arith.index_cast %add3A_1088 : i32 to index
        %get3A_1298 = arith.constant 96 : index
        %get3A_1299 = tpu.vector_load %arg29[%get3A_1297, %get3A_1298] {strides = array<i32>} : memref<32x128xf32, #tpu.memory_space<vmem>>, vector<16xf32>,
        %add3A_1300 = arith.addf %get3A_1296, %get3A_1299 : vector<16xf32>
        %add3A_1301 = arith.addf %add3A_1291, %add3A_1300 : vector<16xf32>
        %get3A_1302 = arith.index_cast %add3A_1088 : i32 to index
        %get3A_1303 = arith.constant 96 : index
        %get3A_1304 = tpu.vector_load %arg31[%get3A_1302, %get3A_1303] {strides = array<i32>} : memref<32x128xf32, #tpu.memory_space<vmem>>, vector<16xf32>,
        %add3A_1305 = arith.addf %add3A_1301, %get3A_1304 : vector<16xf32>
        %get3A_1306 = arith.index_cast %add3A_1088 : i32 to index
        %get3A_1307 = arith.constant 112 : index
        %get3A_1308 = tpu.vector_load %arg21[%get3A_1306, %get3A_1307] {strides = array<i32>} : memref<32x128xf32, #tpu.memory_space<vmem>>, vector<16xf32>,
        %get3A_1309 = arith.index_cast %add3A_1088 : i32 to index
        %get3A_1310 = arith.constant 112 : index
        %get3A_1311 = tpu.vector_load %arg25[%get3A_1309, %get3A_1310] {strides = array<i32>} : memref<64x128xf32, #tpu.memory_space<vmem>>, vector<16xf32>,
        %add3A_1312 = arith.addf %get3A_1308, %get3A_1311 : vector<16xf32>
        %add3A_1313 = arith.constant 32 : i32
        %add3A_1314 = arith.addi %add3A_1313, %add3A_1088 : i32
        %get3A_1315 = arith.index_cast %add3A_1314 : i32 to index
        %get3A_1316 = arith.constant 112 : index
        %get3A_1317 = tpu.vector_load %arg25[%get3A_1315, %get3A_1316] {strides = array<i32>} : memref<64x128xf32, #tpu.memory_space<vmem>>, vector<16xf32>,
        %get3A_1318 = arith.index_cast %add3A_1088 : i32 to index
        %get3A_1319 = arith.constant 112 : index
        %get3A_1320 = tpu.vector_load %arg27[%get3A_1318, %get3A_1319] {strides = array<i32>} : memref<64x128xf32, #tpu.memory_space<vmem>>, vector<16xf32>,
        %add3A_1321 = arith.addf %get3A_1317, %get3A_1320 : vector<16xf32>
        %add3A_1322 = arith.addf %add3A_1312, %add3A_1321 : vector<16xf32>
        %add3A_1323 = arith.constant 32 : i32
        %add3A_1324 = arith.addi %add3A_1323, %add3A_1088 : i32
        %get3A_1325 = arith.index_cast %add3A_1324 : i32 to index
        %get3A_1326 = arith.constant 112 : index
        %get3A_1327 = tpu.vector_load %arg27[%get3A_1325, %get3A_1326] {strides = array<i32>} : memref<64x128xf32, #tpu.memory_space<vmem>>, vector<16xf32>,
        %get3A_1328 = arith.index_cast %add3A_1088 : i32 to index
        %get3A_1329 = arith.constant 112 : index
        %get3A_1330 = tpu.vector_load %arg29[%get3A_1328, %get3A_1329] {strides = array<i32>} : memref<32x128xf32, #tpu.memory_space<vmem>>, vector<16xf32>,
        %add3A_1331 = arith.addf %get3A_1327, %get3A_1330 : vector<16xf32>
        %add3A_1332 = arith.addf %add3A_1322, %add3A_1331 : vector<16xf32>
        %get3A_1333 = arith.index_cast %add3A_1088 : i32 to index
        %get3A_1334 = arith.constant 112 : index
        %get3A_1335 = tpu.vector_load %arg31[%get3A_1333, %get3A_1334] {strides = array<i32>} : memref<32x128xf32, #tpu.memory_space<vmem>>, vector<16xf32>,
        %add3A_1336 = arith.addf %add3A_1332, %get3A_1335 : vector<16xf32>
        %get3A_1337 = arith.index_cast %add3A_1088 : i32 to index
        %get3A_1338 = arith.constant 0 : index
        %get3A_1339 = tpu.vector_load %arg23[%get3A_1337, %get3A_1338] {strides = array<i32>} : memref<32x64xi32, #tpu.memory_space<vmem>>, vector<16xi32>,
        %shift_left3A_1340 = arith.constant 16 : i32
        %shift_left3A_1341 = vector.broadcast %shift_left3A_1340 : i32 to vector<16xi32>
        %shift_left3A_1342 = arith.shli %get3A_1339, %shift_left3A_1341 : vector<16xi32>
        %bitcast_convert_type3A_1343 = tpu.bitcast %shift_left3A_1342 : vector<16xi32> -> vector<16xf32>
        %and3A_1344 = vector.broadcast %scan3A : i32 to vector<16xi32>
        %and3A_1345 = arith.andi %get3A_1339, %and3A_1344 : vector<16xi32>
        %bitcast_convert_type3A_1346 = tpu.bitcast %and3A_1345 : vector<16xi32> -> vector<16xf32>
        %add3A_1347 = arith.addf %add3A_1119, %bitcast_convert_type3A_1343 : vector<16xf32>
        %add3A_1348 = arith.addf %add3A_1150, %bitcast_convert_type3A_1346 : vector<16xf32>
        %get3A_1349 = arith.index_cast %add3A_1088 : i32 to index
        %get3A_1350 = arith.constant 16 : index
        %get3A_1351 = tpu.vector_load %arg23[%get3A_1349, %get3A_1350] {strides = array<i32>} : memref<32x64xi32, #tpu.memory_space<vmem>>, vector<16xi32>,
        %shift_left3A_1352 = arith.constant 16 : i32
        %shift_left3A_1353 = vector.broadcast %shift_left3A_1352 : i32 to vector<16xi32>
        %shift_left3A_1354 = arith.shli %get3A_1351, %shift_left3A_1353 : vector<16xi32>
        %bitcast_convert_type3A_1355 = tpu.bitcast %shift_left3A_1354 : vector<16xi32> -> vector<16xf32>
        %and3A_1356 = vector.broadcast %scan3A : i32 to vector<16xi32>
        %and3A_1357 = arith.andi %get3A_1351, %and3A_1356 : vector<16xi32>
        %bitcast_convert_type3A_1358 = tpu.bitcast %and3A_1357 : vector<16xi32> -> vector<16xf32>
        %add3A_1359 = arith.addf %add3A_1181, %bitcast_convert_type3A_1355 : vector<16xf32>
        %add3A_1360 = arith.addf %add3A_1212, %bitcast_convert_type3A_1358 : vector<16xf32>
        %get3A_1361 = arith.index_cast %add3A_1088 : i32 to index
        %get3A_1362 = arith.constant 32 : index
        %get3A_1363 = tpu.vector_load %arg23[%get3A_1361, %get3A_1362] {strides = array<i32>} : memref<32x64xi32, #tpu.memory_space<vmem>>, vector<16xi32>,
        %shift_left3A_1364 = arith.constant 16 : i32
        %shift_left3A_1365 = vector.broadcast %shift_left3A_1364 : i32 to vector<16xi32>
        %shift_left3A_1366 = arith.shli %get3A_1363, %shift_left3A_1365 : vector<16xi32>
        %bitcast_convert_type3A_1367 = tpu.bitcast %shift_left3A_1366 : vector<16xi32> -> vector<16xf32>
        %and3A_1368 = vector.broadcast %scan3A : i32 to vector<16xi32>
        %and3A_1369 = arith.andi %get3A_1363, %and3A_1368 : vector<16xi32>
        %bitcast_convert_type3A_1370 = tpu.bitcast %and3A_1369 : vector<16xi32> -> vector<16xf32>
        %add3A_1371 = arith.addf %add3A_1243, %bitcast_convert_type3A_1367 : vector<16xf32>
        %add3A_1372 = arith.addf %add3A_1274, %bitcast_convert_type3A_1370 : vector<16xf32>
        %get3A_1373 = arith.index_cast %add3A_1088 : i32 to index
        %get3A_1374 = arith.constant 48 : index
        %get3A_1375 = tpu.vector_load %arg23[%get3A_1373, %get3A_1374] {strides = array<i32>} : memref<32x64xi32, #tpu.memory_space<vmem>>, vector<16xi32>,
        %shift_left3A_1376 = arith.constant 16 : i32
        %shift_left3A_1377 = vector.broadcast %shift_left3A_1376 : i32 to vector<16xi32>
        %shift_left3A_1378 = arith.shli %get3A_1375, %shift_left3A_1377 : vector<16xi32>
        %bitcast_convert_type3A_1379 = tpu.bitcast %shift_left3A_1378 : vector<16xi32> -> vector<16xf32>
        %and3A_1380 = vector.broadcast %scan3A : i32 to vector<16xi32>
        %and3A_1381 = arith.andi %get3A_1375, %and3A_1380 : vector<16xi32>
        %bitcast_convert_type3A_1382 = tpu.bitcast %and3A_1381 : vector<16xi32> -> vector<16xf32>
        %add3A_1383 = arith.addf %add3A_1305, %bitcast_convert_type3A_1379 : vector<16xf32>
        %add3A_1384 = arith.addf %add3A_1336, %bitcast_convert_type3A_1382 : vector<16xf32>
        %add3A_1385 = arith.addf %add3A_1347, %add3A_1348 : vector<16xf32>
        %add3A_1386 = arith.addf %add3A_1359, %add3A_1360 : vector<16xf32>
        %add3A_1387 = arith.addf %add3A_1385, %add3A_1386 : vector<16xf32>
        %add3A_1388 = arith.addf %add3A_1371, %add3A_1372 : vector<16xf32>
        %add3A_1389 = arith.addf %add3A_1383, %add3A_1384 : vector<16xf32>
        %add3A_1390 = arith.addf %add3A_1388, %add3A_1389 : vector<16xf32>
        %add3A_1391 = arith.addf %add3A_1387, %add3A_1390 : vector<16xf32>
        %mul3A_1392 = arith.mulf %add3A_1347, %add3A_1347 : vector<16xf32>
        %mul3A_1393 = arith.mulf %add3A_1348, %add3A_1348 : vector<16xf32>
        %mul3A_1394 = arith.mulf %add3A_1359, %add3A_1359 : vector<16xf32>
        %mul3A_1395 = arith.mulf %add3A_1360, %add3A_1360 : vector<16xf32>
        %mul3A_1396 = arith.mulf %add3A_1371, %add3A_1371 : vector<16xf32>
        %mul3A_1397 = arith.mulf %add3A_1372, %add3A_1372 : vector<16xf32>
        %mul3A_1398 = arith.mulf %add3A_1383, %add3A_1383 : vector<16xf32>
        %mul3A_1399 = arith.mulf %add3A_1384, %add3A_1384 : vector<16xf32>
        %add3A_1400 = arith.addf %mul3A_1392, %mul3A_1393 : vector<16xf32>
        %add3A_1401 = arith.addf %mul3A_1394, %mul3A_1395 : vector<16xf32>
        %add3A_1402 = arith.addf %add3A_1400, %add3A_1401 : vector<16xf32>
        %add3A_1403 = arith.addf %mul3A_1396, %mul3A_1397 : vector<16xf32>
        %add3A_1404 = arith.addf %mul3A_1398, %mul3A_1399 : vector<16xf32>
        %add3A_1405 = arith.addf %add3A_1403, %add3A_1404 : vector<16xf32>
        %add3A_1406 = arith.addf %add3A_1402, %add3A_1405 : vector<16xf32>
        %reduce_sum3A_1407 = arith.constant true
        %reduce_sum3A_1408 = vector.broadcast %reduce_sum3A_1407 : i1 to vector<16xi1>
        %reduce_sum3A_1409 = tpu.scan <sum>, %add3A_1391 masked %reduce_sum3A_1408 : vector<16xf32>, vector<16xi1> -> vector<16xf32>
        %reduce_sum3A_1410 = vector.extract %reduce_sum3A_1409[15] : f32 from vector<16xf32>
        %mul3A_1411 = arith.constant 7.812500e-03 : f32
        %mul3A_1412 = arith.mulf %reduce_sum3A_1410, %mul3A_1411 : f32
        %reduce_sum3A_1413 = arith.constant true
        %reduce_sum3A_1414 = vector.broadcast %reduce_sum3A_1413 : i1 to vector<16xi1>
        %reduce_sum3A_1415 = tpu.scan <sum>, %add3A_1406 masked %reduce_sum3A_1414 : vector<16xf32>, vector<16xi1> -> vector<16xf32>
        %reduce_sum3A_1416 = vector.extract %reduce_sum3A_1415[15] : f32 from vector<16xf32>
        %mul3A_1417 = arith.constant 7.812500e-03 : f32
        %mul3A_1418 = arith.mulf %reduce_sum3A_1416, %mul3A_1417 : f32
        %mul3A_1419 = arith.mulf %mul3A_1412, %mul3A_1412 : f32
        %sub3A_1420 = arith.subf %mul3A_1418, %mul3A_1419 : f32
        %add3A_1421 = arith.constant 9.99999997E-7 : f32
        %add3A_1422 = arith.addf %sub3A_1420, %add3A_1421 : f32
        %bitcast_convert_type3A_1423 = arith.bitcast %add3A_1422 : f32 to i32
        %shift_right_logical3A_1424 = arith.constant 1 : i32
        %shift_right_logical3A_1425 = arith.shrui %bitcast_convert_type3A_1423, %shift_right_logical3A_1424 : i32
        %sub3A_1426 = arith.constant 1597463007 : i32
        %sub3A_1427 = arith.subi %sub3A_1426, %shift_right_logical3A_1425 : i32
        %bitcast_convert_type3A_1428 = arith.bitcast %sub3A_1427 : i32 to f32
        %mul3A_1429 = arith.constant 5.000000e-01 : f32
        %mul3A_1430 = arith.mulf %mul3A_1429, %add3A_1422 : f32
        %mul3A_1431 = arith.mulf %mul3A_1430, %bitcast_convert_type3A_1428 : f32
        %mul3A_1432 = arith.mulf %mul3A_1431, %bitcast_convert_type3A_1428 : f32
        %sub3A_1433 = arith.constant 1.500000e+00 : f32
        %sub3A_1434 = arith.subf %sub3A_1433, %mul3A_1432 : f32
        %mul3A_1435 = arith.mulf %bitcast_convert_type3A_1428, %sub3A_1434 : f32
        %mul3A_1436 = arith.constant 5.000000e-01 : f32
        %mul3A_1437 = arith.mulf %mul3A_1436, %add3A_1422 : f32
        %mul3A_1438 = arith.mulf %mul3A_1437, %mul3A_1435 : f32
        %mul3A_1439 = arith.mulf %mul3A_1438, %mul3A_1435 : f32
        %sub3A_1440 = arith.constant 1.500000e+00 : f32
        %sub3A_1441 = arith.subf %sub3A_1440, %mul3A_1439 : f32
        %mul3A_1442 = arith.mulf %mul3A_1435, %sub3A_1441 : f32
        %mul3A_1443 = arith.constant 5.000000e-01 : f32
        %mul3A_1444 = arith.mulf %mul3A_1443, %add3A_1422 : f32
        %mul3A_1445 = arith.mulf %mul3A_1444, %mul3A_1442 : f32
        %mul3A_1446 = arith.mulf %mul3A_1445, %mul3A_1442 : f32
        %sub3A_1447 = arith.constant 1.500000e+00 : f32
        %sub3A_1448 = arith.subf %sub3A_1447, %mul3A_1446 : f32
        %mul3A_1449 = arith.mulf %mul3A_1442, %sub3A_1448 : f32
        %sub3A_1450 = vector.broadcast %mul3A_1412 : f32 to vector<16xf32>
        %sub3A_1451 = arith.subf %add3A_1347, %sub3A_1450 : vector<16xf32>
        %mul3A_1452 = vector.broadcast %mul3A_1449 : f32 to vector<16xf32>
        %mul3A_1453 = arith.mulf %sub3A_1451, %mul3A_1452 : vector<16xf32>
        %mul3A_1454 = arith.mulf %mul3A_1453, %get3A_148 : vector<16xf32>
        %add3A_1455 = arith.addf %mul3A_1454, %get3A_164 : vector<16xf32>
        %swap3A_1456 = arith.index_cast %add3A_1088 : i32 to index
        %swap3A_1457 = arith.constant 0 : index
        %swap3A_1458 = tpu.vector_load %arg21[%swap3A_1456, %swap3A_1457] {strides = array<i32>} : memref<32x128xf32, #tpu.memory_space<vmem>>, vector<16xf32>,
        tpu.vector_store %arg21[%swap3A_1456, %swap3A_1457], %add3A_1455 {strides = array<i32>} : memref<32x128xf32, #tpu.memory_space<vmem>>, vector<16xf32>,
        %sub3A_1459 = vector.broadcast %mul3A_1412 : f32 to vector<16xf32>
        %sub3A_1460 = arith.subf %add3A_1348, %sub3A_1459 : vector<16xf32>
        %mul3A_1461 = vector.broadcast %mul3A_1449 : f32 to vector<16xf32>
        %mul3A_1462 = arith.mulf %sub3A_1460, %mul3A_1461 : vector<16xf32>
        %mul3A_1463 = arith.mulf %mul3A_1462, %get3A_150 : vector<16xf32>
        %add3A_1464 = arith.addf %mul3A_1463, %get3A_166 : vector<16xf32>
        %swap3A_1465 = arith.index_cast %add3A_1088 : i32 to index
        %swap3A_1466 = arith.constant 16 : index
        %swap3A_1467 = tpu.vector_load %arg21[%swap3A_1465, %swap3A_1466] {strides = array<i32>} : memref<32x128xf32, #tpu.memory_space<vmem>>, vector<16xf32>,
        tpu.vector_store %arg21[%swap3A_1465, %swap3A_1466], %add3A_1464 {strides = array<i32>} : memref<32x128xf32, #tpu.memory_space<vmem>>, vector<16xf32>,
        %sub3A_1468 = vector.broadcast %mul3A_1412 : f32 to vector<16xf32>
        %sub3A_1469 = arith.subf %add3A_1359, %sub3A_1468 : vector<16xf32>
        %mul3A_1470 = vector.broadcast %mul3A_1449 : f32 to vector<16xf32>
        %mul3A_1471 = arith.mulf %sub3A_1469, %mul3A_1470 : vector<16xf32>
        %mul3A_1472 = arith.mulf %mul3A_1471, %get3A_152 : vector<16xf32>
        %add3A_1473 = arith.addf %mul3A_1472, %get3A_168 : vector<16xf32>
        %swap3A_1474 = arith.index_cast %add3A_1088 : i32 to index
        %swap3A_1475 = arith.constant 32 : index
        %swap3A_1476 = tpu.vector_load %arg21[%swap3A_1474, %swap3A_1475] {strides = array<i32>} : memref<32x128xf32, #tpu.memory_space<vmem>>, vector<16xf32>,
        tpu.vector_store %arg21[%swap3A_1474, %swap3A_1475], %add3A_1473 {strides = array<i32>} : memref<32x128xf32, #tpu.memory_space<vmem>>, vector<16xf32>,
        %sub3A_1477 = vector.broadcast %mul3A_1412 : f32 to vector<16xf32>
        %sub3A_1478 = arith.subf %add3A_1360, %sub3A_1477 : vector<16xf32>
        %mul3A_1479 = vector.broadcast %mul3A_1449 : f32 to vector<16xf32>
        %mul3A_1480 = arith.mulf %sub3A_1478, %mul3A_1479 : vector<16xf32>
        %mul3A_1481 = arith.mulf %mul3A_1480, %get3A_154 : vector<16xf32>
        %add3A_1482 = arith.addf %mul3A_1481, %get3A_170 : vector<16xf32>
        %swap3A_1483 = arith.index_cast %add3A_1088 : i32 to index
        %swap3A_1484 = arith.constant 48 : index
        %swap3A_1485 = tpu.vector_load %arg21[%swap3A_1483, %swap3A_1484] {strides = array<i32>} : memref<32x128xf32, #tpu.memory_space<vmem>>, vector<16xf32>,
        tpu.vector_store %arg21[%swap3A_1483, %swap3A_1484], %add3A_1482 {strides = array<i32>} : memref<32x128xf32, #tpu.memory_space<vmem>>, vector<16xf32>,
        %sub3A_1486 = vector.broadcast %mul3A_1412 : f32 to vector<16xf32>
        %sub3A_1487 = arith.subf %add3A_1371, %sub3A_1486 : vector<16xf32>
        %mul3A_1488 = vector.broadcast %mul3A_1449 : f32 to vector<16xf32>
        %mul3A_1489 = arith.mulf %sub3A_1487, %mul3A_1488 : vector<16xf32>
        %mul3A_1490 = arith.mulf %mul3A_1489, %get3A_156 : vector<16xf32>
        %add3A_1491 = arith.addf %mul3A_1490, %get3A_172 : vector<16xf32>
        %swap3A_1492 = arith.index_cast %add3A_1088 : i32 to index
        %swap3A_1493 = arith.constant 64 : index
        %swap3A_1494 = tpu.vector_load %arg21[%swap3A_1492, %swap3A_1493] {strides = array<i32>} : memref<32x128xf32, #tpu.memory_space<vmem>>, vector<16xf32>,
        tpu.vector_store %arg21[%swap3A_1492, %swap3A_1493], %add3A_1491 {strides = array<i32>} : memref<32x128xf32, #tpu.memory_space<vmem>>, vector<16xf32>,
        %sub3A_1495 = vector.broadcast %mul3A_1412 : f32 to vector<16xf32>
        %sub3A_1496 = arith.subf %add3A_1372, %sub3A_1495 : vector<16xf32>
        %mul3A_1497 = vector.broadcast %mul3A_1449 : f32 to vector<16xf32>
        %mul3A_1498 = arith.mulf %sub3A_1496, %mul3A_1497 : vector<16xf32>
        %mul3A_1499 = arith.mulf %mul3A_1498, %get3A_158 : vector<16xf32>
        %add3A_1500 = arith.addf %mul3A_1499, %get3A_174 : vector<16xf32>
        %swap3A_1501 = arith.index_cast %add3A_1088 : i32 to index
        %swap3A_1502 = arith.constant 80 : index
        %swap3A_1503 = tpu.vector_load %arg21[%swap3A_1501, %swap3A_1502] {strides = array<i32>} : memref<32x128xf32, #tpu.memory_space<vmem>>, vector<16xf32>,
        tpu.vector_store %arg21[%swap3A_1501, %swap3A_1502], %add3A_1500 {strides = array<i32>} : memref<32x128xf32, #tpu.memory_space<vmem>>, vector<16xf32>,
        %sub3A_1504 = vector.broadcast %mul3A_1412 : f32 to vector<16xf32>
        %sub3A_1505 = arith.subf %add3A_1383, %sub3A_1504 : vector<16xf32>
        %mul3A_1506 = vector.broadcast %mul3A_1449 : f32 to vector<16xf32>
        %mul3A_1507 = arith.mulf %sub3A_1505, %mul3A_1506 : vector<16xf32>
        %mul3A_1508 = arith.mulf %mul3A_1507, %get3A_160 : vector<16xf32>
        %add3A_1509 = arith.addf %mul3A_1508, %get3A_176 : vector<16xf32>
        %swap3A_1510 = arith.index_cast %add3A_1088 : i32 to index
        %swap3A_1511 = arith.constant 96 : index
        %swap3A_1512 = tpu.vector_load %arg21[%swap3A_1510, %swap3A_1511] {strides = array<i32>} : memref<32x128xf32, #tpu.memory_space<vmem>>, vector<16xf32>,
        tpu.vector_store %arg21[%swap3A_1510, %swap3A_1511], %add3A_1509 {strides = array<i32>} : memref<32x128xf32, #tpu.memory_space<vmem>>, vector<16xf32>,
        %sub3A_1513 = vector.broadcast %mul3A_1412 : f32 to vector<16xf32>
        %sub3A_1514 = arith.subf %add3A_1384, %sub3A_1513 : vector<16xf32>
        %mul3A_1515 = vector.broadcast %mul3A_1449 : f32 to vector<16xf32>
        %mul3A_1516 = arith.mulf %sub3A_1514, %mul3A_1515 : vector<16xf32>
        %mul3A_1517 = arith.mulf %mul3A_1516, %get3A_162 : vector<16xf32>
        %add3A_1518 = arith.addf %mul3A_1517, %get3A_178 : vector<16xf32>
        %swap3A_1519 = arith.index_cast %add3A_1088 : i32 to index
        %swap3A_1520 = arith.constant 112 : index
        %swap3A_1521 = tpu.vector_load %arg21[%swap3A_1519, %swap3A_1520] {strides = array<i32>} : memref<32x128xf32, #tpu.memory_space<vmem>>, vector<16xf32>,
        tpu.vector_store %arg21[%swap3A_1519, %swap3A_1520], %add3A_1518 {strides = array<i32>} : memref<32x128xf32, #tpu.memory_space<vmem>>, vector<16xf32>,
      }
      %scan3A_439 = arith.constant 16 : i32
      %dma_start3A_440 = arith.constant 0 : i32
      %dma_start3A_441 = arith.constant 0 : i32
      %dma_start3A_442 = tpu.memref_slice %arg12[%add3A_251, %dma_start3A_441] : memref<204800x128xf32, #tpu.memory_space<hbm>> -> memref<32x128xf32, #tpu.memory_space<hbm>>
      %dma_start3A_443 = tpu.memref_slice %arg37[%dma_start3A_440] : memref<2x!tpu.dma_semaphore, #tpu.memory_space<semaphore_mem>> -> memref<1x!tpu.dma_semaphore, #tpu.memory_space<semaphore_mem>>
      %dma_start3A_444 = tpu.memref_squeeze %dma_start3A_443 : memref<1x!tpu.dma_semaphore, #tpu.memory_space<semaphore_mem>> -> memref<!tpu.dma_semaphore, #tpu.memory_space<semaphore_mem>>
      %dma_start3A_445 = arith.constant 0 : i32
      %dma_start3A_446 = tpu.memref_slice %arg12[%add3A_251, %dma_start3A_445] : memref<204800x128xf32, #tpu.memory_space<hbm>> -> memref<32x128xf32, #tpu.memory_space<hbm>>
      tpu.enqueue_dma source(%arg21 : memref<32x128xf32, #tpu.memory_space<vmem>>) target(%dma_start3A_446 : memref<32x128xf32, #tpu.memory_space<hbm>>) target_semaphore(%dma_start3A_444 : memref<!tpu.dma_semaphore, #tpu.memory_space<semaphore_mem>>)
      %add3A_447 = arith.constant 1 : i32
      %add3A_448 = arith.addi %mul3A_248, %add3A_447 : i32
      %mul3A_449 = arith.constant 32 : i32
      %mul3A_450 = arith.muli %add3A_448, %mul3A_449 : i32
      %add3A_451 = arith.addi %mul3A_2, %mul3A_450 : i32
      %dma_wait3A_452 = arith.constant 1 : i32
      %dma_wait3A_453 = arith.constant 0 : i32
      %dma_wait3A_454 = arith.constant 0 : i32
      %dma_wait3A_455 = tpu.memref_slice %arg4[%dma_wait3A_453, %dma_wait3A_454] : memref<100000x128xf32, #tpu.memory_space<hbm>> -> memref<100000x128xf32, #tpu.memory_space<hbm>>
      %dma_wait3A_456 = tpu.memref_slice %arg35[%dma_wait3A_452] : memref<2x!tpu.dma_semaphore, #tpu.memory_space<semaphore_mem>> -> memref<1x!tpu.dma_semaphore, #tpu.memory_space<semaphore_mem>>
      %dma_wait3A_457 = tpu.memref_squeeze %dma_wait3A_456 : memref<1x!tpu.dma_semaphore, #tpu.memory_space<semaphore_mem>> -> memref<!tpu.dma_semaphore, #tpu.memory_space<semaphore_mem>>
      tpu.wait_indirect_dma semaphore(%dma_wait3A_457 : memref<!tpu.dma_semaphore, #tpu.memory_space<semaphore_mem>>) src(%dma_wait3A_455 : memref<100000x128xf32, #tpu.memory_space<hbm>>) dst(%arg22 : memref<32x128xf32, #tpu.memory_space<vmem>>)
      %dma_wait3A_458 = arith.constant 1 : i32
      %dma_wait3A_459 = arith.constant 0 : i32
      %dma_wait3A_460 = arith.constant 0 : i32
      %dma_wait3A_461 = tpu.memref_slice %arg5[%dma_wait3A_459, %dma_wait3A_460] : memref<232x64xi32, #tpu.memory_space<hbm>> -> memref<32x64xi32, #tpu.memory_space<hbm>>
      %dma_wait3A_462 = tpu.memref_slice %arg35[%dma_wait3A_458] : memref<2x!tpu.dma_semaphore, #tpu.memory_space<semaphore_mem>> -> memref<1x!tpu.dma_semaphore, #tpu.memory_space<semaphore_mem>>
      %dma_wait3A_463 = tpu.memref_squeeze %dma_wait3A_462 : memref<1x!tpu.dma_semaphore, #tpu.memory_space<semaphore_mem>> -> memref<!tpu.dma_semaphore, #tpu.memory_space<semaphore_mem>>
      %dma_wait3A_464 = arith.constant 0 : i32
      %dma_wait3A_465 = arith.constant 0 : i32
      %dma_wait3A_466 = tpu.memref_slice %arg5[%dma_wait3A_464, %dma_wait3A_465] : memref<232x64xi32, #tpu.memory_space<hbm>> -> memref<32x64xi32, #tpu.memory_space<hbm>>
      tpu.wait_dma2 semaphore(%dma_wait3A_463 : memref<!tpu.dma_semaphore, #tpu.memory_space<semaphore_mem>>) src(%dma_wait3A_466 : memref<32x64xi32, #tpu.memory_space<hbm>>) dst(%arg24 : memref<32x64xi32, #tpu.memory_space<vmem>>)
      %dma_wait3A_467 = arith.constant 1 : i32
      %dma_wait3A_468 = arith.constant 0 : i32
      %dma_wait3A_469 = arith.constant 0 : i32
      %dma_wait3A_470 = tpu.memref_slice %arg6[%dma_wait3A_468, %dma_wait3A_469] : memref<1024x128xf32, #tpu.memory_space<hbm>> -> memref<1024x128xf32, #tpu.memory_space<hbm>>
      %dma_wait3A_471 = tpu.memref_slice %arg35[%dma_wait3A_467] : memref<2x!tpu.dma_semaphore, #tpu.memory_space<semaphore_mem>> -> memref<1x!tpu.dma_semaphore, #tpu.memory_space<semaphore_mem>>
      %dma_wait3A_472 = tpu.memref_squeeze %dma_wait3A_471 : memref<1x!tpu.dma_semaphore, #tpu.memory_space<semaphore_mem>> -> memref<!tpu.dma_semaphore, #tpu.memory_space<semaphore_mem>>
      tpu.wait_indirect_dma semaphore(%dma_wait3A_472 : memref<!tpu.dma_semaphore, #tpu.memory_space<semaphore_mem>>) src(%dma_wait3A_470 : memref<1024x128xf32, #tpu.memory_space<hbm>>) dst(%arg26 : memref<64x128xf32, #tpu.memory_space<vmem>>)
      %dma_wait3A_473 = arith.constant 1 : i32
      %dma_wait3A_474 = arith.constant 0 : i32
      %dma_wait3A_475 = arith.constant 0 : i32
      %dma_wait3A_476 = tpu.memref_slice %arg7[%dma_wait3A_474, %dma_wait3A_475] : memref<1024x128xf32, #tpu.memory_space<hbm>> -> memref<1024x128xf32, #tpu.memory_space<hbm>>
      %dma_wait3A_477 = tpu.memref_slice %arg35[%dma_wait3A_473] : memref<2x!tpu.dma_semaphore, #tpu.memory_space<semaphore_mem>> -> memref<1x!tpu.dma_semaphore, #tpu.memory_space<semaphore_mem>>
      %dma_wait3A_478 = tpu.memref_squeeze %dma_wait3A_477 : memref<1x!tpu.dma_semaphore, #tpu.memory_space<semaphore_mem>> -> memref<!tpu.dma_semaphore, #tpu.memory_space<semaphore_mem>>
      tpu.wait_indirect_dma semaphore(%dma_wait3A_478 : memref<!tpu.dma_semaphore, #tpu.memory_space<semaphore_mem>>) src(%dma_wait3A_476 : memref<1024x128xf32, #tpu.memory_space<hbm>>) dst(%arg28 : memref<64x128xf32, #tpu.memory_space<vmem>>)
      %dma_wait3A_479 = arith.constant 1 : i32
      %dma_wait3A_480 = arith.constant 0 : i32
      %dma_wait3A_481 = arith.constant 0 : i32
      %dma_wait3A_482 = tpu.memref_slice %arg8[%dma_wait3A_480, %dma_wait3A_481] : memref<1024x128xf32, #tpu.memory_space<hbm>> -> memref<1024x128xf32, #tpu.memory_space<hbm>>
      %dma_wait3A_483 = tpu.memref_slice %arg35[%dma_wait3A_479] : memref<2x!tpu.dma_semaphore, #tpu.memory_space<semaphore_mem>> -> memref<1x!tpu.dma_semaphore, #tpu.memory_space<semaphore_mem>>
      %dma_wait3A_484 = tpu.memref_squeeze %dma_wait3A_483 : memref<1x!tpu.dma_semaphore, #tpu.memory_space<semaphore_mem>> -> memref<!tpu.dma_semaphore, #tpu.memory_space<semaphore_mem>>
      tpu.wait_indirect_dma semaphore(%dma_wait3A_484 : memref<!tpu.dma_semaphore, #tpu.memory_space<semaphore_mem>>) src(%dma_wait3A_482 : memref<1024x128xf32, #tpu.memory_space<hbm>>) dst(%arg30 : memref<32x128xf32, #tpu.memory_space<vmem>>)
      %dma_wait3A_485 = arith.constant 1 : i32
      %dma_wait3A_486 = arith.constant 0 : i32
      %dma_wait3A_487 = arith.constant 0 : i32
      %dma_wait3A_488 = tpu.memref_slice %arg9[%dma_wait3A_486, %dma_wait3A_487] : memref<1024x128xf32, #tpu.memory_space<hbm>> -> memref<1024x128xf32, #tpu.memory_space<hbm>>
      %dma_wait3A_489 = tpu.memref_slice %arg35[%dma_wait3A_485] : memref<2x!tpu.dma_semaphore, #tpu.memory_space<semaphore_mem>> -> memref<1x!tpu.dma_semaphore, #tpu.memory_space<semaphore_mem>>
      %dma_wait3A_490 = tpu.memref_squeeze %dma_wait3A_489 : memref<1x!tpu.dma_semaphore, #tpu.memory_space<semaphore_mem>> -> memref<!tpu.dma_semaphore, #tpu.memory_space<semaphore_mem>>
      tpu.wait_indirect_dma semaphore(%dma_wait3A_490 : memref<!tpu.dma_semaphore, #tpu.memory_space<semaphore_mem>>) src(%dma_wait3A_488 : memref<1024x128xf32, #tpu.memory_space<hbm>>) dst(%arg32 : memref<32x128xf32, #tpu.memory_space<vmem>>)
      %dma_wait3A_491 = arith.constant 0 : i32
      %dma_wait3A_492 = arith.constant 0 : i32
      %dma_wait3A_493 = tpu.memref_slice %arg2[%dma_wait3A_492] : memref<204800xi32, #tpu.memory_space<hbm>> -> memref<32xi32, #tpu.memory_space<hbm>>
      %dma_wait3A_494 = tpu.memref_slice %arg36[%dma_wait3A_491] : memref<2x!tpu.dma_semaphore, #tpu.memory_space<semaphore_mem>> -> memref<1x!tpu.dma_semaphore, #tpu.memory_space<semaphore_mem>>
      %dma_wait3A_495 = tpu.memref_squeeze %dma_wait3A_494 : memref<1x!tpu.dma_semaphore, #tpu.memory_space<semaphore_mem>> -> memref<!tpu.dma_semaphore, #tpu.memory_space<semaphore_mem>>
      %dma_wait3A_496 = arith.constant 0 : i32
      %dma_wait3A_497 = tpu.memref_slice %arg2[%dma_wait3A_496] : memref<204800xi32, #tpu.memory_space<hbm>> -> memref<32xi32, #tpu.memory_space<hbm>>
      tpu.wait_dma2 semaphore(%dma_wait3A_495 : memref<!tpu.dma_semaphore, #tpu.memory_space<semaphore_mem>>) src(%dma_wait3A_497 : memref<32xi32, #tpu.memory_space<hbm>>) dst(%arg13 : memref<32xi32, #tpu.memory_space<vmem>>)
      %dma_wait3A_498 = arith.constant 0 : i32
      %dma_wait3A_499 = arith.constant 0 : i32
      %dma_wait3A_500 = tpu.memref_slice %arg3[%dma_wait3A_499] : memref<819200xi32, #tpu.memory_space<hbm>> -> memref<128xi32, #tpu.memory_space<hbm>>
      %dma_wait3A_501 = tpu.memref_slice %arg36[%dma_wait3A_498] : memref<2x!tpu.dma_semaphore, #tpu.memory_space<semaphore_mem>> -> memref<1x!tpu.dma_semaphore, #tpu.memory_space<semaphore_mem>>
      %dma_wait3A_502 = tpu.memref_squeeze %dma_wait3A_501 : memref<1x!tpu.dma_semaphore, #tpu.memory_space<semaphore_mem>> -> memref<!tpu.dma_semaphore, #tpu.memory_space<semaphore_mem>>
      %dma_wait3A_503 = arith.constant 0 : i32
      %dma_wait3A_504 = tpu.memref_slice %arg3[%dma_wait3A_503] : memref<819200xi32, #tpu.memory_space<hbm>> -> memref<128xi32, #tpu.memory_space<hbm>>
      tpu.wait_dma2 semaphore(%dma_wait3A_502 : memref<!tpu.dma_semaphore, #tpu.memory_space<semaphore_mem>>) src(%dma_wait3A_504 : memref<128xi32, #tpu.memory_space<hbm>>) dst(%arg15 : memref<128xi32, #tpu.memory_space<vmem>>)
      %mul3A_505 = arith.constant 4 : i32
      %mul3A_506 = vector.broadcast %mul3A_505 : i32 to vector<16xi32>
      %mul3A_507 = arith.muli %iota3A, %mul3A_506 : vector<16xi32>
      %add3A_508 = arith.constant 0 : i32
      %add3A_509 = vector.broadcast %add3A_508 : i32 to vector<16xi32>
      %add3A_510 = arith.addi %mul3A_507, %add3A_509 : vector<16xi32>
      %gather3A_511 = tpu.vector_load_idx %arg15[%add3A_510] : memref<128xi32, #tpu.memory_space<vmem>>[vector<16xi32>], vector<16xi32>,
      %add3A_512 = arith.constant 1 : i32
      %add3A_513 = vector.broadcast %add3A_512 : i32 to vector<16xi32>
      %add3A_514 = arith.addi %add3A_510, %add3A_513 : vector<16xi32>
      %gather3A_515 = tpu.vector_load_idx %arg15[%add3A_514] : memref<128xi32, #tpu.memory_space<vmem>>[vector<16xi32>], vector<16xi32>,
      %add3A_516 = arith.constant 2 : i32
      %add3A_517 = vector.broadcast %add3A_516 : i32 to vector<16xi32>
      %add3A_518 = arith.addi %add3A_510, %add3A_517 : vector<16xi32>
      %gather3A_519 = tpu.vector_load_idx %arg15[%add3A_518] : memref<128xi32, #tpu.memory_space<vmem>>[vector<16xi32>], vector<16xi32>,
      %add3A_520 = arith.constant 3 : i32
      %add3A_521 = vector.broadcast %add3A_520 : i32 to vector<16xi32>
      %add3A_522 = arith.addi %add3A_510, %add3A_521 : vector<16xi32>
      %gather3A_523 = tpu.vector_load_idx %arg15[%add3A_522] : memref<128xi32, #tpu.memory_space<vmem>>[vector<16xi32>], vector<16xi32>,
      %swap3A_524 = arith.constant 0 : index
      %swap3A_525 = tpu.vector_load %arg17[%swap3A_524] {strides = array<i32>} : memref<64xi32, #tpu.memory_space<vmem>>, vector<16xi32>,
      tpu.vector_store %arg17[%swap3A_524], %gather3A_511 {strides = array<i32>} : memref<64xi32, #tpu.memory_space<vmem>>, vector<16xi32>,
      %swap3A_526 = arith.constant 32 : index
      %swap3A_527 = tpu.vector_load %arg17[%swap3A_526] {strides = array<i32>} : memref<64xi32, #tpu.memory_space<vmem>>, vector<16xi32>,
      tpu.vector_store %arg17[%swap3A_526], %gather3A_519 {strides = array<i32>} : memref<64xi32, #tpu.memory_space<vmem>>, vector<16xi32>,
      %swap3A_528 = arith.constant 0 : index
      %swap3A_529 = tpu.vector_load %arg18[%swap3A_528] {strides = array<i32>} : memref<64xi32, #tpu.memory_space<vmem>>, vector<16xi32>,
      tpu.vector_store %arg18[%swap3A_528], %gather3A_515 {strides = array<i32>} : memref<64xi32, #tpu.memory_space<vmem>>, vector<16xi32>,
      %swap3A_530 = arith.constant 32 : index
      %swap3A_531 = tpu.vector_load %arg18[%swap3A_530] {strides = array<i32>} : memref<64xi32, #tpu.memory_space<vmem>>, vector<16xi32>,
      tpu.vector_store %arg18[%swap3A_530], %gather3A_523 {strides = array<i32>} : memref<64xi32, #tpu.memory_space<vmem>>, vector<16xi32>,
      %sub3A_532 = arith.subi %gather3A_523, %gather3A_515 : vector<16xi32>
      %swap3A_533 = arith.constant 0 : index
      %swap3A_534 = tpu.vector_load %arg19[%swap3A_533] {strides = array<i32>} : memref<32xi32, #tpu.memory_space<vmem>>, vector<16xi32>,
      tpu.vector_store %arg19[%swap3A_533], %sub3A_532 {strides = array<i32>} : memref<32xi32, #tpu.memory_space<vmem>>, vector<16xi32>,
      %sub3A_535 = arith.subi %gather3A_519, %gather3A_511 : vector<16xi32>
      %swap3A_536 = arith.constant 0 : index
      %swap3A_537 = tpu.vector_load %arg20[%swap3A_536] {strides = array<i32>} : memref<32xi32, #tpu.memory_space<vmem>>, vector<16xi32>,
      tpu.vector_store %arg20[%swap3A_536], %sub3A_535 {strides = array<i32>} : memref<32xi32, #tpu.memory_space<vmem>>, vector<16xi32>,
      %mul3A_538 = arith.constant 4 : i32
      %mul3A_539 = vector.broadcast %mul3A_538 : i32 to vector<16xi32>
      %mul3A_540 = arith.muli %iota3A, %mul3A_539 : vector<16xi32>
      %add3A_541 = arith.constant 64 : i32
      %add3A_542 = vector.broadcast %add3A_541 : i32 to vector<16xi32>
      %add3A_543 = arith.addi %mul3A_540, %add3A_542 : vector<16xi32>
      %gather3A_544 = tpu.vector_load_idx %arg15[%add3A_543] : memref<128xi32, #tpu.memory_space<vmem>>[vector<16xi32>], vector<16xi32>,
      %add3A_545 = arith.constant 1 : i32
      %add3A_546 = vector.broadcast %add3A_545 : i32 to vector<16xi32>
      %add3A_547 = arith.addi %add3A_543, %add3A_546 : vector<16xi32>
      %gather3A_548 = tpu.vector_load_idx %arg15[%add3A_547] : memref<128xi32, #tpu.memory_space<vmem>>[vector<16xi32>], vector<16xi32>,
      %add3A_549 = arith.constant 2 : i32
      %add3A_550 = vector.broadcast %add3A_549 : i32 to vector<16xi32>
      %add3A_551 = arith.addi %add3A_543, %add3A_550 : vector<16xi32>
      %gather3A_552 = tpu.vector_load_idx %arg15[%add3A_551] : memref<128xi32, #tpu.memory_space<vmem>>[vector<16xi32>], vector<16xi32>,
      %add3A_553 = arith.constant 3 : i32
      %add3A_554 = vector.broadcast %add3A_553 : i32 to vector<16xi32>
      %add3A_555 = arith.addi %add3A_543, %add3A_554 : vector<16xi32>
      %gather3A_556 = tpu.vector_load_idx %arg15[%add3A_555] : memref<128xi32, #tpu.memory_space<vmem>>[vector<16xi32>], vector<16xi32>,
      %swap3A_557 = arith.constant 16 : index
      %swap3A_558 = tpu.vector_load %arg17[%swap3A_557] {strides = array<i32>} : memref<64xi32, #tpu.memory_space<vmem>>, vector<16xi32>,
      tpu.vector_store %arg17[%swap3A_557], %gather3A_544 {strides = array<i32>} : memref<64xi32, #tpu.memory_space<vmem>>, vector<16xi32>,
      %swap3A_559 = arith.constant 48 : index
      %swap3A_560 = tpu.vector_load %arg17[%swap3A_559] {strides = array<i32>} : memref<64xi32, #tpu.memory_space<vmem>>, vector<16xi32>,
      tpu.vector_store %arg17[%swap3A_559], %gather3A_552 {strides = array<i32>} : memref<64xi32, #tpu.memory_space<vmem>>, vector<16xi32>,
      %swap3A_561 = arith.constant 16 : index
      %swap3A_562 = tpu.vector_load %arg18[%swap3A_561] {strides = array<i32>} : memref<64xi32, #tpu.memory_space<vmem>>, vector<16xi32>,
      tpu.vector_store %arg18[%swap3A_561], %gather3A_548 {strides = array<i32>} : memref<64xi32, #tpu.memory_space<vmem>>, vector<16xi32>,
      %swap3A_563 = arith.constant 48 : index
      %swap3A_564 = tpu.vector_load %arg18[%swap3A_563] {strides = array<i32>} : memref<64xi32, #tpu.memory_space<vmem>>, vector<16xi32>,
      tpu.vector_store %arg18[%swap3A_563], %gather3A_556 {strides = array<i32>} : memref<64xi32, #tpu.memory_space<vmem>>, vector<16xi32>,
      %sub3A_565 = arith.subi %gather3A_556, %gather3A_548 : vector<16xi32>
      %swap3A_566 = arith.constant 16 : index
      %swap3A_567 = tpu.vector_load %arg19[%swap3A_566] {strides = array<i32>} : memref<32xi32, #tpu.memory_space<vmem>>, vector<16xi32>,
      tpu.vector_store %arg19[%swap3A_566], %sub3A_565 {strides = array<i32>} : memref<32xi32, #tpu.memory_space<vmem>>, vector<16xi32>,
      %sub3A_568 = arith.subi %gather3A_552, %gather3A_544 : vector<16xi32>
      %swap3A_569 = arith.constant 16 : index
      %swap3A_570 = tpu.vector_load %arg20[%swap3A_569] {strides = array<i32>} : memref<32xi32, #tpu.memory_space<vmem>>, vector<16xi32>,
      tpu.vector_store %arg20[%swap3A_569], %sub3A_568 {strides = array<i32>} : memref<32xi32, #tpu.memory_space<vmem>>, vector<16xi32>,
      %dma_wait3A_571 = arith.constant 0 : i32
      %dma_wait3A_572 = arith.constant 0 : i32
      %dma_wait3A_573 = arith.constant 0 : i32
      %dma_wait3A_574 = tpu.memref_slice %arg12[%dma_wait3A_572, %dma_wait3A_573] : memref<204800x128xf32, #tpu.memory_space<hbm>> -> memref<32x128xf32, #tpu.memory_space<hbm>>
      %dma_wait3A_575 = tpu.memref_slice %arg37[%dma_wait3A_571] : memref<2x!tpu.dma_semaphore, #tpu.memory_space<semaphore_mem>> -> memref<1x!tpu.dma_semaphore, #tpu.memory_space<semaphore_mem>>
      %dma_wait3A_576 = tpu.memref_squeeze %dma_wait3A_575 : memref<1x!tpu.dma_semaphore, #tpu.memory_space<semaphore_mem>> -> memref<!tpu.dma_semaphore, #tpu.memory_space<semaphore_mem>>
      %dma_wait3A_577 = arith.constant 0 : i32
      %dma_wait3A_578 = arith.constant 0 : i32
      %dma_wait3A_579 = tpu.memref_slice %arg12[%dma_wait3A_577, %dma_wait3A_578] : memref<204800x128xf32, #tpu.memory_space<hbm>> -> memref<32x128xf32, #tpu.memory_space<hbm>>
      tpu.wait_dma2 semaphore(%dma_wait3A_576 : memref<!tpu.dma_semaphore, #tpu.memory_space<semaphore_mem>>) src(%arg21 : memref<32x128xf32, #tpu.memory_space<vmem>>) dst(%dma_wait3A_579 : memref<32x128xf32, #tpu.memory_space<hbm>>)
      %add3A_580 = arith.constant 1 : i32
      %add3A_581 = arith.addi %add3A_448, %add3A_580 : i32
      %mul3A_582 = arith.constant 32 : i32
      %mul3A_583 = arith.muli %add3A_581, %mul3A_582 : i32
      %rem3A_584 = arith.constant 200 : i32
      %rem3A_585 = arith.remsi %mul3A_583, %rem3A_584 : i32
      %dma_start3A_586 = arith.constant 0 : i32
      %dma_start3A_587 = arith.constant 0 : i32
      %dma_start3A_588 = arith.constant 0 : i32
      %dma_start3A_589 = tpu.memref_slice %arg4[%dma_start3A_587, %dma_start3A_588] : memref<100000x128xf32, #tpu.memory_space<hbm>> -> memref<100000x128xf32, #tpu.memory_space<hbm>>
      %dma_start3A_590 = tpu.memref_slice %arg35[%dma_start3A_586] : memref<2x!tpu.dma_semaphore, #tpu.memory_space<semaphore_mem>> -> memref<1x!tpu.dma_semaphore, #tpu.memory_space<semaphore_mem>>
      %dma_start3A_591 = tpu.memref_squeeze %dma_start3A_590 : memref<1x!tpu.dma_semaphore, #tpu.memory_space<semaphore_mem>> -> memref<!tpu.dma_semaphore, #tpu.memory_space<semaphore_mem>>
      tpu.enqueue_indirect_dma source(%dma_start3A_589 : memref<100000x128xf32, #tpu.memory_space<hbm>>) target(%arg21 : memref<32x128xf32, #tpu.memory_space<vmem>>) offsets(%arg13 : memref<32xi32, #tpu.memory_space<vmem>>) semaphore(%dma_start3A_591 : memref<!tpu.dma_semaphore, #tpu.memory_space<semaphore_mem>>)
      %dma_start3A_592 = arith.constant 0 : i32
      %dma_start3A_593 = arith.constant 0 : i32
      %dma_start3A_594 = tpu.memref_slice %arg5[%rem3A_585, %dma_start3A_593] : memref<232x64xi32, #tpu.memory_space<hbm>> -> memref<32x64xi32, #tpu.memory_space<hbm>>
      %dma_start3A_595 = tpu.memref_slice %arg35[%dma_start3A_592] : memref<2x!tpu.dma_semaphore, #tpu.memory_space<semaphore_mem>> -> memref<1x!tpu.dma_semaphore, #tpu.memory_space<semaphore_mem>>
      %dma_start3A_596 = tpu.memref_squeeze %dma_start3A_595 : memref<1x!tpu.dma_semaphore, #tpu.memory_space<semaphore_mem>> -> memref<!tpu.dma_semaphore, #tpu.memory_space<semaphore_mem>>
      %dma_start3A_597 = arith.constant 0 : i32
      %dma_start3A_598 = tpu.memref_slice %arg5[%rem3A_585, %dma_start3A_597] : memref<232x64xi32, #tpu.memory_space<hbm>> -> memref<32x64xi32, #tpu.memory_space<hbm>>
      tpu.enqueue_dma source(%dma_start3A_598 : memref<32x64xi32, #tpu.memory_space<hbm>>) target(%arg23 : memref<32x64xi32, #tpu.memory_space<vmem>>) target_semaphore(%dma_start3A_596 : memref<!tpu.dma_semaphore, #tpu.memory_space<semaphore_mem>>)
      %dma_start3A_599 = arith.constant 0 : i32
      %dma_start3A_600 = arith.constant 0 : i32
      %dma_start3A_601 = arith.constant 0 : i32
      %dma_start3A_602 = tpu.memref_slice %arg6[%dma_start3A_600, %dma_start3A_601] : memref<1024x128xf32, #tpu.memory_space<hbm>> -> memref<1024x128xf32, #tpu.memory_space<hbm>>
      %dma_start3A_603 = tpu.memref_slice %arg35[%dma_start3A_599] : memref<2x!tpu.dma_semaphore, #tpu.memory_space<semaphore_mem>> -> memref<1x!tpu.dma_semaphore, #tpu.memory_space<semaphore_mem>>
      %dma_start3A_604 = tpu.memref_squeeze %dma_start3A_603 : memref<1x!tpu.dma_semaphore, #tpu.memory_space<semaphore_mem>> -> memref<!tpu.dma_semaphore, #tpu.memory_space<semaphore_mem>>
      tpu.enqueue_indirect_dma source(%dma_start3A_602 : memref<1024x128xf32, #tpu.memory_space<hbm>>) target(%arg25 : memref<64x128xf32, #tpu.memory_space<vmem>>) offsets(%arg17 : memref<64xi32, #tpu.memory_space<vmem>>) semaphore(%dma_start3A_604 : memref<!tpu.dma_semaphore, #tpu.memory_space<semaphore_mem>>)
      %dma_start3A_605 = arith.constant 0 : i32
      %dma_start3A_606 = arith.constant 0 : i32
      %dma_start3A_607 = arith.constant 0 : i32
      %dma_start3A_608 = tpu.memref_slice %arg7[%dma_start3A_606, %dma_start3A_607] : memref<1024x128xf32, #tpu.memory_space<hbm>> -> memref<1024x128xf32, #tpu.memory_space<hbm>>
      %dma_start3A_609 = tpu.memref_slice %arg35[%dma_start3A_605] : memref<2x!tpu.dma_semaphore, #tpu.memory_space<semaphore_mem>> -> memref<1x!tpu.dma_semaphore, #tpu.memory_space<semaphore_mem>>
      %dma_start3A_610 = tpu.memref_squeeze %dma_start3A_609 : memref<1x!tpu.dma_semaphore, #tpu.memory_space<semaphore_mem>> -> memref<!tpu.dma_semaphore, #tpu.memory_space<semaphore_mem>>
      tpu.enqueue_indirect_dma source(%dma_start3A_608 : memref<1024x128xf32, #tpu.memory_space<hbm>>) target(%arg27 : memref<64x128xf32, #tpu.memory_space<vmem>>) offsets(%arg18 : memref<64xi32, #tpu.memory_space<vmem>>) semaphore(%dma_start3A_610 : memref<!tpu.dma_semaphore, #tpu.memory_space<semaphore_mem>>)
      %dma_start3A_611 = arith.constant 0 : i32
      %dma_start3A_612 = arith.constant 0 : i32
      %dma_start3A_613 = arith.constant 0 : i32
      %dma_start3A_614 = tpu.memref_slice %arg8[%dma_start3A_612, %dma_start3A_613] : memref<1024x128xf32, #tpu.memory_space<hbm>> -> memref<1024x128xf32, #tpu.memory_space<hbm>>
      %dma_start3A_615 = tpu.memref_slice %arg35[%dma_start3A_611] : memref<2x!tpu.dma_semaphore, #tpu.memory_space<semaphore_mem>> -> memref<1x!tpu.dma_semaphore, #tpu.memory_space<semaphore_mem>>
      %dma_start3A_616 = tpu.memref_squeeze %dma_start3A_615 : memref<1x!tpu.dma_semaphore, #tpu.memory_space<semaphore_mem>> -> memref<!tpu.dma_semaphore, #tpu.memory_space<semaphore_mem>>
      tpu.enqueue_indirect_dma source(%dma_start3A_614 : memref<1024x128xf32, #tpu.memory_space<hbm>>) target(%arg29 : memref<32x128xf32, #tpu.memory_space<vmem>>) offsets(%arg19 : memref<32xi32, #tpu.memory_space<vmem>>) semaphore(%dma_start3A_616 : memref<!tpu.dma_semaphore, #tpu.memory_space<semaphore_mem>>)
      %dma_start3A_617 = arith.constant 0 : i32
      %dma_start3A_618 = arith.constant 0 : i32
      %dma_start3A_619 = arith.constant 0 : i32
      %dma_start3A_620 = tpu.memref_slice %arg9[%dma_start3A_618, %dma_start3A_619] : memref<1024x128xf32, #tpu.memory_space<hbm>> -> memref<1024x128xf32, #tpu.memory_space<hbm>>
      %dma_start3A_621 = tpu.memref_slice %arg35[%dma_start3A_617] : memref<2x!tpu.dma_semaphore, #tpu.memory_space<semaphore_mem>> -> memref<1x!tpu.dma_semaphore, #tpu.memory_space<semaphore_mem>>
      %dma_start3A_622 = tpu.memref_squeeze %dma_start3A_621 : memref<1x!tpu.dma_semaphore, #tpu.memory_space<semaphore_mem>> -> memref<!tpu.dma_semaphore, #tpu.memory_space<semaphore_mem>>
      tpu.enqueue_indirect_dma source(%dma_start3A_620 : memref<1024x128xf32, #tpu.memory_space<hbm>>) target(%arg31 : memref<32x128xf32, #tpu.memory_space<vmem>>) offsets(%arg20 : memref<32xi32, #tpu.memory_space<vmem>>) semaphore(%dma_start3A_622 : memref<!tpu.dma_semaphore, #tpu.memory_space<semaphore_mem>>)
      %add3A_623 = arith.constant 2 : i32
      %add3A_624 = arith.addi %add3A_448, %add3A_623 : i32
      %mul3A_625 = arith.constant 32 : i32
      %mul3A_626 = arith.muli %add3A_624, %mul3A_625 : i32
      %add3A_627 = arith.addi %mul3A_2, %mul3A_626 : i32
      %min3A_628 = arith.constant 204768 : i32
      %min3A_629 = arith.minsi %add3A_627, %min3A_628 : i32
      %dma_start3A_630 = arith.constant 1 : i32
      %dma_start3A_631 = tpu.memref_slice %arg2[%min3A_629] : memref<204800xi32, #tpu.memory_space<hbm>> -> memref<32xi32, #tpu.memory_space<hbm>>
      %dma_start3A_632 = tpu.memref_slice %arg36[%dma_start3A_630] : memref<2x!tpu.dma_semaphore, #tpu.memory_space<semaphore_mem>> -> memref<1x!tpu.dma_semaphore, #tpu.memory_space<semaphore_mem>>
      %dma_start3A_633 = tpu.memref_squeeze %dma_start3A_632 : memref<1x!tpu.dma_semaphore, #tpu.memory_space<semaphore_mem>> -> memref<!tpu.dma_semaphore, #tpu.memory_space<semaphore_mem>>
      %dma_start3A_634 = tpu.memref_slice %arg2[%min3A_629] : memref<204800xi32, #tpu.memory_space<hbm>> -> memref<32xi32, #tpu.memory_space<hbm>>
      tpu.enqueue_dma source(%dma_start3A_634 : memref<32xi32, #tpu.memory_space<hbm>>) target(%arg14 : memref<32xi32, #tpu.memory_space<vmem>>) target_semaphore(%dma_start3A_633 : memref<!tpu.dma_semaphore, #tpu.memory_space<semaphore_mem>>)
      %mul3A_635 = arith.constant 4 : i32
      %mul3A_636 = arith.muli %min3A_629, %mul3A_635 : i32
      %dma_start3A_637 = arith.constant 1 : i32
      %dma_start3A_638 = tpu.memref_slice %arg3[%mul3A_636] : memref<819200xi32, #tpu.memory_space<hbm>> -> memref<128xi32, #tpu.memory_space<hbm>>
      %dma_start3A_639 = tpu.memref_slice %arg36[%dma_start3A_637] : memref<2x!tpu.dma_semaphore, #tpu.memory_space<semaphore_mem>> -> memref<1x!tpu.dma_semaphore, #tpu.memory_space<semaphore_mem>>
      %dma_start3A_640 = tpu.memref_squeeze %dma_start3A_639 : memref<1x!tpu.dma_semaphore, #tpu.memory_space<semaphore_mem>> -> memref<!tpu.dma_semaphore, #tpu.memory_space<semaphore_mem>>
      %dma_start3A_641 = tpu.memref_slice %arg3[%mul3A_636] : memref<819200xi32, #tpu.memory_space<hbm>> -> memref<128xi32, #tpu.memory_space<hbm>>
      tpu.enqueue_dma source(%dma_start3A_641 : memref<128xi32, #tpu.memory_space<hbm>>) target(%arg16 : memref<128xi32, #tpu.memory_space<vmem>>) target_semaphore(%dma_start3A_640 : memref<!tpu.dma_semaphore, #tpu.memory_space<semaphore_mem>>)
      %scan3A_642 = arith.constant 0 : i32
      %scan3A_643 = arith.constant 16 : i32
      %scan3A_644 = arith.addi %scan3A_642, %scan3A_643 : i32
      %scan3A_645 = arith.constant 1 : i32
      scf.for %scan3A_654 = %scan3A_642 to %scan3A_644 step %scan3A_645  : i32 {
        %mul3A_655 = arith.constant 2 : i32
        %mul3A_656 = arith.muli %mul3A_655, %scan3A_654 : i32
        %get3A_657 = arith.index_cast %mul3A_656 : i32 to index
        %get3A_658 = arith.constant 0 : index
        %get3A_659 = tpu.vector_load %arg22[%get3A_657, %get3A_658] {strides = array<i32>} : memref<32x128xf32, #tpu.memory_space<vmem>>, vector<16xf32>,
        %get3A_660 = arith.index_cast %mul3A_656 : i32 to index
        %get3A_661 = arith.constant 0 : index
        %get3A_662 = tpu.vector_load %arg26[%get3A_660, %get3A_661] {strides = array<i32>} : memref<64x128xf32, #tpu.memory_space<vmem>>, vector<16xf32>,
        %add3A_663 = arith.addf %get3A_659, %get3A_662 : vector<16xf32>
        %add3A_664 = arith.constant 32 : i32
        %add3A_665 = arith.addi %add3A_664, %mul3A_656 : i32
        %get3A_666 = arith.index_cast %add3A_665 : i32 to index
        %get3A_667 = arith.constant 0 : index
        %get3A_668 = tpu.vector_load %arg26[%get3A_666, %get3A_667] {strides = array<i32>} : memref<64x128xf32, #tpu.memory_space<vmem>>, vector<16xf32>,
        %get3A_669 = arith.index_cast %mul3A_656 : i32 to index
        %get3A_670 = arith.constant 0 : index
        %get3A_671 = tpu.vector_load %arg28[%get3A_669, %get3A_670] {strides = array<i32>} : memref<64x128xf32, #tpu.memory_space<vmem>>, vector<16xf32>,
        %add3A_672 = arith.addf %get3A_668, %get3A_671 : vector<16xf32>
        %add3A_673 = arith.addf %add3A_663, %add3A_672 : vector<16xf32>
        %add3A_674 = arith.constant 32 : i32
        %add3A_675 = arith.addi %add3A_674, %mul3A_656 : i32
        %get3A_676 = arith.index_cast %add3A_675 : i32 to index
        %get3A_677 = arith.constant 0 : index
        %get3A_678 = tpu.vector_load %arg28[%get3A_676, %get3A_677] {strides = array<i32>} : memref<64x128xf32, #tpu.memory_space<vmem>>, vector<16xf32>,
        %get3A_679 = arith.index_cast %mul3A_656 : i32 to index
        %get3A_680 = arith.constant 0 : index
        %get3A_681 = tpu.vector_load %arg30[%get3A_679, %get3A_680] {strides = array<i32>} : memref<32x128xf32, #tpu.memory_space<vmem>>, vector<16xf32>,
        %add3A_682 = arith.addf %get3A_678, %get3A_681 : vector<16xf32>
        %add3A_683 = arith.addf %add3A_673, %add3A_682 : vector<16xf32>
        %get3A_684 = arith.index_cast %mul3A_656 : i32 to index
        %get3A_685 = arith.constant 0 : index
        %get3A_686 = tpu.vector_load %arg32[%get3A_684, %get3A_685] {strides = array<i32>} : memref<32x128xf32, #tpu.memory_space<vmem>>, vector<16xf32>,
        %add3A_687 = arith.addf %add3A_683, %get3A_686 : vector<16xf32>
        %get3A_688 = arith.index_cast %mul3A_656 : i32 to index
        %get3A_689 = arith.constant 16 : index
        %get3A_690 = tpu.vector_load %arg22[%get3A_688, %get3A_689] {strides = array<i32>} : memref<32x128xf32, #tpu.memory_space<vmem>>, vector<16xf32>,
        %get3A_691 = arith.index_cast %mul3A_656 : i32 to index
        %get3A_692 = arith.constant 16 : index
        %get3A_693 = tpu.vector_load %arg26[%get3A_691, %get3A_692] {strides = array<i32>} : memref<64x128xf32, #tpu.memory_space<vmem>>, vector<16xf32>,
        %add3A_694 = arith.addf %get3A_690, %get3A_693 : vector<16xf32>
        %add3A_695 = arith.constant 32 : i32
        %add3A_696 = arith.addi %add3A_695, %mul3A_656 : i32
        %get3A_697 = arith.index_cast %add3A_696 : i32 to index
        %get3A_698 = arith.constant 16 : index
        %get3A_699 = tpu.vector_load %arg26[%get3A_697, %get3A_698] {strides = array<i32>} : memref<64x128xf32, #tpu.memory_space<vmem>>, vector<16xf32>,
        %get3A_700 = arith.index_cast %mul3A_656 : i32 to index
        %get3A_701 = arith.constant 16 : index
        %get3A_702 = tpu.vector_load %arg28[%get3A_700, %get3A_701] {strides = array<i32>} : memref<64x128xf32, #tpu.memory_space<vmem>>, vector<16xf32>,
        %add3A_703 = arith.addf %get3A_699, %get3A_702 : vector<16xf32>
        %add3A_704 = arith.addf %add3A_694, %add3A_703 : vector<16xf32>
        %add3A_705 = arith.constant 32 : i32
        %add3A_706 = arith.addi %add3A_705, %mul3A_656 : i32
        %get3A_707 = arith.index_cast %add3A_706 : i32 to index
        %get3A_708 = arith.constant 16 : index
        %get3A_709 = tpu.vector_load %arg28[%get3A_707, %get3A_708] {strides = array<i32>} : memref<64x128xf32, #tpu.memory_space<vmem>>, vector<16xf32>,
        %get3A_710 = arith.index_cast %mul3A_656 : i32 to index
        %get3A_711 = arith.constant 16 : index
        %get3A_712 = tpu.vector_load %arg30[%get3A_710, %get3A_711] {strides = array<i32>} : memref<32x128xf32, #tpu.memory_space<vmem>>, vector<16xf32>,
        %add3A_713 = arith.addf %get3A_709, %get3A_712 : vector<16xf32>
        %add3A_714 = arith.addf %add3A_704, %add3A_713 : vector<16xf32>
        %get3A_715 = arith.index_cast %mul3A_656 : i32 to index
        %get3A_716 = arith.constant 16 : index
        %get3A_717 = tpu.vector_load %arg32[%get3A_715, %get3A_716] {strides = array<i32>} : memref<32x128xf32, #tpu.memory_space<vmem>>, vector<16xf32>,
        %add3A_718 = arith.addf %add3A_714, %get3A_717 : vector<16xf32>
        %get3A_719 = arith.index_cast %mul3A_656 : i32 to index
        %get3A_720 = arith.constant 32 : index
        %get3A_721 = tpu.vector_load %arg22[%get3A_719, %get3A_720] {strides = array<i32>} : memref<32x128xf32, #tpu.memory_space<vmem>>, vector<16xf32>,
        %get3A_722 = arith.index_cast %mul3A_656 : i32 to index
        %get3A_723 = arith.constant 32 : index
        %get3A_724 = tpu.vector_load %arg26[%get3A_722, %get3A_723] {strides = array<i32>} : memref<64x128xf32, #tpu.memory_space<vmem>>, vector<16xf32>,
        %add3A_725 = arith.addf %get3A_721, %get3A_724 : vector<16xf32>
        %add3A_726 = arith.constant 32 : i32
        %add3A_727 = arith.addi %add3A_726, %mul3A_656 : i32
        %get3A_728 = arith.index_cast %add3A_727 : i32 to index
        %get3A_729 = arith.constant 32 : index
        %get3A_730 = tpu.vector_load %arg26[%get3A_728, %get3A_729] {strides = array<i32>} : memref<64x128xf32, #tpu.memory_space<vmem>>, vector<16xf32>,
        %get3A_731 = arith.index_cast %mul3A_656 : i32 to index
        %get3A_732 = arith.constant 32 : index
        %get3A_733 = tpu.vector_load %arg28[%get3A_731, %get3A_732] {strides = array<i32>} : memref<64x128xf32, #tpu.memory_space<vmem>>, vector<16xf32>,
        %add3A_734 = arith.addf %get3A_730, %get3A_733 : vector<16xf32>
        %add3A_735 = arith.addf %add3A_725, %add3A_734 : vector<16xf32>
        %add3A_736 = arith.constant 32 : i32
        %add3A_737 = arith.addi %add3A_736, %mul3A_656 : i32
        %get3A_738 = arith.index_cast %add3A_737 : i32 to index
        %get3A_739 = arith.constant 32 : index
        %get3A_740 = tpu.vector_load %arg28[%get3A_738, %get3A_739] {strides = array<i32>} : memref<64x128xf32, #tpu.memory_space<vmem>>, vector<16xf32>,
        %get3A_741 = arith.index_cast %mul3A_656 : i32 to index
        %get3A_742 = arith.constant 32 : index
        %get3A_743 = tpu.vector_load %arg30[%get3A_741, %get3A_742] {strides = array<i32>} : memref<32x128xf32, #tpu.memory_space<vmem>>, vector<16xf32>,
        %add3A_744 = arith.addf %get3A_740, %get3A_743 : vector<16xf32>
        %add3A_745 = arith.addf %add3A_735, %add3A_744 : vector<16xf32>
        %get3A_746 = arith.index_cast %mul3A_656 : i32 to index
        %get3A_747 = arith.constant 32 : index
        %get3A_748 = tpu.vector_load %arg32[%get3A_746, %get3A_747] {strides = array<i32>} : memref<32x128xf32, #tpu.memory_space<vmem>>, vector<16xf32>,
        %add3A_749 = arith.addf %add3A_745, %get3A_748 : vector<16xf32>
        %get3A_750 = arith.index_cast %mul3A_656 : i32 to index
        %get3A_751 = arith.constant 48 : index
        %get3A_752 = tpu.vector_load %arg22[%get3A_750, %get3A_751] {strides = array<i32>} : memref<32x128xf32, #tpu.memory_space<vmem>>, vector<16xf32>,
        %get3A_753 = arith.index_cast %mul3A_656 : i32 to index
        %get3A_754 = arith.constant 48 : index
        %get3A_755 = tpu.vector_load %arg26[%get3A_753, %get3A_754] {strides = array<i32>} : memref<64x128xf32, #tpu.memory_space<vmem>>, vector<16xf32>,
        %add3A_756 = arith.addf %get3A_752, %get3A_755 : vector<16xf32>
        %add3A_757 = arith.constant 32 : i32
        %add3A_758 = arith.addi %add3A_757, %mul3A_656 : i32
        %get3A_759 = arith.index_cast %add3A_758 : i32 to index
        %get3A_760 = arith.constant 48 : index
        %get3A_761 = tpu.vector_load %arg26[%get3A_759, %get3A_760] {strides = array<i32>} : memref<64x128xf32, #tpu.memory_space<vmem>>, vector<16xf32>,
        %get3A_762 = arith.index_cast %mul3A_656 : i32 to index
        %get3A_763 = arith.constant 48 : index
        %get3A_764 = tpu.vector_load %arg28[%get3A_762, %get3A_763] {strides = array<i32>} : memref<64x128xf32, #tpu.memory_space<vmem>>, vector<16xf32>,
        %add3A_765 = arith.addf %get3A_761, %get3A_764 : vector<16xf32>
        %add3A_766 = arith.addf %add3A_756, %add3A_765 : vector<16xf32>
        %add3A_767 = arith.constant 32 : i32
        %add3A_768 = arith.addi %add3A_767, %mul3A_656 : i32
        %get3A_769 = arith.index_cast %add3A_768 : i32 to index
        %get3A_770 = arith.constant 48 : index
        %get3A_771 = tpu.vector_load %arg28[%get3A_769, %get3A_770] {strides = array<i32>} : memref<64x128xf32, #tpu.memory_space<vmem>>, vector<16xf32>,
        %get3A_772 = arith.index_cast %mul3A_656 : i32 to index
        %get3A_773 = arith.constant 48 : index
        %get3A_774 = tpu.vector_load %arg30[%get3A_772, %get3A_773] {strides = array<i32>} : memref<32x128xf32, #tpu.memory_space<vmem>>, vector<16xf32>,
        %add3A_775 = arith.addf %get3A_771, %get3A_774 : vector<16xf32>
        %add3A_776 = arith.addf %add3A_766, %add3A_775 : vector<16xf32>
        %get3A_777 = arith.index_cast %mul3A_656 : i32 to index
        %get3A_778 = arith.constant 48 : index
        %get3A_779 = tpu.vector_load %arg32[%get3A_777, %get3A_778] {strides = array<i32>} : memref<32x128xf32, #tpu.memory_space<vmem>>, vector<16xf32>,
        %add3A_780 = arith.addf %add3A_776, %get3A_779 : vector<16xf32>
        %get3A_781 = arith.index_cast %mul3A_656 : i32 to index
        %get3A_782 = arith.constant 64 : index
        %get3A_783 = tpu.vector_load %arg22[%get3A_781, %get3A_782] {strides = array<i32>} : memref<32x128xf32, #tpu.memory_space<vmem>>, vector<16xf32>,
        %get3A_784 = arith.index_cast %mul3A_656 : i32 to index
        %get3A_785 = arith.constant 64 : index
        %get3A_786 = tpu.vector_load %arg26[%get3A_784, %get3A_785] {strides = array<i32>} : memref<64x128xf32, #tpu.memory_space<vmem>>, vector<16xf32>,
        %add3A_787 = arith.addf %get3A_783, %get3A_786 : vector<16xf32>
        %add3A_788 = arith.constant 32 : i32
        %add3A_789 = arith.addi %add3A_788, %mul3A_656 : i32
        %get3A_790 = arith.index_cast %add3A_789 : i32 to index
        %get3A_791 = arith.constant 64 : index
        %get3A_792 = tpu.vector_load %arg26[%get3A_790, %get3A_791] {strides = array<i32>} : memref<64x128xf32, #tpu.memory_space<vmem>>, vector<16xf32>,
        %get3A_793 = arith.index_cast %mul3A_656 : i32 to index
        %get3A_794 = arith.constant 64 : index
        %get3A_795 = tpu.vector_load %arg28[%get3A_793, %get3A_794] {strides = array<i32>} : memref<64x128xf32, #tpu.memory_space<vmem>>, vector<16xf32>,
        %add3A_796 = arith.addf %get3A_792, %get3A_795 : vector<16xf32>
        %add3A_797 = arith.addf %add3A_787, %add3A_796 : vector<16xf32>
        %add3A_798 = arith.constant 32 : i32
        %add3A_799 = arith.addi %add3A_798, %mul3A_656 : i32
        %get3A_800 = arith.index_cast %add3A_799 : i32 to index
        %get3A_801 = arith.constant 64 : index
        %get3A_802 = tpu.vector_load %arg28[%get3A_800, %get3A_801] {strides = array<i32>} : memref<64x128xf32, #tpu.memory_space<vmem>>, vector<16xf32>,
        %get3A_803 = arith.index_cast %mul3A_656 : i32 to index
        %get3A_804 = arith.constant 64 : index
        %get3A_805 = tpu.vector_load %arg30[%get3A_803, %get3A_804] {strides = array<i32>} : memref<32x128xf32, #tpu.memory_space<vmem>>, vector<16xf32>,
        %add3A_806 = arith.addf %get3A_802, %get3A_805 : vector<16xf32>
        %add3A_807 = arith.addf %add3A_797, %add3A_806 : vector<16xf32>
        %get3A_808 = arith.index_cast %mul3A_656 : i32 to index
        %get3A_809 = arith.constant 64 : index
        %get3A_810 = tpu.vector_load %arg32[%get3A_808, %get3A_809] {strides = array<i32>} : memref<32x128xf32, #tpu.memory_space<vmem>>, vector<16xf32>,
        %add3A_811 = arith.addf %add3A_807, %get3A_810 : vector<16xf32>
        %get3A_812 = arith.index_cast %mul3A_656 : i32 to index
        %get3A_813 = arith.constant 80 : index
        %get3A_814 = tpu.vector_load %arg22[%get3A_812, %get3A_813] {strides = array<i32>} : memref<32x128xf32, #tpu.memory_space<vmem>>, vector<16xf32>,
        %get3A_815 = arith.index_cast %mul3A_656 : i32 to index
        %get3A_816 = arith.constant 80 : index
        %get3A_817 = tpu.vector_load %arg26[%get3A_815, %get3A_816] {strides = array<i32>} : memref<64x128xf32, #tpu.memory_space<vmem>>, vector<16xf32>,
        %add3A_818 = arith.addf %get3A_814, %get3A_817 : vector<16xf32>
        %add3A_819 = arith.constant 32 : i32
        %add3A_820 = arith.addi %add3A_819, %mul3A_656 : i32
        %get3A_821 = arith.index_cast %add3A_820 : i32 to index
        %get3A_822 = arith.constant 80 : index
        %get3A_823 = tpu.vector_load %arg26[%get3A_821, %get3A_822] {strides = array<i32>} : memref<64x128xf32, #tpu.memory_space<vmem>>, vector<16xf32>,
        %get3A_824 = arith.index_cast %mul3A_656 : i32 to index
        %get3A_825 = arith.constant 80 : index
        %get3A_826 = tpu.vector_load %arg28[%get3A_824, %get3A_825] {strides = array<i32>} : memref<64x128xf32, #tpu.memory_space<vmem>>, vector<16xf32>,
        %add3A_827 = arith.addf %get3A_823, %get3A_826 : vector<16xf32>
        %add3A_828 = arith.addf %add3A_818, %add3A_827 : vector<16xf32>
        %add3A_829 = arith.constant 32 : i32
        %add3A_830 = arith.addi %add3A_829, %mul3A_656 : i32
        %get3A_831 = arith.index_cast %add3A_830 : i32 to index
        %get3A_832 = arith.constant 80 : index
        %get3A_833 = tpu.vector_load %arg28[%get3A_831, %get3A_832] {strides = array<i32>} : memref<64x128xf32, #tpu.memory_space<vmem>>, vector<16xf32>,
        %get3A_834 = arith.index_cast %mul3A_656 : i32 to index
        %get3A_835 = arith.constant 80 : index
        %get3A_836 = tpu.vector_load %arg30[%get3A_834, %get3A_835] {strides = array<i32>} : memref<32x128xf32, #tpu.memory_space<vmem>>, vector<16xf32>,
        %add3A_837 = arith.addf %get3A_833, %get3A_836 : vector<16xf32>
        %add3A_838 = arith.addf %add3A_828, %add3A_837 : vector<16xf32>
        %get3A_839 = arith.index_cast %mul3A_656 : i32 to index
        %get3A_840 = arith.constant 80 : index
        %get3A_841 = tpu.vector_load %arg32[%get3A_839, %get3A_840] {strides = array<i32>} : memref<32x128xf32, #tpu.memory_space<vmem>>, vector<16xf32>,
        %add3A_842 = arith.addf %add3A_838, %get3A_841 : vector<16xf32>
        %get3A_843 = arith.index_cast %mul3A_656 : i32 to index
        %get3A_844 = arith.constant 96 : index
        %get3A_845 = tpu.vector_load %arg22[%get3A_843, %get3A_844] {strides = array<i32>} : memref<32x128xf32, #tpu.memory_space<vmem>>, vector<16xf32>,
        %get3A_846 = arith.index_cast %mul3A_656 : i32 to index
        %get3A_847 = arith.constant 96 : index
        %get3A_848 = tpu.vector_load %arg26[%get3A_846, %get3A_847] {strides = array<i32>} : memref<64x128xf32, #tpu.memory_space<vmem>>, vector<16xf32>,
        %add3A_849 = arith.addf %get3A_845, %get3A_848 : vector<16xf32>
        %add3A_850 = arith.constant 32 : i32
        %add3A_851 = arith.addi %add3A_850, %mul3A_656 : i32
        %get3A_852 = arith.index_cast %add3A_851 : i32 to index
        %get3A_853 = arith.constant 96 : index
        %get3A_854 = tpu.vector_load %arg26[%get3A_852, %get3A_853] {strides = array<i32>} : memref<64x128xf32, #tpu.memory_space<vmem>>, vector<16xf32>,
        %get3A_855 = arith.index_cast %mul3A_656 : i32 to index
        %get3A_856 = arith.constant 96 : index
        %get3A_857 = tpu.vector_load %arg28[%get3A_855, %get3A_856] {strides = array<i32>} : memref<64x128xf32, #tpu.memory_space<vmem>>, vector<16xf32>,
        %add3A_858 = arith.addf %get3A_854, %get3A_857 : vector<16xf32>
        %add3A_859 = arith.addf %add3A_849, %add3A_858 : vector<16xf32>
        %add3A_860 = arith.constant 32 : i32
        %add3A_861 = arith.addi %add3A_860, %mul3A_656 : i32
        %get3A_862 = arith.index_cast %add3A_861 : i32 to index
        %get3A_863 = arith.constant 96 : index
        %get3A_864 = tpu.vector_load %arg28[%get3A_862, %get3A_863] {strides = array<i32>} : memref<64x128xf32, #tpu.memory_space<vmem>>, vector<16xf32>,
        %get3A_865 = arith.index_cast %mul3A_656 : i32 to index
        %get3A_866 = arith.constant 96 : index
        %get3A_867 = tpu.vector_load %arg30[%get3A_865, %get3A_866] {strides = array<i32>} : memref<32x128xf32, #tpu.memory_space<vmem>>, vector<16xf32>,
        %add3A_868 = arith.addf %get3A_864, %get3A_867 : vector<16xf32>
        %add3A_869 = arith.addf %add3A_859, %add3A_868 : vector<16xf32>
        %get3A_870 = arith.index_cast %mul3A_656 : i32 to index
        %get3A_871 = arith.constant 96 : index
        %get3A_872 = tpu.vector_load %arg32[%get3A_870, %get3A_871] {strides = array<i32>} : memref<32x128xf32, #tpu.memory_space<vmem>>, vector<16xf32>,
        %add3A_873 = arith.addf %add3A_869, %get3A_872 : vector<16xf32>
        %get3A_874 = arith.index_cast %mul3A_656 : i32 to index
        %get3A_875 = arith.constant 112 : index
        %get3A_876 = tpu.vector_load %arg22[%get3A_874, %get3A_875] {strides = array<i32>} : memref<32x128xf32, #tpu.memory_space<vmem>>, vector<16xf32>,
        %get3A_877 = arith.index_cast %mul3A_656 : i32 to index
        %get3A_878 = arith.constant 112 : index
        %get3A_879 = tpu.vector_load %arg26[%get3A_877, %get3A_878] {strides = array<i32>} : memref<64x128xf32, #tpu.memory_space<vmem>>, vector<16xf32>,
        %add3A_880 = arith.addf %get3A_876, %get3A_879 : vector<16xf32>
        %add3A_881 = arith.constant 32 : i32
        %add3A_882 = arith.addi %add3A_881, %mul3A_656 : i32
        %get3A_883 = arith.index_cast %add3A_882 : i32 to index
        %get3A_884 = arith.constant 112 : index
        %get3A_885 = tpu.vector_load %arg26[%get3A_883, %get3A_884] {strides = array<i32>} : memref<64x128xf32, #tpu.memory_space<vmem>>, vector<16xf32>,
        %get3A_886 = arith.index_cast %mul3A_656 : i32 to index
        %get3A_887 = arith.constant 112 : index
        %get3A_888 = tpu.vector_load %arg28[%get3A_886, %get3A_887] {strides = array<i32>} : memref<64x128xf32, #tpu.memory_space<vmem>>, vector<16xf32>,
        %add3A_889 = arith.addf %get3A_885, %get3A_888 : vector<16xf32>
        %add3A_890 = arith.addf %add3A_880, %add3A_889 : vector<16xf32>
        %add3A_891 = arith.constant 32 : i32
        %add3A_892 = arith.addi %add3A_891, %mul3A_656 : i32
        %get3A_893 = arith.index_cast %add3A_892 : i32 to index
        %get3A_894 = arith.constant 112 : index
        %get3A_895 = tpu.vector_load %arg28[%get3A_893, %get3A_894] {strides = array<i32>} : memref<64x128xf32, #tpu.memory_space<vmem>>, vector<16xf32>,
        %get3A_896 = arith.index_cast %mul3A_656 : i32 to index
        %get3A_897 = arith.constant 112 : index
        %get3A_898 = tpu.vector_load %arg30[%get3A_896, %get3A_897] {strides = array<i32>} : memref<32x128xf32, #tpu.memory_space<vmem>>, vector<16xf32>,
        %add3A_899 = arith.addf %get3A_895, %get3A_898 : vector<16xf32>
        %add3A_900 = arith.addf %add3A_890, %add3A_899 : vector<16xf32>
        %get3A_901 = arith.index_cast %mul3A_656 : i32 to index
        %get3A_902 = arith.constant 112 : index
        %get3A_903 = tpu.vector_load %arg32[%get3A_901, %get3A_902] {strides = array<i32>} : memref<32x128xf32, #tpu.memory_space<vmem>>, vector<16xf32>,
        %add3A_904 = arith.addf %add3A_900, %get3A_903 : vector<16xf32>
        %get3A_905 = arith.index_cast %mul3A_656 : i32 to index
        %get3A_906 = arith.constant 0 : index
        %get3A_907 = tpu.vector_load %arg24[%get3A_905, %get3A_906] {strides = array<i32>} : memref<32x64xi32, #tpu.memory_space<vmem>>, vector<16xi32>,
        %shift_left3A = arith.constant 16 : i32
        %shift_left3A_908 = vector.broadcast %shift_left3A : i32 to vector<16xi32>
        %shift_left3A_909 = arith.shli %get3A_907, %shift_left3A_908 : vector<16xi32>
        %bitcast_convert_type3A = tpu.bitcast %shift_left3A_909 : vector<16xi32> -> vector<16xf32>
        %and3A = vector.broadcast %scan3A : i32 to vector<16xi32>
        %and3A_910 = arith.andi %get3A_907, %and3A : vector<16xi32>
        %bitcast_convert_type3A_911 = tpu.bitcast %and3A_910 : vector<16xi32> -> vector<16xf32>
        %add3A_912 = arith.addf %add3A_687, %bitcast_convert_type3A : vector<16xf32>
        %add3A_913 = arith.addf %add3A_718, %bitcast_convert_type3A_911 : vector<16xf32>
        %get3A_914 = arith.index_cast %mul3A_656 : i32 to index
        %get3A_915 = arith.constant 16 : index
        %get3A_916 = tpu.vector_load %arg24[%get3A_914, %get3A_915] {strides = array<i32>} : memref<32x64xi32, #tpu.memory_space<vmem>>, vector<16xi32>,
        %shift_left3A_917 = arith.constant 16 : i32
        %shift_left3A_918 = vector.broadcast %shift_left3A_917 : i32 to vector<16xi32>
        %shift_left3A_919 = arith.shli %get3A_916, %shift_left3A_918 : vector<16xi32>
        %bitcast_convert_type3A_920 = tpu.bitcast %shift_left3A_919 : vector<16xi32> -> vector<16xf32>
        %and3A_921 = vector.broadcast %scan3A : i32 to vector<16xi32>
        %and3A_922 = arith.andi %get3A_916, %and3A_921 : vector<16xi32>
        %bitcast_convert_type3A_923 = tpu.bitcast %and3A_922 : vector<16xi32> -> vector<16xf32>
        %add3A_924 = arith.addf %add3A_749, %bitcast_convert_type3A_920 : vector<16xf32>
        %add3A_925 = arith.addf %add3A_780, %bitcast_convert_type3A_923 : vector<16xf32>
        %get3A_926 = arith.index_cast %mul3A_656 : i32 to index
        %get3A_927 = arith.constant 32 : index
        %get3A_928 = tpu.vector_load %arg24[%get3A_926, %get3A_927] {strides = array<i32>} : memref<32x64xi32, #tpu.memory_space<vmem>>, vector<16xi32>,
        %shift_left3A_929 = arith.constant 16 : i32
        %shift_left3A_930 = vector.broadcast %shift_left3A_929 : i32 to vector<16xi32>
        %shift_left3A_931 = arith.shli %get3A_928, %shift_left3A_930 : vector<16xi32>
        %bitcast_convert_type3A_932 = tpu.bitcast %shift_left3A_931 : vector<16xi32> -> vector<16xf32>
        %and3A_933 = vector.broadcast %scan3A : i32 to vector<16xi32>
        %and3A_934 = arith.andi %get3A_928, %and3A_933 : vector<16xi32>
        %bitcast_convert_type3A_935 = tpu.bitcast %and3A_934 : vector<16xi32> -> vector<16xf32>
        %add3A_936 = arith.addf %add3A_811, %bitcast_convert_type3A_932 : vector<16xf32>
        %add3A_937 = arith.addf %add3A_842, %bitcast_convert_type3A_935 : vector<16xf32>
        %get3A_938 = arith.index_cast %mul3A_656 : i32 to index
        %get3A_939 = arith.constant 48 : index
        %get3A_940 = tpu.vector_load %arg24[%get3A_938, %get3A_939] {strides = array<i32>} : memref<32x64xi32, #tpu.memory_space<vmem>>, vector<16xi32>,
        %shift_left3A_941 = arith.constant 16 : i32
        %shift_left3A_942 = vector.broadcast %shift_left3A_941 : i32 to vector<16xi32>
        %shift_left3A_943 = arith.shli %get3A_940, %shift_left3A_942 : vector<16xi32>
        %bitcast_convert_type3A_944 = tpu.bitcast %shift_left3A_943 : vector<16xi32> -> vector<16xf32>
        %and3A_945 = vector.broadcast %scan3A : i32 to vector<16xi32>
        %and3A_946 = arith.andi %get3A_940, %and3A_945 : vector<16xi32>
        %bitcast_convert_type3A_947 = tpu.bitcast %and3A_946 : vector<16xi32> -> vector<16xf32>
        %add3A_948 = arith.addf %add3A_873, %bitcast_convert_type3A_944 : vector<16xf32>
        %add3A_949 = arith.addf %add3A_904, %bitcast_convert_type3A_947 : vector<16xf32>
        %add3A_950 = arith.addf %add3A_912, %add3A_913 : vector<16xf32>
        %add3A_951 = arith.addf %add3A_924, %add3A_925 : vector<16xf32>
        %add3A_952 = arith.addf %add3A_950, %add3A_951 : vector<16xf32>
        %add3A_953 = arith.addf %add3A_936, %add3A_937 : vector<16xf32>
        %add3A_954 = arith.addf %add3A_948, %add3A_949 : vector<16xf32>
        %add3A_955 = arith.addf %add3A_953, %add3A_954 : vector<16xf32>
        %add3A_956 = arith.addf %add3A_952, %add3A_955 : vector<16xf32>
        %mul3A_957 = arith.mulf %add3A_912, %add3A_912 : vector<16xf32>
        %mul3A_958 = arith.mulf %add3A_913, %add3A_913 : vector<16xf32>
        %mul3A_959 = arith.mulf %add3A_924, %add3A_924 : vector<16xf32>
        %mul3A_960 = arith.mulf %add3A_925, %add3A_925 : vector<16xf32>
        %mul3A_961 = arith.mulf %add3A_936, %add3A_936 : vector<16xf32>
        %mul3A_962 = arith.mulf %add3A_937, %add3A_937 : vector<16xf32>
        %mul3A_963 = arith.mulf %add3A_948, %add3A_948 : vector<16xf32>
        %mul3A_964 = arith.mulf %add3A_949, %add3A_949 : vector<16xf32>
        %add3A_965 = arith.addf %mul3A_957, %mul3A_958 : vector<16xf32>
        %add3A_966 = arith.addf %mul3A_959, %mul3A_960 : vector<16xf32>
        %add3A_967 = arith.addf %add3A_965, %add3A_966 : vector<16xf32>
        %add3A_968 = arith.addf %mul3A_961, %mul3A_962 : vector<16xf32>
        %add3A_969 = arith.addf %mul3A_963, %mul3A_964 : vector<16xf32>
        %add3A_970 = arith.addf %add3A_968, %add3A_969 : vector<16xf32>
        %add3A_971 = arith.addf %add3A_967, %add3A_970 : vector<16xf32>
        %reduce_sum3A = arith.constant true
        %reduce_sum3A_972 = vector.broadcast %reduce_sum3A : i1 to vector<16xi1>
        %reduce_sum3A_973 = tpu.scan <sum>, %add3A_956 masked %reduce_sum3A_972 : vector<16xf32>, vector<16xi1> -> vector<16xf32>
        %reduce_sum3A_974 = vector.extract %reduce_sum3A_973[15] : f32 from vector<16xf32>
        %mul3A_975 = arith.constant 7.812500e-03 : f32
        %mul3A_976 = arith.mulf %reduce_sum3A_974, %mul3A_975 : f32
        %reduce_sum3A_977 = arith.constant true
        %reduce_sum3A_978 = vector.broadcast %reduce_sum3A_977 : i1 to vector<16xi1>
        %reduce_sum3A_979 = tpu.scan <sum>, %add3A_971 masked %reduce_sum3A_978 : vector<16xf32>, vector<16xi1> -> vector<16xf32>
        %reduce_sum3A_980 = vector.extract %reduce_sum3A_979[15] : f32 from vector<16xf32>
        %mul3A_981 = arith.constant 7.812500e-03 : f32
        %mul3A_982 = arith.mulf %reduce_sum3A_980, %mul3A_981 : f32
        %mul3A_983 = arith.mulf %mul3A_976, %mul3A_976 : f32
        %sub3A_984 = arith.subf %mul3A_982, %mul3A_983 : f32
        %add3A_985 = arith.constant 9.99999997E-7 : f32
        %add3A_986 = arith.addf %sub3A_984, %add3A_985 : f32
        %bitcast_convert_type3A_987 = arith.bitcast %add3A_986 : f32 to i32
        %shift_right_logical3A = arith.constant 1 : i32
        %shift_right_logical3A_988 = arith.shrui %bitcast_convert_type3A_987, %shift_right_logical3A : i32
        %sub3A_989 = arith.constant 1597463007 : i32
        %sub3A_990 = arith.subi %sub3A_989, %shift_right_logical3A_988 : i32
        %bitcast_convert_type3A_991 = arith.bitcast %sub3A_990 : i32 to f32
        %mul3A_992 = arith.constant 5.000000e-01 : f32
        %mul3A_993 = arith.mulf %mul3A_992, %add3A_986 : f32
        %mul3A_994 = arith.mulf %mul3A_993, %bitcast_convert_type3A_991 : f32
        %mul3A_995 = arith.mulf %mul3A_994, %bitcast_convert_type3A_991 : f32
        %sub3A_996 = arith.constant 1.500000e+00 : f32
        %sub3A_997 = arith.subf %sub3A_996, %mul3A_995 : f32
        %mul3A_998 = arith.mulf %bitcast_convert_type3A_991, %sub3A_997 : f32
        %mul3A_999 = arith.constant 5.000000e-01 : f32
        %mul3A_1000 = arith.mulf %mul3A_999, %add3A_986 : f32
        %mul3A_1001 = arith.mulf %mul3A_1000, %mul3A_998 : f32
        %mul3A_1002 = arith.mulf %mul3A_1001, %mul3A_998 : f32
        %sub3A_1003 = arith.constant 1.500000e+00 : f32
        %sub3A_1004 = arith.subf %sub3A_1003, %mul3A_1002 : f32
        %mul3A_1005 = arith.mulf %mul3A_998, %sub3A_1004 : f32
        %mul3A_1006 = arith.constant 5.000000e-01 : f32
        %mul3A_1007 = arith.mulf %mul3A_1006, %add3A_986 : f32
        %mul3A_1008 = arith.mulf %mul3A_1007, %mul3A_1005 : f32
        %mul3A_1009 = arith.mulf %mul3A_1008, %mul3A_1005 : f32
        %sub3A_1010 = arith.constant 1.500000e+00 : f32
        %sub3A_1011 = arith.subf %sub3A_1010, %mul3A_1009 : f32
        %mul3A_1012 = arith.mulf %mul3A_1005, %sub3A_1011 : f32
        %sub3A_1013 = vector.broadcast %mul3A_976 : f32 to vector<16xf32>
        %sub3A_1014 = arith.subf %add3A_912, %sub3A_1013 : vector<16xf32>
        %mul3A_1015 = vector.broadcast %mul3A_1012 : f32 to vector<16xf32>
        %mul3A_1016 = arith.mulf %sub3A_1014, %mul3A_1015 : vector<16xf32>
        %mul3A_1017 = arith.mulf %mul3A_1016, %get3A_148 : vector<16xf32>
        %add3A_1018 = arith.addf %mul3A_1017, %get3A_164 : vector<16xf32>
        %swap3A_1019 = arith.index_cast %mul3A_656 : i32 to index
        %swap3A_1020 = arith.constant 0 : index
        %swap3A_1021 = tpu.vector_load %arg22[%swap3A_1019, %swap3A_1020] {strides = array<i32>} : memref<32x128xf32, #tpu.memory_space<vmem>>, vector<16xf32>,
        tpu.vector_store %arg22[%swap3A_1019, %swap3A_1020], %add3A_1018 {strides = array<i32>} : memref<32x128xf32, #tpu.memory_space<vmem>>, vector<16xf32>,
        %sub3A_1022 = vector.broadcast %mul3A_976 : f32 to vector<16xf32>
        %sub3A_1023 = arith.subf %add3A_913, %sub3A_1022 : vector<16xf32>
        %mul3A_1024 = vector.broadcast %mul3A_1012 : f32 to vector<16xf32>
        %mul3A_1025 = arith.mulf %sub3A_1023, %mul3A_1024 : vector<16xf32>
        %mul3A_1026 = arith.mulf %mul3A_1025, %get3A_150 : vector<16xf32>
        %add3A_1027 = arith.addf %mul3A_1026, %get3A_166 : vector<16xf32>
        %swap3A_1028 = arith.index_cast %mul3A_656 : i32 to index
        %swap3A_1029 = arith.constant 16 : index
        %swap3A_1030 = tpu.vector_load %arg22[%swap3A_1028, %swap3A_1029] {strides = array<i32>} : memref<32x128xf32, #tpu.memory_space<vmem>>, vector<16xf32>,
        tpu.vector_store %arg22[%swap3A_1028, %swap3A_1029], %add3A_1027 {strides = array<i32>} : memref<32x128xf32, #tpu.memory_space<vmem>>, vector<16xf32>,
        %sub3A_1031 = vector.broadcast %mul3A_976 : f32 to vector<16xf32>
        %sub3A_1032 = arith.subf %add3A_924, %sub3A_1031 : vector<16xf32>
        %mul3A_1033 = vector.broadcast %mul3A_1012 : f32 to vector<16xf32>
        %mul3A_1034 = arith.mulf %sub3A_1032, %mul3A_1033 : vector<16xf32>
        %mul3A_1035 = arith.mulf %mul3A_1034, %get3A_152 : vector<16xf32>
        %add3A_1036 = arith.addf %mul3A_1035, %get3A_168 : vector<16xf32>
        %swap3A_1037 = arith.index_cast %mul3A_656 : i32 to index
        %swap3A_1038 = arith.constant 32 : index
        %swap3A_1039 = tpu.vector_load %arg22[%swap3A_1037, %swap3A_1038] {strides = array<i32>} : memref<32x128xf32, #tpu.memory_space<vmem>>, vector<16xf32>,
        tpu.vector_store %arg22[%swap3A_1037, %swap3A_1038], %add3A_1036 {strides = array<i32>} : memref<32x128xf32, #tpu.memory_space<vmem>>, vector<16xf32>,
        %sub3A_1040 = vector.broadcast %mul3A_976 : f32 to vector<16xf32>
        %sub3A_1041 = arith.subf %add3A_925, %sub3A_1040 : vector<16xf32>
        %mul3A_1042 = vector.broadcast %mul3A_1012 : f32 to vector<16xf32>
        %mul3A_1043 = arith.mulf %sub3A_1041, %mul3A_1042 : vector<16xf32>
        %mul3A_1044 = arith.mulf %mul3A_1043, %get3A_154 : vector<16xf32>
        %add3A_1045 = arith.addf %mul3A_1044, %get3A_170 : vector<16xf32>
        %swap3A_1046 = arith.index_cast %mul3A_656 : i32 to index
        %swap3A_1047 = arith.constant 48 : index
        %swap3A_1048 = tpu.vector_load %arg22[%swap3A_1046, %swap3A_1047] {strides = array<i32>} : memref<32x128xf32, #tpu.memory_space<vmem>>, vector<16xf32>,
        tpu.vector_store %arg22[%swap3A_1046, %swap3A_1047], %add3A_1045 {strides = array<i32>} : memref<32x128xf32, #tpu.memory_space<vmem>>, vector<16xf32>,
        %sub3A_1049 = vector.broadcast %mul3A_976 : f32 to vector<16xf32>
        %sub3A_1050 = arith.subf %add3A_936, %sub3A_1049 : vector<16xf32>
        %mul3A_1051 = vector.broadcast %mul3A_1012 : f32 to vector<16xf32>
        %mul3A_1052 = arith.mulf %sub3A_1050, %mul3A_1051 : vector<16xf32>
        %mul3A_1053 = arith.mulf %mul3A_1052, %get3A_156 : vector<16xf32>
        %add3A_1054 = arith.addf %mul3A_1053, %get3A_172 : vector<16xf32>
        %swap3A_1055 = arith.index_cast %mul3A_656 : i32 to index
        %swap3A_1056 = arith.constant 64 : index
        %swap3A_1057 = tpu.vector_load %arg22[%swap3A_1055, %swap3A_1056] {strides = array<i32>} : memref<32x128xf32, #tpu.memory_space<vmem>>, vector<16xf32>,
        tpu.vector_store %arg22[%swap3A_1055, %swap3A_1056], %add3A_1054 {strides = array<i32>} : memref<32x128xf32, #tpu.memory_space<vmem>>, vector<16xf32>,
        %sub3A_1058 = vector.broadcast %mul3A_976 : f32 to vector<16xf32>
        %sub3A_1059 = arith.subf %add3A_937, %sub3A_1058 : vector<16xf32>
        %mul3A_1060 = vector.broadcast %mul3A_1012 : f32 to vector<16xf32>
        %mul3A_1061 = arith.mulf %sub3A_1059, %mul3A_1060 : vector<16xf32>
        %mul3A_1062 = arith.mulf %mul3A_1061, %get3A_158 : vector<16xf32>
        %add3A_1063 = arith.addf %mul3A_1062, %get3A_174 : vector<16xf32>
        %swap3A_1064 = arith.index_cast %mul3A_656 : i32 to index
        %swap3A_1065 = arith.constant 80 : index
        %swap3A_1066 = tpu.vector_load %arg22[%swap3A_1064, %swap3A_1065] {strides = array<i32>} : memref<32x128xf32, #tpu.memory_space<vmem>>, vector<16xf32>,
        tpu.vector_store %arg22[%swap3A_1064, %swap3A_1065], %add3A_1063 {strides = array<i32>} : memref<32x128xf32, #tpu.memory_space<vmem>>, vector<16xf32>,
        %sub3A_1067 = vector.broadcast %mul3A_976 : f32 to vector<16xf32>
        %sub3A_1068 = arith.subf %add3A_948, %sub3A_1067 : vector<16xf32>
        %mul3A_1069 = vector.broadcast %mul3A_1012 : f32 to vector<16xf32>
        %mul3A_1070 = arith.mulf %sub3A_1068, %mul3A_1069 : vector<16xf32>
        %mul3A_1071 = arith.mulf %mul3A_1070, %get3A_160 : vector<16xf32>
        %add3A_1072 = arith.addf %mul3A_1071, %get3A_176 : vector<16xf32>
        %swap3A_1073 = arith.index_cast %mul3A_656 : i32 to index
        %swap3A_1074 = arith.constant 96 : index
        %swap3A_1075 = tpu.vector_load %arg22[%swap3A_1073, %swap3A_1074] {strides = array<i32>} : memref<32x128xf32, #tpu.memory_space<vmem>>, vector<16xf32>,
        tpu.vector_store %arg22[%swap3A_1073, %swap3A_1074], %add3A_1072 {strides = array<i32>} : memref<32x128xf32, #tpu.memory_space<vmem>>, vector<16xf32>,
        %sub3A_1076 = vector.broadcast %mul3A_976 : f32 to vector<16xf32>
        %sub3A_1077 = arith.subf %add3A_949, %sub3A_1076 : vector<16xf32>
        %mul3A_1078 = vector.broadcast %mul3A_1012 : f32 to vector<16xf32>
        %mul3A_1079 = arith.mulf %sub3A_1077, %mul3A_1078 : vector<16xf32>
        %mul3A_1080 = arith.mulf %mul3A_1079, %get3A_162 : vector<16xf32>
        %add3A_1081 = arith.addf %mul3A_1080, %get3A_178 : vector<16xf32>
        %swap3A_1082 = arith.index_cast %mul3A_656 : i32 to index
        %swap3A_1083 = arith.constant 112 : index
        %swap3A_1084 = tpu.vector_load %arg22[%swap3A_1082, %swap3A_1083] {strides = array<i32>} : memref<32x128xf32, #tpu.memory_space<vmem>>, vector<16xf32>,
        tpu.vector_store %arg22[%swap3A_1082, %swap3A_1083], %add3A_1081 {strides = array<i32>} : memref<32x128xf32, #tpu.memory_space<vmem>>, vector<16xf32>,
        %mul3A_1085 = arith.constant 2 : i32
        %mul3A_1086 = arith.muli %mul3A_1085, %scan3A_654 : i32
        %add3A_1087 = arith.constant 1 : i32
        %add3A_1088 = arith.addi %mul3A_1086, %add3A_1087 : i32
        %get3A_1089 = arith.index_cast %add3A_1088 : i32 to index
        %get3A_1090 = arith.constant 0 : index
        %get3A_1091 = tpu.vector_load %arg22[%get3A_1089, %get3A_1090] {strides = array<i32>} : memref<32x128xf32, #tpu.memory_space<vmem>>, vector<16xf32>,
        %get3A_1092 = arith.index_cast %add3A_1088 : i32 to index
        %get3A_1093 = arith.constant 0 : index
        %get3A_1094 = tpu.vector_load %arg26[%get3A_1092, %get3A_1093] {strides = array<i32>} : memref<64x128xf32, #tpu.memory_space<vmem>>, vector<16xf32>,
        %add3A_1095 = arith.addf %get3A_1091, %get3A_1094 : vector<16xf32>
        %add3A_1096 = arith.constant 32 : i32
        %add3A_1097 = arith.addi %add3A_1096, %add3A_1088 : i32
        %get3A_1098 = arith.index_cast %add3A_1097 : i32 to index
        %get3A_1099 = arith.constant 0 : index
        %get3A_1100 = tpu.vector_load %arg26[%get3A_1098, %get3A_1099] {strides = array<i32>} : memref<64x128xf32, #tpu.memory_space<vmem>>, vector<16xf32>,
        %get3A_1101 = arith.index_cast %add3A_1088 : i32 to index
        %get3A_1102 = arith.constant 0 : index
        %get3A_1103 = tpu.vector_load %arg28[%get3A_1101, %get3A_1102] {strides = array<i32>} : memref<64x128xf32, #tpu.memory_space<vmem>>, vector<16xf32>,
        %add3A_1104 = arith.addf %get3A_1100, %get3A_1103 : vector<16xf32>
        %add3A_1105 = arith.addf %add3A_1095, %add3A_1104 : vector<16xf32>
        %add3A_1106 = arith.constant 32 : i32
        %add3A_1107 = arith.addi %add3A_1106, %add3A_1088 : i32
        %get3A_1108 = arith.index_cast %add3A_1107 : i32 to index
        %get3A_1109 = arith.constant 0 : index
        %get3A_1110 = tpu.vector_load %arg28[%get3A_1108, %get3A_1109] {strides = array<i32>} : memref<64x128xf32, #tpu.memory_space<vmem>>, vector<16xf32>,
        %get3A_1111 = arith.index_cast %add3A_1088 : i32 to index
        %get3A_1112 = arith.constant 0 : index
        %get3A_1113 = tpu.vector_load %arg30[%get3A_1111, %get3A_1112] {strides = array<i32>} : memref<32x128xf32, #tpu.memory_space<vmem>>, vector<16xf32>,
        %add3A_1114 = arith.addf %get3A_1110, %get3A_1113 : vector<16xf32>
        %add3A_1115 = arith.addf %add3A_1105, %add3A_1114 : vector<16xf32>
        %get3A_1116 = arith.index_cast %add3A_1088 : i32 to index
        %get3A_1117 = arith.constant 0 : index
        %get3A_1118 = tpu.vector_load %arg32[%get3A_1116, %get3A_1117] {strides = array<i32>} : memref<32x128xf32, #tpu.memory_space<vmem>>, vector<16xf32>,
        %add3A_1119 = arith.addf %add3A_1115, %get3A_1118 : vector<16xf32>
        %get3A_1120 = arith.index_cast %add3A_1088 : i32 to index
        %get3A_1121 = arith.constant 16 : index
        %get3A_1122 = tpu.vector_load %arg22[%get3A_1120, %get3A_1121] {strides = array<i32>} : memref<32x128xf32, #tpu.memory_space<vmem>>, vector<16xf32>,
        %get3A_1123 = arith.index_cast %add3A_1088 : i32 to index
        %get3A_1124 = arith.constant 16 : index
        %get3A_1125 = tpu.vector_load %arg26[%get3A_1123, %get3A_1124] {strides = array<i32>} : memref<64x128xf32, #tpu.memory_space<vmem>>, vector<16xf32>,
        %add3A_1126 = arith.addf %get3A_1122, %get3A_1125 : vector<16xf32>
        %add3A_1127 = arith.constant 32 : i32
        %add3A_1128 = arith.addi %add3A_1127, %add3A_1088 : i32
        %get3A_1129 = arith.index_cast %add3A_1128 : i32 to index
        %get3A_1130 = arith.constant 16 : index
        %get3A_1131 = tpu.vector_load %arg26[%get3A_1129, %get3A_1130] {strides = array<i32>} : memref<64x128xf32, #tpu.memory_space<vmem>>, vector<16xf32>,
        %get3A_1132 = arith.index_cast %add3A_1088 : i32 to index
        %get3A_1133 = arith.constant 16 : index
        %get3A_1134 = tpu.vector_load %arg28[%get3A_1132, %get3A_1133] {strides = array<i32>} : memref<64x128xf32, #tpu.memory_space<vmem>>, vector<16xf32>,
        %add3A_1135 = arith.addf %get3A_1131, %get3A_1134 : vector<16xf32>
        %add3A_1136 = arith.addf %add3A_1126, %add3A_1135 : vector<16xf32>
        %add3A_1137 = arith.constant 32 : i32
        %add3A_1138 = arith.addi %add3A_1137, %add3A_1088 : i32
        %get3A_1139 = arith.index_cast %add3A_1138 : i32 to index
        %get3A_1140 = arith.constant 16 : index
        %get3A_1141 = tpu.vector_load %arg28[%get3A_1139, %get3A_1140] {strides = array<i32>} : memref<64x128xf32, #tpu.memory_space<vmem>>, vector<16xf32>,
        %get3A_1142 = arith.index_cast %add3A_1088 : i32 to index
        %get3A_1143 = arith.constant 16 : index
        %get3A_1144 = tpu.vector_load %arg30[%get3A_1142, %get3A_1143] {strides = array<i32>} : memref<32x128xf32, #tpu.memory_space<vmem>>, vector<16xf32>,
        %add3A_1145 = arith.addf %get3A_1141, %get3A_1144 : vector<16xf32>
        %add3A_1146 = arith.addf %add3A_1136, %add3A_1145 : vector<16xf32>
        %get3A_1147 = arith.index_cast %add3A_1088 : i32 to index
        %get3A_1148 = arith.constant 16 : index
        %get3A_1149 = tpu.vector_load %arg32[%get3A_1147, %get3A_1148] {strides = array<i32>} : memref<32x128xf32, #tpu.memory_space<vmem>>, vector<16xf32>,
        %add3A_1150 = arith.addf %add3A_1146, %get3A_1149 : vector<16xf32>
        %get3A_1151 = arith.index_cast %add3A_1088 : i32 to index
        %get3A_1152 = arith.constant 32 : index
        %get3A_1153 = tpu.vector_load %arg22[%get3A_1151, %get3A_1152] {strides = array<i32>} : memref<32x128xf32, #tpu.memory_space<vmem>>, vector<16xf32>,
        %get3A_1154 = arith.index_cast %add3A_1088 : i32 to index
        %get3A_1155 = arith.constant 32 : index
        %get3A_1156 = tpu.vector_load %arg26[%get3A_1154, %get3A_1155] {strides = array<i32>} : memref<64x128xf32, #tpu.memory_space<vmem>>, vector<16xf32>,
        %add3A_1157 = arith.addf %get3A_1153, %get3A_1156 : vector<16xf32>
        %add3A_1158 = arith.constant 32 : i32
        %add3A_1159 = arith.addi %add3A_1158, %add3A_1088 : i32
        %get3A_1160 = arith.index_cast %add3A_1159 : i32 to index
        %get3A_1161 = arith.constant 32 : index
        %get3A_1162 = tpu.vector_load %arg26[%get3A_1160, %get3A_1161] {strides = array<i32>} : memref<64x128xf32, #tpu.memory_space<vmem>>, vector<16xf32>,
        %get3A_1163 = arith.index_cast %add3A_1088 : i32 to index
        %get3A_1164 = arith.constant 32 : index
        %get3A_1165 = tpu.vector_load %arg28[%get3A_1163, %get3A_1164] {strides = array<i32>} : memref<64x128xf32, #tpu.memory_space<vmem>>, vector<16xf32>,
        %add3A_1166 = arith.addf %get3A_1162, %get3A_1165 : vector<16xf32>
        %add3A_1167 = arith.addf %add3A_1157, %add3A_1166 : vector<16xf32>
        %add3A_1168 = arith.constant 32 : i32
        %add3A_1169 = arith.addi %add3A_1168, %add3A_1088 : i32
        %get3A_1170 = arith.index_cast %add3A_1169 : i32 to index
        %get3A_1171 = arith.constant 32 : index
        %get3A_1172 = tpu.vector_load %arg28[%get3A_1170, %get3A_1171] {strides = array<i32>} : memref<64x128xf32, #tpu.memory_space<vmem>>, vector<16xf32>,
        %get3A_1173 = arith.index_cast %add3A_1088 : i32 to index
        %get3A_1174 = arith.constant 32 : index
        %get3A_1175 = tpu.vector_load %arg30[%get3A_1173, %get3A_1174] {strides = array<i32>} : memref<32x128xf32, #tpu.memory_space<vmem>>, vector<16xf32>,
        %add3A_1176 = arith.addf %get3A_1172, %get3A_1175 : vector<16xf32>
        %add3A_1177 = arith.addf %add3A_1167, %add3A_1176 : vector<16xf32>
        %get3A_1178 = arith.index_cast %add3A_1088 : i32 to index
        %get3A_1179 = arith.constant 32 : index
        %get3A_1180 = tpu.vector_load %arg32[%get3A_1178, %get3A_1179] {strides = array<i32>} : memref<32x128xf32, #tpu.memory_space<vmem>>, vector<16xf32>,
        %add3A_1181 = arith.addf %add3A_1177, %get3A_1180 : vector<16xf32>
        %get3A_1182 = arith.index_cast %add3A_1088 : i32 to index
        %get3A_1183 = arith.constant 48 : index
        %get3A_1184 = tpu.vector_load %arg22[%get3A_1182, %get3A_1183] {strides = array<i32>} : memref<32x128xf32, #tpu.memory_space<vmem>>, vector<16xf32>,
        %get3A_1185 = arith.index_cast %add3A_1088 : i32 to index
        %get3A_1186 = arith.constant 48 : index
        %get3A_1187 = tpu.vector_load %arg26[%get3A_1185, %get3A_1186] {strides = array<i32>} : memref<64x128xf32, #tpu.memory_space<vmem>>, vector<16xf32>,
        %add3A_1188 = arith.addf %get3A_1184, %get3A_1187 : vector<16xf32>
        %add3A_1189 = arith.constant 32 : i32
        %add3A_1190 = arith.addi %add3A_1189, %add3A_1088 : i32
        %get3A_1191 = arith.index_cast %add3A_1190 : i32 to index
        %get3A_1192 = arith.constant 48 : index
        %get3A_1193 = tpu.vector_load %arg26[%get3A_1191, %get3A_1192] {strides = array<i32>} : memref<64x128xf32, #tpu.memory_space<vmem>>, vector<16xf32>,
        %get3A_1194 = arith.index_cast %add3A_1088 : i32 to index
        %get3A_1195 = arith.constant 48 : index
        %get3A_1196 = tpu.vector_load %arg28[%get3A_1194, %get3A_1195] {strides = array<i32>} : memref<64x128xf32, #tpu.memory_space<vmem>>, vector<16xf32>,
        %add3A_1197 = arith.addf %get3A_1193, %get3A_1196 : vector<16xf32>
        %add3A_1198 = arith.addf %add3A_1188, %add3A_1197 : vector<16xf32>
        %add3A_1199 = arith.constant 32 : i32
        %add3A_1200 = arith.addi %add3A_1199, %add3A_1088 : i32
        %get3A_1201 = arith.index_cast %add3A_1200 : i32 to index
        %get3A_1202 = arith.constant 48 : index
        %get3A_1203 = tpu.vector_load %arg28[%get3A_1201, %get3A_1202] {strides = array<i32>} : memref<64x128xf32, #tpu.memory_space<vmem>>, vector<16xf32>,
        %get3A_1204 = arith.index_cast %add3A_1088 : i32 to index
        %get3A_1205 = arith.constant 48 : index
        %get3A_1206 = tpu.vector_load %arg30[%get3A_1204, %get3A_1205] {strides = array<i32>} : memref<32x128xf32, #tpu.memory_space<vmem>>, vector<16xf32>,
        %add3A_1207 = arith.addf %get3A_1203, %get3A_1206 : vector<16xf32>
        %add3A_1208 = arith.addf %add3A_1198, %add3A_1207 : vector<16xf32>
        %get3A_1209 = arith.index_cast %add3A_1088 : i32 to index
        %get3A_1210 = arith.constant 48 : index
        %get3A_1211 = tpu.vector_load %arg32[%get3A_1209, %get3A_1210] {strides = array<i32>} : memref<32x128xf32, #tpu.memory_space<vmem>>, vector<16xf32>,
        %add3A_1212 = arith.addf %add3A_1208, %get3A_1211 : vector<16xf32>
        %get3A_1213 = arith.index_cast %add3A_1088 : i32 to index
        %get3A_1214 = arith.constant 64 : index
        %get3A_1215 = tpu.vector_load %arg22[%get3A_1213, %get3A_1214] {strides = array<i32>} : memref<32x128xf32, #tpu.memory_space<vmem>>, vector<16xf32>,
        %get3A_1216 = arith.index_cast %add3A_1088 : i32 to index
        %get3A_1217 = arith.constant 64 : index
        %get3A_1218 = tpu.vector_load %arg26[%get3A_1216, %get3A_1217] {strides = array<i32>} : memref<64x128xf32, #tpu.memory_space<vmem>>, vector<16xf32>,
        %add3A_1219 = arith.addf %get3A_1215, %get3A_1218 : vector<16xf32>
        %add3A_1220 = arith.constant 32 : i32
        %add3A_1221 = arith.addi %add3A_1220, %add3A_1088 : i32
        %get3A_1222 = arith.index_cast %add3A_1221 : i32 to index
        %get3A_1223 = arith.constant 64 : index
        %get3A_1224 = tpu.vector_load %arg26[%get3A_1222, %get3A_1223] {strides = array<i32>} : memref<64x128xf32, #tpu.memory_space<vmem>>, vector<16xf32>,
        %get3A_1225 = arith.index_cast %add3A_1088 : i32 to index
        %get3A_1226 = arith.constant 64 : index
        %get3A_1227 = tpu.vector_load %arg28[%get3A_1225, %get3A_1226] {strides = array<i32>} : memref<64x128xf32, #tpu.memory_space<vmem>>, vector<16xf32>,
        %add3A_1228 = arith.addf %get3A_1224, %get3A_1227 : vector<16xf32>
        %add3A_1229 = arith.addf %add3A_1219, %add3A_1228 : vector<16xf32>
        %add3A_1230 = arith.constant 32 : i32
        %add3A_1231 = arith.addi %add3A_1230, %add3A_1088 : i32
        %get3A_1232 = arith.index_cast %add3A_1231 : i32 to index
        %get3A_1233 = arith.constant 64 : index
        %get3A_1234 = tpu.vector_load %arg28[%get3A_1232, %get3A_1233] {strides = array<i32>} : memref<64x128xf32, #tpu.memory_space<vmem>>, vector<16xf32>,
        %get3A_1235 = arith.index_cast %add3A_1088 : i32 to index
        %get3A_1236 = arith.constant 64 : index
        %get3A_1237 = tpu.vector_load %arg30[%get3A_1235, %get3A_1236] {strides = array<i32>} : memref<32x128xf32, #tpu.memory_space<vmem>>, vector<16xf32>,
        %add3A_1238 = arith.addf %get3A_1234, %get3A_1237 : vector<16xf32>
        %add3A_1239 = arith.addf %add3A_1229, %add3A_1238 : vector<16xf32>
        %get3A_1240 = arith.index_cast %add3A_1088 : i32 to index
        %get3A_1241 = arith.constant 64 : index
        %get3A_1242 = tpu.vector_load %arg32[%get3A_1240, %get3A_1241] {strides = array<i32>} : memref<32x128xf32, #tpu.memory_space<vmem>>, vector<16xf32>,
        %add3A_1243 = arith.addf %add3A_1239, %get3A_1242 : vector<16xf32>
        %get3A_1244 = arith.index_cast %add3A_1088 : i32 to index
        %get3A_1245 = arith.constant 80 : index
        %get3A_1246 = tpu.vector_load %arg22[%get3A_1244, %get3A_1245] {strides = array<i32>} : memref<32x128xf32, #tpu.memory_space<vmem>>, vector<16xf32>,
        %get3A_1247 = arith.index_cast %add3A_1088 : i32 to index
        %get3A_1248 = arith.constant 80 : index
        %get3A_1249 = tpu.vector_load %arg26[%get3A_1247, %get3A_1248] {strides = array<i32>} : memref<64x128xf32, #tpu.memory_space<vmem>>, vector<16xf32>,
        %add3A_1250 = arith.addf %get3A_1246, %get3A_1249 : vector<16xf32>
        %add3A_1251 = arith.constant 32 : i32
        %add3A_1252 = arith.addi %add3A_1251, %add3A_1088 : i32
        %get3A_1253 = arith.index_cast %add3A_1252 : i32 to index
        %get3A_1254 = arith.constant 80 : index
        %get3A_1255 = tpu.vector_load %arg26[%get3A_1253, %get3A_1254] {strides = array<i32>} : memref<64x128xf32, #tpu.memory_space<vmem>>, vector<16xf32>,
        %get3A_1256 = arith.index_cast %add3A_1088 : i32 to index
        %get3A_1257 = arith.constant 80 : index
        %get3A_1258 = tpu.vector_load %arg28[%get3A_1256, %get3A_1257] {strides = array<i32>} : memref<64x128xf32, #tpu.memory_space<vmem>>, vector<16xf32>,
        %add3A_1259 = arith.addf %get3A_1255, %get3A_1258 : vector<16xf32>
        %add3A_1260 = arith.addf %add3A_1250, %add3A_1259 : vector<16xf32>
        %add3A_1261 = arith.constant 32 : i32
        %add3A_1262 = arith.addi %add3A_1261, %add3A_1088 : i32
        %get3A_1263 = arith.index_cast %add3A_1262 : i32 to index
        %get3A_1264 = arith.constant 80 : index
        %get3A_1265 = tpu.vector_load %arg28[%get3A_1263, %get3A_1264] {strides = array<i32>} : memref<64x128xf32, #tpu.memory_space<vmem>>, vector<16xf32>,
        %get3A_1266 = arith.index_cast %add3A_1088 : i32 to index
        %get3A_1267 = arith.constant 80 : index
        %get3A_1268 = tpu.vector_load %arg30[%get3A_1266, %get3A_1267] {strides = array<i32>} : memref<32x128xf32, #tpu.memory_space<vmem>>, vector<16xf32>,
        %add3A_1269 = arith.addf %get3A_1265, %get3A_1268 : vector<16xf32>
        %add3A_1270 = arith.addf %add3A_1260, %add3A_1269 : vector<16xf32>
        %get3A_1271 = arith.index_cast %add3A_1088 : i32 to index
        %get3A_1272 = arith.constant 80 : index
        %get3A_1273 = tpu.vector_load %arg32[%get3A_1271, %get3A_1272] {strides = array<i32>} : memref<32x128xf32, #tpu.memory_space<vmem>>, vector<16xf32>,
        %add3A_1274 = arith.addf %add3A_1270, %get3A_1273 : vector<16xf32>
        %get3A_1275 = arith.index_cast %add3A_1088 : i32 to index
        %get3A_1276 = arith.constant 96 : index
        %get3A_1277 = tpu.vector_load %arg22[%get3A_1275, %get3A_1276] {strides = array<i32>} : memref<32x128xf32, #tpu.memory_space<vmem>>, vector<16xf32>,
        %get3A_1278 = arith.index_cast %add3A_1088 : i32 to index
        %get3A_1279 = arith.constant 96 : index
        %get3A_1280 = tpu.vector_load %arg26[%get3A_1278, %get3A_1279] {strides = array<i32>} : memref<64x128xf32, #tpu.memory_space<vmem>>, vector<16xf32>,
        %add3A_1281 = arith.addf %get3A_1277, %get3A_1280 : vector<16xf32>
        %add3A_1282 = arith.constant 32 : i32
        %add3A_1283 = arith.addi %add3A_1282, %add3A_1088 : i32
        %get3A_1284 = arith.index_cast %add3A_1283 : i32 to index
        %get3A_1285 = arith.constant 96 : index
        %get3A_1286 = tpu.vector_load %arg26[%get3A_1284, %get3A_1285] {strides = array<i32>} : memref<64x128xf32, #tpu.memory_space<vmem>>, vector<16xf32>,
        %get3A_1287 = arith.index_cast %add3A_1088 : i32 to index
        %get3A_1288 = arith.constant 96 : index
        %get3A_1289 = tpu.vector_load %arg28[%get3A_1287, %get3A_1288] {strides = array<i32>} : memref<64x128xf32, #tpu.memory_space<vmem>>, vector<16xf32>,
        %add3A_1290 = arith.addf %get3A_1286, %get3A_1289 : vector<16xf32>
        %add3A_1291 = arith.addf %add3A_1281, %add3A_1290 : vector<16xf32>
        %add3A_1292 = arith.constant 32 : i32
        %add3A_1293 = arith.addi %add3A_1292, %add3A_1088 : i32
        %get3A_1294 = arith.index_cast %add3A_1293 : i32 to index
        %get3A_1295 = arith.constant 96 : index
        %get3A_1296 = tpu.vector_load %arg28[%get3A_1294, %get3A_1295] {strides = array<i32>} : memref<64x128xf32, #tpu.memory_space<vmem>>, vector<16xf32>,
        %get3A_1297 = arith.index_cast %add3A_1088 : i32 to index
        %get3A_1298 = arith.constant 96 : index
        %get3A_1299 = tpu.vector_load %arg30[%get3A_1297, %get3A_1298] {strides = array<i32>} : memref<32x128xf32, #tpu.memory_space<vmem>>, vector<16xf32>,
        %add3A_1300 = arith.addf %get3A_1296, %get3A_1299 : vector<16xf32>
        %add3A_1301 = arith.addf %add3A_1291, %add3A_1300 : vector<16xf32>
        %get3A_1302 = arith.index_cast %add3A_1088 : i32 to index
        %get3A_1303 = arith.constant 96 : index
        %get3A_1304 = tpu.vector_load %arg32[%get3A_1302, %get3A_1303] {strides = array<i32>} : memref<32x128xf32, #tpu.memory_space<vmem>>, vector<16xf32>,
        %add3A_1305 = arith.addf %add3A_1301, %get3A_1304 : vector<16xf32>
        %get3A_1306 = arith.index_cast %add3A_1088 : i32 to index
        %get3A_1307 = arith.constant 112 : index
        %get3A_1308 = tpu.vector_load %arg22[%get3A_1306, %get3A_1307] {strides = array<i32>} : memref<32x128xf32, #tpu.memory_space<vmem>>, vector<16xf32>,
        %get3A_1309 = arith.index_cast %add3A_1088 : i32 to index
        %get3A_1310 = arith.constant 112 : index
        %get3A_1311 = tpu.vector_load %arg26[%get3A_1309, %get3A_1310] {strides = array<i32>} : memref<64x128xf32, #tpu.memory_space<vmem>>, vector<16xf32>,
        %add3A_1312 = arith.addf %get3A_1308, %get3A_1311 : vector<16xf32>
        %add3A_1313 = arith.constant 32 : i32
        %add3A_1314 = arith.addi %add3A_1313, %add3A_1088 : i32
        %get3A_1315 = arith.index_cast %add3A_1314 : i32 to index
        %get3A_1316 = arith.constant 112 : index
        %get3A_1317 = tpu.vector_load %arg26[%get3A_1315, %get3A_1316] {strides = array<i32>} : memref<64x128xf32, #tpu.memory_space<vmem>>, vector<16xf32>,
        %get3A_1318 = arith.index_cast %add3A_1088 : i32 to index
        %get3A_1319 = arith.constant 112 : index
        %get3A_1320 = tpu.vector_load %arg28[%get3A_1318, %get3A_1319] {strides = array<i32>} : memref<64x128xf32, #tpu.memory_space<vmem>>, vector<16xf32>,
        %add3A_1321 = arith.addf %get3A_1317, %get3A_1320 : vector<16xf32>
        %add3A_1322 = arith.addf %add3A_1312, %add3A_1321 : vector<16xf32>
        %add3A_1323 = arith.constant 32 : i32
        %add3A_1324 = arith.addi %add3A_1323, %add3A_1088 : i32
        %get3A_1325 = arith.index_cast %add3A_1324 : i32 to index
        %get3A_1326 = arith.constant 112 : index
        %get3A_1327 = tpu.vector_load %arg28[%get3A_1325, %get3A_1326] {strides = array<i32>} : memref<64x128xf32, #tpu.memory_space<vmem>>, vector<16xf32>,
        %get3A_1328 = arith.index_cast %add3A_1088 : i32 to index
        %get3A_1329 = arith.constant 112 : index
        %get3A_1330 = tpu.vector_load %arg30[%get3A_1328, %get3A_1329] {strides = array<i32>} : memref<32x128xf32, #tpu.memory_space<vmem>>, vector<16xf32>,
        %add3A_1331 = arith.addf %get3A_1327, %get3A_1330 : vector<16xf32>
        %add3A_1332 = arith.addf %add3A_1322, %add3A_1331 : vector<16xf32>
        %get3A_1333 = arith.index_cast %add3A_1088 : i32 to index
        %get3A_1334 = arith.constant 112 : index
        %get3A_1335 = tpu.vector_load %arg32[%get3A_1333, %get3A_1334] {strides = array<i32>} : memref<32x128xf32, #tpu.memory_space<vmem>>, vector<16xf32>,
        %add3A_1336 = arith.addf %add3A_1332, %get3A_1335 : vector<16xf32>
        %get3A_1337 = arith.index_cast %add3A_1088 : i32 to index
        %get3A_1338 = arith.constant 0 : index
        %get3A_1339 = tpu.vector_load %arg24[%get3A_1337, %get3A_1338] {strides = array<i32>} : memref<32x64xi32, #tpu.memory_space<vmem>>, vector<16xi32>,
        %shift_left3A_1340 = arith.constant 16 : i32
        %shift_left3A_1341 = vector.broadcast %shift_left3A_1340 : i32 to vector<16xi32>
        %shift_left3A_1342 = arith.shli %get3A_1339, %shift_left3A_1341 : vector<16xi32>
        %bitcast_convert_type3A_1343 = tpu.bitcast %shift_left3A_1342 : vector<16xi32> -> vector<16xf32>
        %and3A_1344 = vector.broadcast %scan3A : i32 to vector<16xi32>
        %and3A_1345 = arith.andi %get3A_1339, %and3A_1344 : vector<16xi32>
        %bitcast_convert_type3A_1346 = tpu.bitcast %and3A_1345 : vector<16xi32> -> vector<16xf32>
        %add3A_1347 = arith.addf %add3A_1119, %bitcast_convert_type3A_1343 : vector<16xf32>
        %add3A_1348 = arith.addf %add3A_1150, %bitcast_convert_type3A_1346 : vector<16xf32>
        %get3A_1349 = arith.index_cast %add3A_1088 : i32 to index
        %get3A_1350 = arith.constant 16 : index
        %get3A_1351 = tpu.vector_load %arg24[%get3A_1349, %get3A_1350] {strides = array<i32>} : memref<32x64xi32, #tpu.memory_space<vmem>>, vector<16xi32>,
        %shift_left3A_1352 = arith.constant 16 : i32
        %shift_left3A_1353 = vector.broadcast %shift_left3A_1352 : i32 to vector<16xi32>
        %shift_left3A_1354 = arith.shli %get3A_1351, %shift_left3A_1353 : vector<16xi32>
        %bitcast_convert_type3A_1355 = tpu.bitcast %shift_left3A_1354 : vector<16xi32> -> vector<16xf32>
        %and3A_1356 = vector.broadcast %scan3A : i32 to vector<16xi32>
        %and3A_1357 = arith.andi %get3A_1351, %and3A_1356 : vector<16xi32>
        %bitcast_convert_type3A_1358 = tpu.bitcast %and3A_1357 : vector<16xi32> -> vector<16xf32>
        %add3A_1359 = arith.addf %add3A_1181, %bitcast_convert_type3A_1355 : vector<16xf32>
        %add3A_1360 = arith.addf %add3A_1212, %bitcast_convert_type3A_1358 : vector<16xf32>
        %get3A_1361 = arith.index_cast %add3A_1088 : i32 to index
        %get3A_1362 = arith.constant 32 : index
        %get3A_1363 = tpu.vector_load %arg24[%get3A_1361, %get3A_1362] {strides = array<i32>} : memref<32x64xi32, #tpu.memory_space<vmem>>, vector<16xi32>,
        %shift_left3A_1364 = arith.constant 16 : i32
        %shift_left3A_1365 = vector.broadcast %shift_left3A_1364 : i32 to vector<16xi32>
        %shift_left3A_1366 = arith.shli %get3A_1363, %shift_left3A_1365 : vector<16xi32>
        %bitcast_convert_type3A_1367 = tpu.bitcast %shift_left3A_1366 : vector<16xi32> -> vector<16xf32>
        %and3A_1368 = vector.broadcast %scan3A : i32 to vector<16xi32>
        %and3A_1369 = arith.andi %get3A_1363, %and3A_1368 : vector<16xi32>
        %bitcast_convert_type3A_1370 = tpu.bitcast %and3A_1369 : vector<16xi32> -> vector<16xf32>
        %add3A_1371 = arith.addf %add3A_1243, %bitcast_convert_type3A_1367 : vector<16xf32>
        %add3A_1372 = arith.addf %add3A_1274, %bitcast_convert_type3A_1370 : vector<16xf32>
        %get3A_1373 = arith.index_cast %add3A_1088 : i32 to index
        %get3A_1374 = arith.constant 48 : index
        %get3A_1375 = tpu.vector_load %arg24[%get3A_1373, %get3A_1374] {strides = array<i32>} : memref<32x64xi32, #tpu.memory_space<vmem>>, vector<16xi32>,
        %shift_left3A_1376 = arith.constant 16 : i32
        %shift_left3A_1377 = vector.broadcast %shift_left3A_1376 : i32 to vector<16xi32>
        %shift_left3A_1378 = arith.shli %get3A_1375, %shift_left3A_1377 : vector<16xi32>
        %bitcast_convert_type3A_1379 = tpu.bitcast %shift_left3A_1378 : vector<16xi32> -> vector<16xf32>
        %and3A_1380 = vector.broadcast %scan3A : i32 to vector<16xi32>
        %and3A_1381 = arith.andi %get3A_1375, %and3A_1380 : vector<16xi32>
        %bitcast_convert_type3A_1382 = tpu.bitcast %and3A_1381 : vector<16xi32> -> vector<16xf32>
        %add3A_1383 = arith.addf %add3A_1305, %bitcast_convert_type3A_1379 : vector<16xf32>
        %add3A_1384 = arith.addf %add3A_1336, %bitcast_convert_type3A_1382 : vector<16xf32>
        %add3A_1385 = arith.addf %add3A_1347, %add3A_1348 : vector<16xf32>
        %add3A_1386 = arith.addf %add3A_1359, %add3A_1360 : vector<16xf32>
        %add3A_1387 = arith.addf %add3A_1385, %add3A_1386 : vector<16xf32>
        %add3A_1388 = arith.addf %add3A_1371, %add3A_1372 : vector<16xf32>
        %add3A_1389 = arith.addf %add3A_1383, %add3A_1384 : vector<16xf32>
        %add3A_1390 = arith.addf %add3A_1388, %add3A_1389 : vector<16xf32>
        %add3A_1391 = arith.addf %add3A_1387, %add3A_1390 : vector<16xf32>
        %mul3A_1392 = arith.mulf %add3A_1347, %add3A_1347 : vector<16xf32>
        %mul3A_1393 = arith.mulf %add3A_1348, %add3A_1348 : vector<16xf32>
        %mul3A_1394 = arith.mulf %add3A_1359, %add3A_1359 : vector<16xf32>
        %mul3A_1395 = arith.mulf %add3A_1360, %add3A_1360 : vector<16xf32>
        %mul3A_1396 = arith.mulf %add3A_1371, %add3A_1371 : vector<16xf32>
        %mul3A_1397 = arith.mulf %add3A_1372, %add3A_1372 : vector<16xf32>
        %mul3A_1398 = arith.mulf %add3A_1383, %add3A_1383 : vector<16xf32>
        %mul3A_1399 = arith.mulf %add3A_1384, %add3A_1384 : vector<16xf32>
        %add3A_1400 = arith.addf %mul3A_1392, %mul3A_1393 : vector<16xf32>
        %add3A_1401 = arith.addf %mul3A_1394, %mul3A_1395 : vector<16xf32>
        %add3A_1402 = arith.addf %add3A_1400, %add3A_1401 : vector<16xf32>
        %add3A_1403 = arith.addf %mul3A_1396, %mul3A_1397 : vector<16xf32>
        %add3A_1404 = arith.addf %mul3A_1398, %mul3A_1399 : vector<16xf32>
        %add3A_1405 = arith.addf %add3A_1403, %add3A_1404 : vector<16xf32>
        %add3A_1406 = arith.addf %add3A_1402, %add3A_1405 : vector<16xf32>
        %reduce_sum3A_1407 = arith.constant true
        %reduce_sum3A_1408 = vector.broadcast %reduce_sum3A_1407 : i1 to vector<16xi1>
        %reduce_sum3A_1409 = tpu.scan <sum>, %add3A_1391 masked %reduce_sum3A_1408 : vector<16xf32>, vector<16xi1> -> vector<16xf32>
        %reduce_sum3A_1410 = vector.extract %reduce_sum3A_1409[15] : f32 from vector<16xf32>
        %mul3A_1411 = arith.constant 7.812500e-03 : f32
        %mul3A_1412 = arith.mulf %reduce_sum3A_1410, %mul3A_1411 : f32
        %reduce_sum3A_1413 = arith.constant true
        %reduce_sum3A_1414 = vector.broadcast %reduce_sum3A_1413 : i1 to vector<16xi1>
        %reduce_sum3A_1415 = tpu.scan <sum>, %add3A_1406 masked %reduce_sum3A_1414 : vector<16xf32>, vector<16xi1> -> vector<16xf32>
        %reduce_sum3A_1416 = vector.extract %reduce_sum3A_1415[15] : f32 from vector<16xf32>
        %mul3A_1417 = arith.constant 7.812500e-03 : f32
        %mul3A_1418 = arith.mulf %reduce_sum3A_1416, %mul3A_1417 : f32
        %mul3A_1419 = arith.mulf %mul3A_1412, %mul3A_1412 : f32
        %sub3A_1420 = arith.subf %mul3A_1418, %mul3A_1419 : f32
        %add3A_1421 = arith.constant 9.99999997E-7 : f32
        %add3A_1422 = arith.addf %sub3A_1420, %add3A_1421 : f32
        %bitcast_convert_type3A_1423 = arith.bitcast %add3A_1422 : f32 to i32
        %shift_right_logical3A_1424 = arith.constant 1 : i32
        %shift_right_logical3A_1425 = arith.shrui %bitcast_convert_type3A_1423, %shift_right_logical3A_1424 : i32
        %sub3A_1426 = arith.constant 1597463007 : i32
        %sub3A_1427 = arith.subi %sub3A_1426, %shift_right_logical3A_1425 : i32
        %bitcast_convert_type3A_1428 = arith.bitcast %sub3A_1427 : i32 to f32
        %mul3A_1429 = arith.constant 5.000000e-01 : f32
        %mul3A_1430 = arith.mulf %mul3A_1429, %add3A_1422 : f32
        %mul3A_1431 = arith.mulf %mul3A_1430, %bitcast_convert_type3A_1428 : f32
        %mul3A_1432 = arith.mulf %mul3A_1431, %bitcast_convert_type3A_1428 : f32
        %sub3A_1433 = arith.constant 1.500000e+00 : f32
        %sub3A_1434 = arith.subf %sub3A_1433, %mul3A_1432 : f32
        %mul3A_1435 = arith.mulf %bitcast_convert_type3A_1428, %sub3A_1434 : f32
        %mul3A_1436 = arith.constant 5.000000e-01 : f32
        %mul3A_1437 = arith.mulf %mul3A_1436, %add3A_1422 : f32
        %mul3A_1438 = arith.mulf %mul3A_1437, %mul3A_1435 : f32
        %mul3A_1439 = arith.mulf %mul3A_1438, %mul3A_1435 : f32
        %sub3A_1440 = arith.constant 1.500000e+00 : f32
        %sub3A_1441 = arith.subf %sub3A_1440, %mul3A_1439 : f32
        %mul3A_1442 = arith.mulf %mul3A_1435, %sub3A_1441 : f32
        %mul3A_1443 = arith.constant 5.000000e-01 : f32
        %mul3A_1444 = arith.mulf %mul3A_1443, %add3A_1422 : f32
        %mul3A_1445 = arith.mulf %mul3A_1444, %mul3A_1442 : f32
        %mul3A_1446 = arith.mulf %mul3A_1445, %mul3A_1442 : f32
        %sub3A_1447 = arith.constant 1.500000e+00 : f32
        %sub3A_1448 = arith.subf %sub3A_1447, %mul3A_1446 : f32
        %mul3A_1449 = arith.mulf %mul3A_1442, %sub3A_1448 : f32
        %sub3A_1450 = vector.broadcast %mul3A_1412 : f32 to vector<16xf32>
        %sub3A_1451 = arith.subf %add3A_1347, %sub3A_1450 : vector<16xf32>
        %mul3A_1452 = vector.broadcast %mul3A_1449 : f32 to vector<16xf32>
        %mul3A_1453 = arith.mulf %sub3A_1451, %mul3A_1452 : vector<16xf32>
        %mul3A_1454 = arith.mulf %mul3A_1453, %get3A_148 : vector<16xf32>
        %add3A_1455 = arith.addf %mul3A_1454, %get3A_164 : vector<16xf32>
        %swap3A_1456 = arith.index_cast %add3A_1088 : i32 to index
        %swap3A_1457 = arith.constant 0 : index
        %swap3A_1458 = tpu.vector_load %arg22[%swap3A_1456, %swap3A_1457] {strides = array<i32>} : memref<32x128xf32, #tpu.memory_space<vmem>>, vector<16xf32>,
        tpu.vector_store %arg22[%swap3A_1456, %swap3A_1457], %add3A_1455 {strides = array<i32>} : memref<32x128xf32, #tpu.memory_space<vmem>>, vector<16xf32>,
        %sub3A_1459 = vector.broadcast %mul3A_1412 : f32 to vector<16xf32>
        %sub3A_1460 = arith.subf %add3A_1348, %sub3A_1459 : vector<16xf32>
        %mul3A_1461 = vector.broadcast %mul3A_1449 : f32 to vector<16xf32>
        %mul3A_1462 = arith.mulf %sub3A_1460, %mul3A_1461 : vector<16xf32>
        %mul3A_1463 = arith.mulf %mul3A_1462, %get3A_150 : vector<16xf32>
        %add3A_1464 = arith.addf %mul3A_1463, %get3A_166 : vector<16xf32>
        %swap3A_1465 = arith.index_cast %add3A_1088 : i32 to index
        %swap3A_1466 = arith.constant 16 : index
        %swap3A_1467 = tpu.vector_load %arg22[%swap3A_1465, %swap3A_1466] {strides = array<i32>} : memref<32x128xf32, #tpu.memory_space<vmem>>, vector<16xf32>,
        tpu.vector_store %arg22[%swap3A_1465, %swap3A_1466], %add3A_1464 {strides = array<i32>} : memref<32x128xf32, #tpu.memory_space<vmem>>, vector<16xf32>,
        %sub3A_1468 = vector.broadcast %mul3A_1412 : f32 to vector<16xf32>
        %sub3A_1469 = arith.subf %add3A_1359, %sub3A_1468 : vector<16xf32>
        %mul3A_1470 = vector.broadcast %mul3A_1449 : f32 to vector<16xf32>
        %mul3A_1471 = arith.mulf %sub3A_1469, %mul3A_1470 : vector<16xf32>
        %mul3A_1472 = arith.mulf %mul3A_1471, %get3A_152 : vector<16xf32>
        %add3A_1473 = arith.addf %mul3A_1472, %get3A_168 : vector<16xf32>
        %swap3A_1474 = arith.index_cast %add3A_1088 : i32 to index
        %swap3A_1475 = arith.constant 32 : index
        %swap3A_1476 = tpu.vector_load %arg22[%swap3A_1474, %swap3A_1475] {strides = array<i32>} : memref<32x128xf32, #tpu.memory_space<vmem>>, vector<16xf32>,
        tpu.vector_store %arg22[%swap3A_1474, %swap3A_1475], %add3A_1473 {strides = array<i32>} : memref<32x128xf32, #tpu.memory_space<vmem>>, vector<16xf32>,
        %sub3A_1477 = vector.broadcast %mul3A_1412 : f32 to vector<16xf32>
        %sub3A_1478 = arith.subf %add3A_1360, %sub3A_1477 : vector<16xf32>
        %mul3A_1479 = vector.broadcast %mul3A_1449 : f32 to vector<16xf32>
        %mul3A_1480 = arith.mulf %sub3A_1478, %mul3A_1479 : vector<16xf32>
        %mul3A_1481 = arith.mulf %mul3A_1480, %get3A_154 : vector<16xf32>
        %add3A_1482 = arith.addf %mul3A_1481, %get3A_170 : vector<16xf32>
        %swap3A_1483 = arith.index_cast %add3A_1088 : i32 to index
        %swap3A_1484 = arith.constant 48 : index
        %swap3A_1485 = tpu.vector_load %arg22[%swap3A_1483, %swap3A_1484] {strides = array<i32>} : memref<32x128xf32, #tpu.memory_space<vmem>>, vector<16xf32>,
        tpu.vector_store %arg22[%swap3A_1483, %swap3A_1484], %add3A_1482 {strides = array<i32>} : memref<32x128xf32, #tpu.memory_space<vmem>>, vector<16xf32>,
        %sub3A_1486 = vector.broadcast %mul3A_1412 : f32 to vector<16xf32>
        %sub3A_1487 = arith.subf %add3A_1371, %sub3A_1486 : vector<16xf32>
        %mul3A_1488 = vector.broadcast %mul3A_1449 : f32 to vector<16xf32>
        %mul3A_1489 = arith.mulf %sub3A_1487, %mul3A_1488 : vector<16xf32>
        %mul3A_1490 = arith.mulf %mul3A_1489, %get3A_156 : vector<16xf32>
        %add3A_1491 = arith.addf %mul3A_1490, %get3A_172 : vector<16xf32>
        %swap3A_1492 = arith.index_cast %add3A_1088 : i32 to index
        %swap3A_1493 = arith.constant 64 : index
        %swap3A_1494 = tpu.vector_load %arg22[%swap3A_1492, %swap3A_1493] {strides = array<i32>} : memref<32x128xf32, #tpu.memory_space<vmem>>, vector<16xf32>,
        tpu.vector_store %arg22[%swap3A_1492, %swap3A_1493], %add3A_1491 {strides = array<i32>} : memref<32x128xf32, #tpu.memory_space<vmem>>, vector<16xf32>,
        %sub3A_1495 = vector.broadcast %mul3A_1412 : f32 to vector<16xf32>
        %sub3A_1496 = arith.subf %add3A_1372, %sub3A_1495 : vector<16xf32>
        %mul3A_1497 = vector.broadcast %mul3A_1449 : f32 to vector<16xf32>
        %mul3A_1498 = arith.mulf %sub3A_1496, %mul3A_1497 : vector<16xf32>
        %mul3A_1499 = arith.mulf %mul3A_1498, %get3A_158 : vector<16xf32>
        %add3A_1500 = arith.addf %mul3A_1499, %get3A_174 : vector<16xf32>
        %swap3A_1501 = arith.index_cast %add3A_1088 : i32 to index
        %swap3A_1502 = arith.constant 80 : index
        %swap3A_1503 = tpu.vector_load %arg22[%swap3A_1501, %swap3A_1502] {strides = array<i32>} : memref<32x128xf32, #tpu.memory_space<vmem>>, vector<16xf32>,
        tpu.vector_store %arg22[%swap3A_1501, %swap3A_1502], %add3A_1500 {strides = array<i32>} : memref<32x128xf32, #tpu.memory_space<vmem>>, vector<16xf32>,
        %sub3A_1504 = vector.broadcast %mul3A_1412 : f32 to vector<16xf32>
        %sub3A_1505 = arith.subf %add3A_1383, %sub3A_1504 : vector<16xf32>
        %mul3A_1506 = vector.broadcast %mul3A_1449 : f32 to vector<16xf32>
        %mul3A_1507 = arith.mulf %sub3A_1505, %mul3A_1506 : vector<16xf32>
        %mul3A_1508 = arith.mulf %mul3A_1507, %get3A_160 : vector<16xf32>
        %add3A_1509 = arith.addf %mul3A_1508, %get3A_176 : vector<16xf32>
        %swap3A_1510 = arith.index_cast %add3A_1088 : i32 to index
        %swap3A_1511 = arith.constant 96 : index
        %swap3A_1512 = tpu.vector_load %arg22[%swap3A_1510, %swap3A_1511] {strides = array<i32>} : memref<32x128xf32, #tpu.memory_space<vmem>>, vector<16xf32>,
        tpu.vector_store %arg22[%swap3A_1510, %swap3A_1511], %add3A_1509 {strides = array<i32>} : memref<32x128xf32, #tpu.memory_space<vmem>>, vector<16xf32>,
        %sub3A_1513 = vector.broadcast %mul3A_1412 : f32 to vector<16xf32>
        %sub3A_1514 = arith.subf %add3A_1384, %sub3A_1513 : vector<16xf32>
        %mul3A_1515 = vector.broadcast %mul3A_1449 : f32 to vector<16xf32>
        %mul3A_1516 = arith.mulf %sub3A_1514, %mul3A_1515 : vector<16xf32>
        %mul3A_1517 = arith.mulf %mul3A_1516, %get3A_162 : vector<16xf32>
        %add3A_1518 = arith.addf %mul3A_1517, %get3A_178 : vector<16xf32>
        %swap3A_1519 = arith.index_cast %add3A_1088 : i32 to index
        %swap3A_1520 = arith.constant 112 : index
        %swap3A_1521 = tpu.vector_load %arg22[%swap3A_1519, %swap3A_1520] {strides = array<i32>} : memref<32x128xf32, #tpu.memory_space<vmem>>, vector<16xf32>,
        tpu.vector_store %arg22[%swap3A_1519, %swap3A_1520], %add3A_1518 {strides = array<i32>} : memref<32x128xf32, #tpu.memory_space<vmem>>, vector<16xf32>,
      }
      %scan3A_646 = arith.constant 16 : i32
      %dma_start3A_647 = arith.constant 1 : i32
      %dma_start3A_648 = arith.constant 0 : i32
      %dma_start3A_649 = tpu.memref_slice %arg12[%add3A_451, %dma_start3A_648] : memref<204800x128xf32, #tpu.memory_space<hbm>> -> memref<32x128xf32, #tpu.memory_space<hbm>>
      %dma_start3A_650 = tpu.memref_slice %arg37[%dma_start3A_647] : memref<2x!tpu.dma_semaphore, #tpu.memory_space<semaphore_mem>> -> memref<1x!tpu.dma_semaphore, #tpu.memory_space<semaphore_mem>>
      %dma_start3A_651 = tpu.memref_squeeze %dma_start3A_650 : memref<1x!tpu.dma_semaphore, #tpu.memory_space<semaphore_mem>> -> memref<!tpu.dma_semaphore, #tpu.memory_space<semaphore_mem>>
      %dma_start3A_652 = arith.constant 0 : i32
      %dma_start3A_653 = tpu.memref_slice %arg12[%add3A_451, %dma_start3A_652] : memref<204800x128xf32, #tpu.memory_space<hbm>> -> memref<32x128xf32, #tpu.memory_space<hbm>>
      tpu.enqueue_dma source(%arg22 : memref<32x128xf32, #tpu.memory_space<vmem>>) target(%dma_start3A_653 : memref<32x128xf32, #tpu.memory_space<hbm>>) target_semaphore(%dma_start3A_651 : memref<!tpu.dma_semaphore, #tpu.memory_space<semaphore_mem>>)
    }
    %scan3A_183 = arith.constant 100 : i32
    %dma_wait3A_184 = arith.constant 0 : i32
    %dma_wait3A_185 = arith.constant 0 : i32
    %dma_wait3A_186 = arith.constant 0 : i32
    %dma_wait3A_187 = tpu.memref_slice %arg4[%dma_wait3A_185, %dma_wait3A_186] : memref<100000x128xf32, #tpu.memory_space<hbm>> -> memref<100000x128xf32, #tpu.memory_space<hbm>>
    %dma_wait3A_188 = tpu.memref_slice %arg35[%dma_wait3A_184] : memref<2x!tpu.dma_semaphore, #tpu.memory_space<semaphore_mem>> -> memref<1x!tpu.dma_semaphore, #tpu.memory_space<semaphore_mem>>
    %dma_wait3A_189 = tpu.memref_squeeze %dma_wait3A_188 : memref<1x!tpu.dma_semaphore, #tpu.memory_space<semaphore_mem>> -> memref<!tpu.dma_semaphore, #tpu.memory_space<semaphore_mem>>
    tpu.wait_indirect_dma semaphore(%dma_wait3A_189 : memref<!tpu.dma_semaphore, #tpu.memory_space<semaphore_mem>>) src(%dma_wait3A_187 : memref<100000x128xf32, #tpu.memory_space<hbm>>) dst(%arg21 : memref<32x128xf32, #tpu.memory_space<vmem>>)
    %dma_wait3A_190 = arith.constant 0 : i32
    %dma_wait3A_191 = arith.constant 0 : i32
    %dma_wait3A_192 = arith.constant 0 : i32
    %dma_wait3A_193 = tpu.memref_slice %arg5[%dma_wait3A_191, %dma_wait3A_192] : memref<232x64xi32, #tpu.memory_space<hbm>> -> memref<32x64xi32, #tpu.memory_space<hbm>>
    %dma_wait3A_194 = tpu.memref_slice %arg35[%dma_wait3A_190] : memref<2x!tpu.dma_semaphore, #tpu.memory_space<semaphore_mem>> -> memref<1x!tpu.dma_semaphore, #tpu.memory_space<semaphore_mem>>
    %dma_wait3A_195 = tpu.memref_squeeze %dma_wait3A_194 : memref<1x!tpu.dma_semaphore, #tpu.memory_space<semaphore_mem>> -> memref<!tpu.dma_semaphore, #tpu.memory_space<semaphore_mem>>
    %dma_wait3A_196 = arith.constant 0 : i32
    %dma_wait3A_197 = arith.constant 0 : i32
    %dma_wait3A_198 = tpu.memref_slice %arg5[%dma_wait3A_196, %dma_wait3A_197] : memref<232x64xi32, #tpu.memory_space<hbm>> -> memref<32x64xi32, #tpu.memory_space<hbm>>
    tpu.wait_dma2 semaphore(%dma_wait3A_195 : memref<!tpu.dma_semaphore, #tpu.memory_space<semaphore_mem>>) src(%dma_wait3A_198 : memref<32x64xi32, #tpu.memory_space<hbm>>) dst(%arg23 : memref<32x64xi32, #tpu.memory_space<vmem>>)
    %dma_wait3A_199 = arith.constant 0 : i32
    %dma_wait3A_200 = arith.constant 0 : i32
    %dma_wait3A_201 = arith.constant 0 : i32
    %dma_wait3A_202 = tpu.memref_slice %arg6[%dma_wait3A_200, %dma_wait3A_201] : memref<1024x128xf32, #tpu.memory_space<hbm>> -> memref<1024x128xf32, #tpu.memory_space<hbm>>
    %dma_wait3A_203 = tpu.memref_slice %arg35[%dma_wait3A_199] : memref<2x!tpu.dma_semaphore, #tpu.memory_space<semaphore_mem>> -> memref<1x!tpu.dma_semaphore, #tpu.memory_space<semaphore_mem>>
    %dma_wait3A_204 = tpu.memref_squeeze %dma_wait3A_203 : memref<1x!tpu.dma_semaphore, #tpu.memory_space<semaphore_mem>> -> memref<!tpu.dma_semaphore, #tpu.memory_space<semaphore_mem>>
    tpu.wait_indirect_dma semaphore(%dma_wait3A_204 : memref<!tpu.dma_semaphore, #tpu.memory_space<semaphore_mem>>) src(%dma_wait3A_202 : memref<1024x128xf32, #tpu.memory_space<hbm>>) dst(%arg25 : memref<64x128xf32, #tpu.memory_space<vmem>>)
    %dma_wait3A_205 = arith.constant 0 : i32
    %dma_wait3A_206 = arith.constant 0 : i32
    %dma_wait3A_207 = arith.constant 0 : i32
    %dma_wait3A_208 = tpu.memref_slice %arg7[%dma_wait3A_206, %dma_wait3A_207] : memref<1024x128xf32, #tpu.memory_space<hbm>> -> memref<1024x128xf32, #tpu.memory_space<hbm>>
    %dma_wait3A_209 = tpu.memref_slice %arg35[%dma_wait3A_205] : memref<2x!tpu.dma_semaphore, #tpu.memory_space<semaphore_mem>> -> memref<1x!tpu.dma_semaphore, #tpu.memory_space<semaphore_mem>>
    %dma_wait3A_210 = tpu.memref_squeeze %dma_wait3A_209 : memref<1x!tpu.dma_semaphore, #tpu.memory_space<semaphore_mem>> -> memref<!tpu.dma_semaphore, #tpu.memory_space<semaphore_mem>>
    tpu.wait_indirect_dma semaphore(%dma_wait3A_210 : memref<!tpu.dma_semaphore, #tpu.memory_space<semaphore_mem>>) src(%dma_wait3A_208 : memref<1024x128xf32, #tpu.memory_space<hbm>>) dst(%arg27 : memref<64x128xf32, #tpu.memory_space<vmem>>)
    %dma_wait3A_211 = arith.constant 0 : i32
    %dma_wait3A_212 = arith.constant 0 : i32
    %dma_wait3A_213 = arith.constant 0 : i32
    %dma_wait3A_214 = tpu.memref_slice %arg8[%dma_wait3A_212, %dma_wait3A_213] : memref<1024x128xf32, #tpu.memory_space<hbm>> -> memref<1024x128xf32, #tpu.memory_space<hbm>>
    %dma_wait3A_215 = tpu.memref_slice %arg35[%dma_wait3A_211] : memref<2x!tpu.dma_semaphore, #tpu.memory_space<semaphore_mem>> -> memref<1x!tpu.dma_semaphore, #tpu.memory_space<semaphore_mem>>
    %dma_wait3A_216 = tpu.memref_squeeze %dma_wait3A_215 : memref<1x!tpu.dma_semaphore, #tpu.memory_space<semaphore_mem>> -> memref<!tpu.dma_semaphore, #tpu.memory_space<semaphore_mem>>
    tpu.wait_indirect_dma semaphore(%dma_wait3A_216 : memref<!tpu.dma_semaphore, #tpu.memory_space<semaphore_mem>>) src(%dma_wait3A_214 : memref<1024x128xf32, #tpu.memory_space<hbm>>) dst(%arg29 : memref<32x128xf32, #tpu.memory_space<vmem>>)
    %dma_wait3A_217 = arith.constant 0 : i32
    %dma_wait3A_218 = arith.constant 0 : i32
    %dma_wait3A_219 = arith.constant 0 : i32
    %dma_wait3A_220 = tpu.memref_slice %arg9[%dma_wait3A_218, %dma_wait3A_219] : memref<1024x128xf32, #tpu.memory_space<hbm>> -> memref<1024x128xf32, #tpu.memory_space<hbm>>
    %dma_wait3A_221 = tpu.memref_slice %arg35[%dma_wait3A_217] : memref<2x!tpu.dma_semaphore, #tpu.memory_space<semaphore_mem>> -> memref<1x!tpu.dma_semaphore, #tpu.memory_space<semaphore_mem>>
    %dma_wait3A_222 = tpu.memref_squeeze %dma_wait3A_221 : memref<1x!tpu.dma_semaphore, #tpu.memory_space<semaphore_mem>> -> memref<!tpu.dma_semaphore, #tpu.memory_space<semaphore_mem>>
    tpu.wait_indirect_dma semaphore(%dma_wait3A_222 : memref<!tpu.dma_semaphore, #tpu.memory_space<semaphore_mem>>) src(%dma_wait3A_220 : memref<1024x128xf32, #tpu.memory_space<hbm>>) dst(%arg31 : memref<32x128xf32, #tpu.memory_space<vmem>>)
    %dma_wait3A_223 = arith.constant 1 : i32
    %dma_wait3A_224 = arith.constant 0 : i32
    %dma_wait3A_225 = tpu.memref_slice %arg2[%dma_wait3A_224] : memref<204800xi32, #tpu.memory_space<hbm>> -> memref<32xi32, #tpu.memory_space<hbm>>
    %dma_wait3A_226 = tpu.memref_slice %arg36[%dma_wait3A_223] : memref<2x!tpu.dma_semaphore, #tpu.memory_space<semaphore_mem>> -> memref<1x!tpu.dma_semaphore, #tpu.memory_space<semaphore_mem>>
    %dma_wait3A_227 = tpu.memref_squeeze %dma_wait3A_226 : memref<1x!tpu.dma_semaphore, #tpu.memory_space<semaphore_mem>> -> memref<!tpu.dma_semaphore, #tpu.memory_space<semaphore_mem>>
    %dma_wait3A_228 = arith.constant 0 : i32
    %dma_wait3A_229 = tpu.memref_slice %arg2[%dma_wait3A_228] : memref<204800xi32, #tpu.memory_space<hbm>> -> memref<32xi32, #tpu.memory_space<hbm>>
    tpu.wait_dma2 semaphore(%dma_wait3A_227 : memref<!tpu.dma_semaphore, #tpu.memory_space<semaphore_mem>>) src(%dma_wait3A_229 : memref<32xi32, #tpu.memory_space<hbm>>) dst(%arg14 : memref<32xi32, #tpu.memory_space<vmem>>)
    %dma_wait3A_230 = arith.constant 1 : i32
    %dma_wait3A_231 = arith.constant 0 : i32
    %dma_wait3A_232 = tpu.memref_slice %arg3[%dma_wait3A_231] : memref<819200xi32, #tpu.memory_space<hbm>> -> memref<128xi32, #tpu.memory_space<hbm>>
    %dma_wait3A_233 = tpu.memref_slice %arg36[%dma_wait3A_230] : memref<2x!tpu.dma_semaphore, #tpu.memory_space<semaphore_mem>> -> memref<1x!tpu.dma_semaphore, #tpu.memory_space<semaphore_mem>>
    %dma_wait3A_234 = tpu.memref_squeeze %dma_wait3A_233 : memref<1x!tpu.dma_semaphore, #tpu.memory_space<semaphore_mem>> -> memref<!tpu.dma_semaphore, #tpu.memory_space<semaphore_mem>>
    %dma_wait3A_235 = arith.constant 0 : i32
    %dma_wait3A_236 = tpu.memref_slice %arg3[%dma_wait3A_235] : memref<819200xi32, #tpu.memory_space<hbm>> -> memref<128xi32, #tpu.memory_space<hbm>>
    tpu.wait_dma2 semaphore(%dma_wait3A_234 : memref<!tpu.dma_semaphore, #tpu.memory_space<semaphore_mem>>) src(%dma_wait3A_236 : memref<128xi32, #tpu.memory_space<hbm>>) dst(%arg16 : memref<128xi32, #tpu.memory_space<vmem>>)
    %dma_wait3A_237 = arith.constant 1 : i32
    %dma_wait3A_238 = arith.constant 0 : i32
    %dma_wait3A_239 = arith.constant 0 : i32
    %dma_wait3A_240 = tpu.memref_slice %arg12[%dma_wait3A_238, %dma_wait3A_239] : memref<204800x128xf32, #tpu.memory_space<hbm>> -> memref<32x128xf32, #tpu.memory_space<hbm>>
    %dma_wait3A_241 = tpu.memref_slice %arg37[%dma_wait3A_237] : memref<2x!tpu.dma_semaphore, #tpu.memory_space<semaphore_mem>> -> memref<1x!tpu.dma_semaphore, #tpu.memory_space<semaphore_mem>>
    %dma_wait3A_242 = tpu.memref_squeeze %dma_wait3A_241 : memref<1x!tpu.dma_semaphore, #tpu.memory_space<semaphore_mem>> -> memref<!tpu.dma_semaphore, #tpu.memory_space<semaphore_mem>>
    %dma_wait3A_243 = arith.constant 0 : i32
    %dma_wait3A_244 = arith.constant 0 : i32
    %dma_wait3A_245 = tpu.memref_slice %arg12[%dma_wait3A_243, %dma_wait3A_244] : memref<204800x128xf32, #tpu.memory_space<hbm>> -> memref<32x128xf32, #tpu.memory_space<hbm>>
    tpu.wait_dma2 semaphore(%dma_wait3A_242 : memref<!tpu.dma_semaphore, #tpu.memory_space<semaphore_mem>>) src(%arg22 : memref<32x128xf32, #tpu.memory_space<vmem>>) dst(%dma_wait3A_245 : memref<32x128xf32, #tpu.memory_space<hbm>>)
    return
  }
}

</mosaic_0001>

<sc_bundles>
// kernel: _run.3.cloned.1.call-start
scs
__scs_entry_jumppad:
0x0: {  	(pc) =	sbr.rel $0x88, $3  }
0x1: {  	(tag) =	ssettag $0x0;
	lr =	simm.s32 $0x1  }
0x2: {  	[smem:$0x3F97] =	sst lr;
	_ =	strace $0xD0000000  }
0x3: {  	_ = 	snop  }
0x4: {  	_ = 	snop  }
0x5: {  	_ = 	snop  }
0x6: {  	_ = 	snop  }
0x7: {  	_ = 	snop  }
__scs_overlays_trampoline_lowered:
0x8: {  	[smem:$0x3FA6] =	sst s0  }
0x9: {  	[smem:$0x3FA7] =	sst s1  }
0xa: {  	[smem:$0x3FA8] =	sst s2  }
0xb: {  	[smem:$0x3FA9] =	sst s3  }
0xc: {  	[smem:$0x3FAA] =	sst s4  }
0xd: {  	[smem:$0x3FAB] =	sst s5  }
0xe: {  	[smem:$0x3FAC] =	sst s6  }
0xf: {  	[smem:$0x3FAD] =	sst s7  }
0x10: {  	[smem:$0x3FAE] =	sst s8  }
0x11: {  	[smem:$0x3FAF] =	sst s9;
	s0 =	simm.s32 @!p0 $0x0  }
0x12: {  	s1 =	sld [smem:$0x3F95];
	s0 =	simm.s32 @p0 $0x1  }
0x13: {  	[smem:$0x3FB0] =	sst s0;
	s0 =	simm.s32 @!p1 $0x0  }
0x14: {  	s2 =	sld [smem:$0x3F94];
	s0 =	simm.s32 @p1 $0x1  }
0x15: {  	[smem:$0x3FB1] =	sst s0;
	s0 =	simm.s32 @!p2 $0x0  }
0x16: {  	s3 =	sld [smem:$0x3FDB];
	s0 =	simm.s32 @p2 $0x1  }
0x17: {  	s4 =	simm.s32 $0x1BF5;
	[smem:$0x3FB3] =	sst s0  }
0x18: {  	s0 =	sld [smem:$0x3F96];
	_ =	swait.ge [sflag:s4], $0x0  }
0x19: {  	s7 =	sld [smem:$0x3F97]  }
0x1a: {  	s8 =	sadd.s32 $0xFFFFE003, lr  }
0x1b: {  	s9 =	sadd.s32 $0xFFFFFEF7, lr;
	s5 =	simm.s32 $0xFFFFFFFF;
	p2 =	slt.u32 s8, $0xFFFFF086  }
0x1c: {  	p1 =	slt.u32 s9, $0xF7A;
	s5 =	simm.s32 @!p2 $0x0  }
0x1d: {  	s5 =	simm.s32 @p1 $0x1;
	p0 =	seq.s32 s7, s2  }
0x1e: {  	s7 =	smul.u32 @!p0 $0xF7A, s2;
	p2 =	seq.s32 @!p0 s5, $0x0  }
0x1f: {  	s9 =	smul.u32 $0xF7A, s1;
	s8 =	simm.s32 @!p0 $0x1BF5;
	p2 =	por !p2, p0  }
0x20: {  	[sflag:s8] =	ssyncset.s32 @!p0 $0xFFFFF086;
	s6 =	sadd.s32 @!p0 s3, s7;
	s7 =	simm.s32 @!p0 $0x108  }
0x21: {  	s3 =	sadd.s32 s3, s9;
	s6 =	sadd.s32 @!p0 $0x88, s6;
	s7 =	simm.s32 @p2 $0x1082  }
0x22: {  	[simem:s7], [sflag:s8] =	dma.local @!p0 [hbm:s6], $0xF7A  }
0x23: {  	s9 =	sor.u32 $0xD0000000, s2;
	s6 =	simm.s32 $0x108;
	_ =	swait.ge @!p0 [sflag:s8], $0x0  }
0x24: {  	s3 =	sadd.s32 $0x88, s3;
	s6 =	simm.s32 @!p1 $0x1082;
	[sflag:s4] =	ssyncset.s32 $0xFFFFF086  }
0x25: {  	[simem:s6], [sflag:s4] =	dma.local [hbm:s3], $0xF7A  }
0x26: {  	[smem:$0x3F97] =	sst s1;
	(tag) =	ssettag s2;
	_ =	strace s9  }
0x27: {  	s1 =	sld [smem:$0x3FA7]  }
0x28: {  	s2 =	sld [smem:$0x3FA8]  }
0x29: {  	s4 =	sld [smem:$0x3FAA]  }
0x2a: {  	p0 =	seq.s32 s5, $0x0;
	s5 =	sld [smem:$0x3FAB]  }
0x2b: {  	s6 =	sld [smem:$0x3FAC]  }
0x2c: {  	s7 =	sld [smem:$0x3FAD]  }
0x2d: {  	s3 =	simm.s32 $0x108;
	s8 =	sld [smem:$0x3FAE]  }
0x2e: {  	s3 =	simm.s32 @!p0 $0x1082;
	s9 =	sld [smem:$0x3FAF]  }
0x2f: {  	lr =	sadd.s32 s0, s3;
	s0 =	sld [smem:$0x3FA6]  }
0x30: {  	s3 =	sld [smem:$0x3FA9]  }
0x31: {  	[smem:$0x3FB2] =	sst s10  }
0x32: {  	s10 =	sld [smem:$0x3FB0];
	_ =	sdelay $0x3  }
0x33: {  	p0 =	seq.s32 s10, $0x1;
	s10 =	sld [smem:$0x3FB2];
	_ =	sdelay $0x3  }
0x34: {  	[smem:$0x3FB2] =	sst s10  }
0x35: {  	s10 =	sld [smem:$0x3FB1];
	_ =	sdelay $0x3  }
0x36: {  	p1 =	seq.s32 s10, $0x1;
	s10 =	sld [smem:$0x3FB2];
	_ =	sdelay $0x3  }
0x37: {  	[smem:$0x3FB2] =	sst s10  }
0x38: {  	s10 =	sld [smem:$0x3FB3]  }
0x39: {  	_ = 	snop;
	(pc) =	sbr.ind lr, $3  }
0x3a: {  	_ = 	snop  }
0x3b: {  	_ = 	snop  }
0x3c: {  	p2 =	seq.s32 s10, $0x1;
	s10 =	sld [smem:$0x3FB2]  }
0x3d: {  	_ =	shalt  }
0x3e: {  	_ =	shalt  }
0x3f: {  	_ =	shalt  }
0x40: {  	_ =	shalt  }
0x41: {  	_ =	shalt  }
0x42: {  	_ =	shalt  }
0x43: {  	_ =	shalt  }
0x44: {  	_ =	shalt  }
0x45: {  	_ =	shalt  }
0x46: {  	_ =	shalt  }
0x47: {  	_ =	shalt  }
0x48: {  	_ =	shalt  }
0x49: {  	_ =	shalt  }
0x4a: {  	_ =	shalt  }
0x4b: {  	_ =	shalt  }
0x4c: {  	_ =	shalt  }
0x4d: {  	_ =	shalt  }
0x4e: {  	_ =	shalt  }
0x4f: {  	_ =	shalt  }
0x50: {  	_ =	shalt  }
0x51: {  	_ =	shalt  }
0x52: {  	_ =	shalt  }
0x53: {  	_ =	shalt  }
0x54: {  	_ =	shalt  }
0x55: {  	_ =	shalt  }
0x56: {  	_ =	shalt  }
0x57: {  	_ =	shalt  }
0x58: {  	_ =	shalt  }
0x59: {  	_ =	shalt  }
0x5a: {  	_ =	shalt  }
0x5b: {  	_ =	shalt  }
0x5c: {  	_ =	shalt  }
0x5d: {  	_ =	shalt  }
0x5e: {  	_ =	shalt  }
0x5f: {  	_ =	shalt  }
0x60: {  	_ =	shalt  }
0x61: {  	_ =	shalt  }
0x62: {  	_ =	shalt  }
0x63: {  	_ =	shalt  }
0x64: {  	_ =	shalt  }
0x65: {  	_ =	shalt  }
0x66: {  	_ =	shalt  }
0x67: {  	_ =	shalt  }
0x68: {  	_ =	shalt  }
0x69: {  	_ =	shalt  }
0x6a: {  	_ =	shalt  }
0x6b: {  	_ =	shalt  }
0x6c: {  	_ =	shalt  }
0x6d: {  	_ =	shalt  }
0x6e: {  	_ =	shalt  }
0x6f: {  	_ =	shalt  }
0x70: {  	_ =	shalt  }
0x71: {  	_ =	shalt  }
0x72: {  	_ =	shalt  }
0x73: {  	_ =	shalt  }
0x74: {  	_ =	shalt  }
0x75: {  	_ =	shalt  }
0x76: {  	_ =	shalt  }
0x77: {  	_ =	shalt  }
0x78: {  	_ =	shalt  }
0x79: {  	_ =	shalt  }
0x7a: {  	_ =	shalt  }
0x7b: {  	_ =	shalt  }
0x7c: {  	_ =	shalt  }
0x7d: {  	_ =	shalt  }
0x7e: {  	_ =	shalt  }
0x7f: {  	_ =	shalt  }
0x80: {  	_ =	shalt  }
0x81: {  	_ =	shalt  }
0x82: {  	_ =	shalt  }
0x83: {  	_ =	shalt  }
0x84: {  	_ =	shalt  }
0x85: {  	_ =	shalt  }
0x86: {  	_ =	shalt  }
0x87: {  	_ =	shalt  }
.Lfunc_end0:
.L_simem_size_0:
called_computation_lowered:
.L_overlay_start_0:
0x88: {  	s2 =	sld [smem:$0x3FD9]  }
0x89: {  	s3 =	sld [smem:$0x3FFE];
	_ =	sdelay $0x1  }
0x8a: {  	s1 =	srdreg.scid  }
0x8b: {  	s0 =	sand.u32 $0x1, s1  }
0x8c: {  	s17 =	sshll.u32 s0, $0xA;
	s2 =	sadd.s32 s3, s2  }
0x8d: {  	s2 =	sadd.s32 s2, s17  }
0x8e: {  	[smem:$0x3FBE] =	sst s2  }
0x8f: {  	_ = 	snop  }
0x90: {  	s2 =	sld [smem:$0x3FC9]  }
0x91: {  	s18 =	sld [smem:$0x3FC8]  }
0x92: {  	s4 =	sld [smem:$0x3FC7]  }
0x93: {  	s5 =	sld [smem:$0x3FC5]  }
0x94: {  	s6 =	sld [smem:$0x3FC4]  }
0x95: {  	s7 =	sld [smem:$0x3FC3]  }
0x96: {  	s8 =	sld [smem:$0x3FC2]  }
0x97: {  	s9 =	sld [smem:$0x3FC1]  }
0x98: {  	s10 =	sld [smem:$0x3FC0]  }
0x99: {  	s11 =	sld [smem:$0x3FD0];
	(tm) =	ssettm $0x1  }
0x9a: {  	s12 =	sld [smem:$0x3FFB];
	_ =	sdelay $0x3  }
0x9b: {  	_ =	strace s12  }
0x9c: {  	s12 =	sld [smem:$0x3FFC];
	_ =	sdelay $0x3  }
0x9d: {  	_ =	strace s12  }
0x9e: {  	s12 =	sld [smem:$0x3FFD];
	_ =	sdelay $0x3  }
0x9f: {  	_ =	strace s12  }
0xa0: {  	_ =	strace $0x8FFFFFFF  }
0xa1: {  	s19 =	sld [smem:$0x3FDB];
	_ =	sdelay $0x1  }
0xa2: {  	s13 =	simm.s32 $_scs_section_size  }
0xa3: {  	s14 =	simm.s32 $_size__tile_overlayer_lowered;
	s15 =	simm.s32 $_tile_overlayer_lowered  }
0xa4: {  	s22 =	simm.s32 $0x1BFF;
	s21 =	sshll.u32 s15, $0x1;
	s12 =	sadd.s32 s13, s19  }
0xa5: {  	s16 =	simm.s32 $0x0;
	s20 =	sshll.u32 s14, $0x1;
	s14 =	sadd.s32 s21, s12  }
0xa6: {  	[timem:s16], [sflag:s22] =	dma.local [hbm:s14], s20  }
0xa7: {  	_ =	swait.ge [sflag:s22], s20  }
0xa8: {  	s13 =	ssub.s32 $0x0, s20;
	[sflag:s22] =	ssyncset.done $0x0  }
0xa9: {  	[sflag:s22] =	ssyncadd.s32 s13;
	_ =	sdelay $0x1  }
0xaa: {  	s23 =	simm.s32 $0x1B8B  }
0xab: {  	_ =	swait.ge [sflag:s23], $0x1  }
0xac: {  	[sflag:s23] =	ssyncset.done $0x0  }
0xad: {  	s25 =	simm.s32 $0x1B8E;
	s24 =	sld [smem:$0x3FFE];
	[sflag:s23] =	ssyncadd.s32 $0xFFFFFFFF  }
0xae: {  	s26 =	simm.s32 $execute0_lowered;
	[smem:$0x3FD2] =	sst s25  }
0xaf: {  	s14 =	sshll.u32 s26, $0x1;
	_ =	strace $0x80000046;
	[dreg:$0x1] =	wrdreg $0xFFFFFFFF  }
0xb0: {  	s28 =	simm.s32 $_size_execute0_lowered;
	s12 =	sadd.s32 s12, s14;
	[dreg:$0x0] =	wrdreg $0x0  }
0xb1: {  	s14 =	sshll.u32 s28, $0x1;
	[dreg:$0x2] =	wrdreg s12  }
0xb2: {  	[dreg:$0x3] =	wrdreg s14  }
0xb3: {  	[dreg:$0x4] =	wrdreg $0xC0  }
0xb4: {  	_ =	task [dreg:s16], $0x5FFFF  }
0xb5: {  	[dreg:$0x1] =	wrdreg $0xFFFFFFFF  }
0xb6: {  	[dreg:$0x0] =	wrdreg $0x60  }
0xb7: {  	[dreg:$0x2] =	wrdreg s2  }
0xb8: {  	[dreg:$0x3] =	wrdreg s18  }
0xb9: {  	[dreg:$0x4] =	wrdreg s4  }
0xba: {  	[dreg:$0x5] =	wrdreg s24  }
0xbb: {  	[dreg:$0x6] =	wrdreg s5  }
0xbc: {  	[dreg:$0x7] =	wrdreg s6  }
0xbd: {  	[dreg:$0x8] =	wrdreg s7  }
0xbe: {  	[dreg:$0x9] =	wrdreg s8  }
0xbf: {  	[dreg:$0xa] =	wrdreg s9  }
0xc0: {  	[dreg:$0xb] =	wrdreg s10  }
0xc1: {  	[dreg:$0xc] =	wrdreg s11  }
0xc2: {  	[dreg:$0xd] =	wrdreg $0x9  }
0xc3: {  	_ =	task.clear_ibuf [dreg:s16], $0xEFFFF;
	_ =	strace $0x90000046  }
0xc4: {  	s29 =	simm.s32 $0x9;
	_ =	strace $0x80000048  }
0xc5: {  	_ =	swait.ge [sflag:s29], $0x1  }
0xc6: {  	[sflag:s29] =	ssyncadd.s32 $0xFFFFFFFF  }
0xc7: {  	_ =	strace $0x90000048  }
0xc8: {  	_ =	sfence  }
0xc9: {  	s30 =	sld [smem:$0x0];
	_ =	sdelay $0x2  }
0xca: {  	s31 =	sshll.u32 s1, $0xD;
	s1 =	sshrl.u32 s1, $0x2  }
0xcb: {  	s3 =	sand.u32 $0x4000, s31;
	s1 =	sadd.s32 s1, s30  }
0xcc: {  	s0 =	sor.u32 s3, s0;
	s1 =	sshll.u32 s1, $0x11  }
0xcd: {  	s0 =	sor.u32 s1, s0  }
0xce: {  	s0 =	sadd.s32 $0x8F2B, s0  }
0xcf: {  	[sflag:s0] =	ssyncadd.remote.s32 $0x1  }
0xd0: {  	_ =	sfence.sel $0xFFFF  }
0xd1: {  	[dreg:$0x0] =	wrdreg $0xFFFFFFFF;
	(pc) =	sbr.abs _section_cstart, $3  }
0xd2: {  	[dreg:$0x1] =	wrdreg $0xFFFFFFFF  }
0xd3: {  	_ =	task.clear_ibuf [dreg:s16], $0x2FFFF;
	_ =	strace $0x9FFFFFFF  }
0xd4: {  	(tm) =	ssettm $0x7FFFFFFF  }
0xd5: {  	_ =	shalt  }
tec
execute0_lowered:
.L_overlay_start_1:
0x0: {  	(tag) =	ssettag $0x1  }
0x1: {  	s20 =	rddreg [dreg:$0x0]  }
0x2: {  	s30 =	rddreg [dreg:$0x1]  }
0x3: {  	s0 =	rddreg [dreg:$0x3]  }
0x4: {  	s1 =	srdreg.scid;
	s2 =	stileid.u32  }
0x5: {  	s18 =	simm.s32 $0x0;
	s28 =	simm.s32 $0x20;
	s31 =	simm.s32 $0x40  }
0x6: {  	s15 =	simm.s32 $0x380;
	s17 =	simm.s32 $0x80;
	s4 =	simm.s32 $0x1400  }
0x7: {  	s10 =	simm.s32 $0x5;
	s1 =	sand.u32 $0x1, s1;
	s6 =	sshll.u32 s2, $0x1  }
0x8: {  	[smem:$0x7FF] =	sst s18;
	s14 =	sadd.s32 $0x400, s0;
	s18 =	simm.s32 $0x180  }
0x9: {  	v0 =	vlaneseq.u32;
	s2 =	simm.s32 $0x0;
	s6 =	sor.u32 s1, s6;
	s1 =	ssub.s32 $0x2, s1  }
0xa: {  	v63 =	vmul.u32 $0x4, v0;
	_ =	strace $0x80000047;
	s13 =	smul.u32 $0x1900, s6;
	s8 =	sshrl.u32 s1, $0x1  }
0xb: {  	s26 =	smul.u32 $0xC8000, s6;
	s6 =	simm.s32 $0x2;
	s19 =	ssub.s32 s1, s8  }
0xc: {  	v0 =	vor.u32 $0x1, v63;
	[tilespmem:$0x1FFF0] =	vst v63;
	s21 =	sshrl.u32 s13, $0x3;
	s22 =	sshrl.u32 s13, $0x1;
	s23 =	sor.u32 $0x20, s13  }
0xd: {  	v57 =	vor.u32 $0x2, v63;
	[tilespmem:$0x1FF80] =	vst v0;
	[dreg:$0x10] =	wrdreg s26;
	s29 =	sor.u32 $0x60, s13;
	s0 =	smax.u32 s19, $0x1  }
0xe: {  	v58 =	vor.u32 $0x3, v63;
	[tilespmem:$0x1FF90] =	vst v57;
	s26 =	simm.s32 $0x3;
	s1 =	sadd.s32 s20, s21;
	[dreg:$0x11] =	wrdreg s29  }
0xf: {  	v59 =	vor.u32 $0x40, v63;
	[tilespmem:$0x1FFA0] =	vst v58;
	s24 =	sshrl.u32 s23, $0x3;
	s8 =	sshrl.u32 s23, $0x1;
	[dreg:$0x12] =	wrdreg s0  }
0x10: {  	v60 =	vor.u32 $0x41, v63;
	[tilespmem:$0x1FFB0] =	vst v59;
	s21 =	simm.s32 $0x1;
	[dreg:$0xc] =	wrdreg s1;
	s1 =	sadd.s32 s30, s22  }
0x11: {  	v61 =	vor.u32 $0x42, v63;
	[tilespmem:$0x1FFC0] =	vst v60;
	s23 =	simm.s32 $0x4;
	s25 =	sadd.s32 s30, s8;
	[dreg:$0xd] =	wrdreg s1  }
0x12: {  	v62 =	vor.u32 $0x43, v63;
	[tilespmem:$0x1FFD0] =	vst v61;
	s8 =	simm.s32 $0x400;
	s1 =	sadd.s32 s20, s24;
	[dreg:$0xf] =	wrdreg s25  }
0x13: {  	[tilespmem:$0x1FFE0] =	vst v62;
	s22 =	simm.s32 $0x300;
	s25 =	simm.s32 $0x100;
	[dreg:$0xe] =	wrdreg s1  }
.LBB2_1:
0x14: {  	[dreg:$0x13] =	wrdreg s2  }
0x15: {  	s0 =	rddreg [dreg:$0x8]  }
0x16: {  	s1 =	simm.s32 $0x0;
	s9 =	simm.s32 $0x10400;
	s11 =	simm.s32 $0x7  }
0x17: {  	[tilespmem:s9], [sflag:$0x7] =	stream.linear.gather [hbm4b:s0+s1], $0x80, $0x38;
	[tilespmem:$0x10500] =	vst v63  }
0x18: {  	_ =	swait.ge [sflag:s11], $0x80  }
0x19: {  	[sflag:s11] =	ssyncset.done $0x0  }
0x1a: {  	[sflag:s11] =	ssyncadd.s32 $0xFFFFFF80  }
0x1b: {  	s3 =	simm.s32 $0x10480;
	s12 =	rddreg [dreg:$0x9]  }
0x1c: {  	[tilespmem:s3], [sflag:$0x7] =	stream.linear.gather [hbm4b:s12+s1], $0x80, $0x38;
	[tilespmem:$0x10500] =	vst v63  }
0x1d: {  	_ =	swait.ge [sflag:s11], $0x80  }
0x1e: {  	[sflag:s11] =	ssyncset.done $0x0  }
0x1f: {  	s16 =	rddreg [dreg:$0xc];
	[sflag:s11] =	ssyncadd.s32 $0xFFFFFF80  }
0x20: {  	[tilespmem:s1], [sflag:$0x3] =	stream.linear.gather [hbm4b:s16+s1], $0x20, $0x38;
	[tilespmem:$0x10500] =	vst v63  }
0x21: {  	s19 =	rddreg [dreg:$0xd]  }
0x22: {  	[tilespmem:s25], [sflag:$0x3] =	stream.linear.gather [hbm4b:s19+s1], $0x80, $0x38;
	[tilespmem:$0x10500] =	vst v63  }
0x23: {  	_ =	swait.ge [sflag:s26], $0x20  }
0x24: {  	[sflag:s26] =	ssyncset.done $0x0  }
0x25: {  	[sflag:s26] =	ssyncadd.s32 $0xFFFFFFE0  }
0x26: {  	_ =	swait.ge [sflag:s26], $0x80  }
0x27: {  	v0 =	vld [tilespmem:$0x1FF90]  }
0x28: {  	v53 =	vld [tilespmem:$0x1FF80]  }
0x29: {  	v54 =	vld [tilespmem:$0x1FFA0];
	_ =	sdelay $0x2  }
0x2a: {  	[sflag:s26] =	ssyncset.done $0x0  }
0x2b: {  	v55 =	vld [tilespmem:$0x1FFB0];
	[sflag:s26] =	ssyncadd.s32 $0xFFFFFF80  }
0x2c: {  	v8 =	vld.idx.msk [tilespmem:v63+s25+$0x0], $0xffff  }
0x2d: {  	v9 =	vld.idx.msk [tilespmem:v0+s25+$0x0], $0xffff  }
0x2e: {  	v10 =	vld.idx.msk [tilespmem:v53+s25+$0x0], $0xffff  }
0x2f: {  	v11 =	vld.idx.msk [tilespmem:v54+s25+$0x0], $0xffff  }
0x30: {  	v56 =	vld [tilespmem:$0x1FFD0]  }
0x31: {  	v58 =	vld [tilespmem:$0x1FFC0];
	[tilespmem:$0x200] =	vst v8  }
0x32: {  	v59 =	vld [tilespmem:$0x1FFE0];
	[tilespmem:$0x220] =	vst v9  }
0x33: {  	[tilespmem:$0x280] =	vst v10  }
0x34: {  	[tilespmem:$0x2A0] =	vst v11;
	v10 =	vsub.s32 v11, v10  }
0x35: {  	v8 =	vsub.s32 v9, v8;
	[tilespmem:$0x300] =	vst v10  }
0x36: {  	[tilespmem:$0x380] =	vst v8  }
0x37: {  	v8 =	vld.idx.msk [tilespmem:v55+s25+$0x0], $0xffff  }
0x38: {  	v57 =	vld.idx.msk [tilespmem:v56+s25+$0x0], $0xffff  }
0x39: {  	v10 =	vld.idx.msk [tilespmem:v58+s25+$0x0], $0xffff  }
0x3a: {  	v60 =	vld.idx.msk [tilespmem:v59+s25+$0x0], $0xffff;
	_ =	sdelay $0x1  }
0x3b: {  	[tilespmem:$0x210] =	vst v8  }
0x3c: {  	[tilespmem:$0x230] =	vst v57  }
0x3d: {  	[tilespmem:$0x290] =	vst v10  }
0x3e: {  	[tilespmem:$0x2B0] =	vst v60;
	v10 =	vsub.s32 v60, v10  }
0x3f: {  	v8 =	vsub.s32 v57, v8;
	[tilespmem:$0x310] =	vst v10  }
0x40: {  	s24 =	rddreg [dreg:$0x2];
	[tilespmem:$0x390] =	vst v8  }
0x41: {  	[tilespmem:s8], [sflag:$0x1] =	stream.indirect.gather [hbm4b:s24+s28], $0x80, s1, s28, $0xb8;
	[tilespmem:$0x10500] =	vst v63  }
0x42: {  	s29 =	simm.s32 $0x2400  }
0x43: {  	[tilespmem:s29], [sflag:$0x1] =	stream.linear.gather [hbm4b:s14+s1], $0x1000, $0x38;
	[tilespmem:$0x10500] =	vst v63  }
0x44: {  	s5 =	simm.s32 $0x4400;
	s3 =	simm.s32 $0x200;
	s2 =	rddreg [dreg:$0x4]  }
0x45: {  	[tilespmem:s5], [sflag:$0x1] =	stream.indirect.gather [hbm4b:s2+s31], $0x80, s3, s31, $0xb8;
	[tilespmem:$0x10500] =	vst v63  }
0x46: {  	s9 =	simm.s32 $0x8400;
	s7 =	rddreg [dreg:$0x5];
	s8 =	simm.s32 $0x280  }
0x47: {  	[tilespmem:s9], [sflag:$0x1] =	stream.indirect.gather [hbm4b:s7+s31], $0x80, s8, s31, $0xb8;
	[tilespmem:$0x10500] =	vst v63  }
0x48: {  	s12 =	simm.s32 $0xC400;
	s11 =	rddreg [dreg:$0x6]  }
0x49: {  	[tilespmem:s12], [sflag:$0x1] =	stream.indirect.gather [hbm4b:s11+s28], $0x80, s22, s28, $0xb8;
	[tilespmem:$0x10500] =	vst v63  }
0x4a: {  	s19 =	simm.s32 $0xE400;
	s16 =	rddreg [dreg:$0x7]  }
0x4b: {  	[tilespmem:s19], [sflag:$0x1] =	stream.indirect.gather [hbm4b:s16+s28], $0x80, s15, s28, $0xb8;
	[tilespmem:$0x10500] =	vst v63  }
0x4c: {  	s24 =	rddreg [dreg:$0xe]  }
0x4d: {  	[tilespmem:s17], [sflag:$0x4] =	stream.linear.gather [hbm4b:s24+s1], $0x20, $0x38;
	[tilespmem:$0x10500] =	vst v63  }
0x4e: {  	s29 =	rddreg [dreg:$0xf]  }
0x4f: {  	[tilespmem:s18], [sflag:$0x4] =	stream.linear.gather [hbm4b:s29+s1], $0x80, $0x38;
	[tilespmem:$0x10500] =	vst v63  }
0x50: {  	v61 =	vld [tilespmem:$0x10400]  }
0x51: {  	v13 =	vld [tilespmem:$0x10410]  }
0x52: {  	v28 =	vld [tilespmem:$0x10470]  }
0x53: {  	v29 =	vld [tilespmem:$0x10480]  }
0x54: {  	v30 =	vld [tilespmem:$0x10490]  }
0x55: {  	v31 =	vld [tilespmem:$0x104A0]  }
0x56: {  	v38 =	vld [tilespmem:$0x104B0];
	[tilespmem:$0x1FEE0] =	vst v61  }
0x57: {  	v39 =	vld [tilespmem:$0x104C0];
	[tilespmem:$0x1FEF0] =	vst v28  }
0x58: {  	v40 =	vld [tilespmem:$0x104D0];
	[tilespmem:$0x1FF00] =	vst v29  }
0x59: {  	v62 =	vld [tilespmem:$0x104E0];
	[tilespmem:$0x1FF10] =	vst v30  }
0x5a: {  	v37 =	vld [tilespmem:$0x104F0];
	[tilespmem:$0x1FF20] =	vst v31  }
0x5b: {  	v14 =	vld [tilespmem:$0x10420];
	[tilespmem:$0x1FF30] =	vst v38  }
0x5c: {  	v15 =	vld [tilespmem:$0x10430];
	[tilespmem:$0x1FF40] =	vst v39  }
0x5d: {  	v16 =	vld [tilespmem:$0x10440];
	[tilespmem:$0x1FF50] =	vst v40  }
0x5e: {  	v12 =	vld [tilespmem:$0x10450];
	[tilespmem:$0x1FF60] =	vst v62  }
0x5f: {  	s24 =	simm.s32 $0x0;
	v17 =	vld [tilespmem:$0x10460];
	[tilespmem:$0x1FF70] =	vst v37  }
.LBB2_2:
0x60: {  	_ =	swait.ge [sflag:s21], $0x1000  }
0x61: {  	[sflag:s21] =	ssyncset.done $0x0  }
0x62: {  	[sflag:s21] =	ssyncadd.s32 $0xFFFFF000  }
0x63: {  	_ =	swait.ge [sflag:s21], $0x1000  }
0x64: {  	[sflag:s21] =	ssyncset.done $0x0  }
0x65: {  	[sflag:s21] =	ssyncadd.s32 $0xFFFFF000  }
0x66: {  	_ =	swait.ge [sflag:s21], $0x2000  }
0x67: {  	[sflag:s21] =	ssyncset.done $0x0  }
0x68: {  	[sflag:s21] =	ssyncadd.s32 $0xFFFFE000  }
0x69: {  	_ =	swait.ge [sflag:s21], $0x2000  }
0x6a: {  	[sflag:s21] =	ssyncset.done $0x0  }
0x6b: {  	[sflag:s21] =	ssyncadd.s32 $0xFFFFE000  }
0x6c: {  	_ =	swait.ge [sflag:s21], $0x1000  }
0x6d: {  	[sflag:s21] =	ssyncset.done $0x0  }
0x6e: {  	[sflag:s21] =	ssyncadd.s32 $0xFFFFF000  }
0x6f: {  	_ =	swait.ge [sflag:s21], $0x1000  }
0x70: {  	[sflag:s21] =	ssyncset.done $0x0  }
0x71: {  	[sflag:s21] =	ssyncadd.s32 $0xFFFFF000  }
0x72: {  	_ =	swait.ge [sflag:s23], $0x20  }
0x73: {  	[sflag:s23] =	ssyncset.done $0x0  }
0x74: {  	[sflag:s23] =	ssyncadd.s32 $0xFFFFFFE0  }
0x75: {  	_ =	swait.ge [sflag:s23], $0x80  }
0x76: {  	v0 =	vld [tilespmem:$0x1FF90]  }
0x77: {  	v56 =	vld [tilespmem:$0x1FF80]  }
0x78: {  	v57 =	vld [tilespmem:$0x1FFA0];
	_ =	sdelay $0x2  }
0x79: {  	[sflag:s23] =	ssyncset.done $0x0  }
0x7a: {  	v58 =	vld [tilespmem:$0x1FFB0];
	[sflag:s23] =	ssyncadd.s32 $0xFFFFFF80  }
0x7b: {  	v24 =	vld.idx.msk [tilespmem:v63+s18+$0x0], $0xffff  }
0x7c: {  	v25 =	vld.idx.msk [tilespmem:v0+s18+$0x0], $0xffff  }
0x7d: {  	v26 =	vld.idx.msk [tilespmem:v56+s18+$0x0], $0xffff  }
0x7e: {  	v27 =	vld.idx.msk [tilespmem:v57+s18+$0x0], $0xffff  }
0x7f: {  	v59 =	vld [tilespmem:$0x1FFD0]  }
0x80: {  	v61 =	vld [tilespmem:$0x1FFC0];
	[tilespmem:$0x200] =	vst v24  }
0x81: {  	v62 =	vld [tilespmem:$0x1FFE0];
	[tilespmem:$0x220] =	vst v25  }
0x82: {  	[tilespmem:$0x280] =	vst v26  }
0x83: {  	[tilespmem:$0x2A0] =	vst v27;
	v26 =	vsub.s32 v27, v26  }
0x84: {  	v24 =	vsub.s32 v25, v24;
	[tilespmem:$0x300] =	vst v26  }
0x85: {  	[tilespmem:$0x380] =	vst v24  }
0x86: {  	v24 =	vld.idx.msk [tilespmem:v58+s18+$0x0], $0xffff  }
0x87: {  	v60 =	vld.idx.msk [tilespmem:v59+s18+$0x0], $0xffff  }
0x88: {  	v26 =	vld.idx.msk [tilespmem:v61+s18+$0x0], $0xffff  }
0x89: {  	s12 =	sshll.u32 s24, $0x6;
	v63 =	vld.idx.msk [tilespmem:v62+s18+$0x0], $0xffff  }
0x8a: {  	s16 =	sor.u32 $0x20, s12  }
0x8b: {  	s0 =	sand.u32 $0xFFE0, s16;
	[tilespmem:$0x210] =	vst v24  }
0x8c: {  	s0 =	sshrl.u32 s0, $0x3;
	[tilespmem:$0x230] =	vst v60  }
0x8d: {  	s0 =	smul.u32 $0x147B, s0;
	[tilespmem:$0x290] =	vst v26  }
0x8e: {  	[tilespmem:$0x2B0] =	vst v63;
	v26 =	vsub.s32 v63, v26  }
0x8f: {  	p0 =	seq.s32 s24, $0x0;
	s0 =	sshrl.u32 s0, $0x11;
	v24 =	vsub.s32 v60, v24;
	[tilespmem:$0x310] =	vst v26  }
0x90: {  	s1 =	simm.s32 @!p0 $0x6;
	s0 =	smul.u32 $0xC8, s0;
	[tilespmem:$0x390] =	vst v24  }
0x91: {  	_ =	swait.ge @!p0 [sflag:s1], $0x1000  }
0x92: {  	s0 =	ssub.s32 s16, s0;
	[sflag:s1] =	ssyncset.done @!p0 $0x0  }
0x93: {  	s0 =	sshll.u32 s0, $0x4;
	[sflag:s1] =	ssyncadd.s32 @!p0 $0xFFFFF000  }
0x94: {  	s0 =	sand.u32 $0xFF80, s0;
	s1 =	rddreg [dreg:$0x2]  }
0x95: {  	[tilespmem:s4], [sflag:$0x2] =	stream.indirect.gather [hbm4b:s1+s28], $0x80, s17, s28, $0xb8;
	[tilespmem:$0x10500] =	vst v63  }
0x96: {  	s2 =	simm.s32 $0x3400;
	s9 =	sadd.s32 s0, s14;
	s0 =	simm.s32 $0x0  }
0x97: {  	[tilespmem:s2], [sflag:$0x2] =	stream.linear.gather [hbm4b:s9+s0], $0x1000, $0x38;
	[tilespmem:$0x10500] =	vst v63  }
0x98: {  	s19 =	simm.s32 $0x200;
	s3 =	simm.s32 $0x6400;
	s11 =	rddreg [dreg:$0x4]  }
0x99: {  	[tilespmem:s3], [sflag:$0x2] =	stream.indirect.gather [hbm4b:s11+s31], $0x80, s19, s31, $0xb8;
	[tilespmem:$0x10500] =	vst v63  }
0x9a: {  	s5 =	simm.s32 $0xA400;
	s4 =	simm.s32 $0x280;
	s3 =	rddreg [dreg:$0x5]  }
0x9b: {  	[tilespmem:s5], [sflag:$0x2] =	stream.indirect.gather [hbm4b:s3+s31], $0x80, s4, s31, $0xb8;
	[tilespmem:$0x10500] =	vst v63  }
0x9c: {  	s8 =	simm.s32 $0xD400;
	s7 =	rddreg [dreg:$0x6]  }
0x9d: {  	[tilespmem:s8], [sflag:$0x2] =	stream.indirect.gather [hbm4b:s7+s28], $0x80, s22, s28, $0xb8;
	[tilespmem:$0x10500] =	vst v63  }
0x9e: {  	s1 =	sadd.s32 $0x40, s12;
	s9 =	rddreg [dreg:$0x7];
	s11 =	simm.s32 $0xF400  }
0x9f: {  	[tilespmem:s11], [sflag:$0x2] =	stream.indirect.gather [hbm4b:s9+s28], $0x80, s15, s28, $0xb8;
	[tilespmem:$0x10500] =	vst v63  }
0xa0: {  	s11 =	sadd.s32 s13, s1  }
0xa1: {  	s11 =	smin.u32 s11, $0x31FE0  }
0xa2: {  	s19 =	sshrl.u32 s11, $0x3  }
0xa3: {  	s29 =	smov.u32 s20;
	s2 =	sadd.s32 s20, s19;
	s20 =	sshrl.u32 s11, $0x1  }
0xa4: {  	[tilespmem:s0], [sflag:$0x3] =	stream.linear.gather [hbm4b:s2+s0], $0x20, $0x38;
	[tilespmem:$0x10500] =	vst v63  }
0xa5: {  	s9 =	smov.u32 s30;
	s2 =	sadd.s32 s30, s20  }
0xa6: {  	[tilespmem:s25], [sflag:$0x3] =	stream.linear.gather [hbm4b:s2+s0], $0x80, $0x38;
	[tilespmem:$0x10500] =	vst v63  }
.LBB2_3:
0xa7: {  	s11 =	sshra.s32 s0, $0x2  }
0xa8: {  	v24 =	vld [tilespmem:s11+$0x400]  }
0xa9: {  	v25 =	vld [tilespmem:s11+$0x4400]  }
0xaa: {  	v26 =	vld [tilespmem:s11+$0x5400]  }
0xab: {  	v27 =	vld [tilespmem:s11+$0x8400]  }
0xac: {  	v28 =	vld [tilespmem:s11+$0x9400]  }
0xad: {  	v29 =	vld [tilespmem:s11+$0xC400]  }
0xae: {  	v30 =	vld [tilespmem:s11+$0xE400]  }
0xaf: {  	v31 =	vld [tilespmem:s11+$0x410]  }
0xb0: {  	v32 =	vld [tilespmem:s11+$0x4410]  }
0xb1: {  	v33 =	vld [tilespmem:s11+$0x5410]  }
0xb2: {  	v34 =	vld [tilespmem:s11+$0x8410]  }
0xb3: {  	v35 =	vld [tilespmem:s11+$0x9410]  }
0xb4: {  	v36 =	vld [tilespmem:s11+$0xC410]  }
0xb5: {  	v37 =	vld [tilespmem:s11+$0xE410]  }
0xb6: {  	v38 =	vld [tilespmem:s11+$0x420]  }
0xb7: {  	v39 =	vld [tilespmem:s11+$0x4420]  }
0xb8: {  	v40 =	vld [tilespmem:s11+$0x5420]  }
0xb9: {  	v41 =	vld [tilespmem:s11+$0x8420]  }
0xba: {  	v42 =	vld [tilespmem:s11+$0x9420]  }
0xbb: {  	v43 =	vld [tilespmem:s11+$0xC420]  }
0xbc: {  	v44 =	vld [tilespmem:s11+$0xE420]  }
0xbd: {  	v45 =	vld [tilespmem:s11+$0x430]  }
0xbe: {  	v46 =	vld [tilespmem:s11+$0x4430]  }
0xbf: {  	v47 =	vld [tilespmem:s11+$0x5430]  }
0xc0: {  	v48 =	vld [tilespmem:s11+$0x8430]  }
0xc1: {  	v49 =	vld [tilespmem:s11+$0x9430]  }
0xc2: {  	v50 =	vld [tilespmem:s11+$0xC430]  }
0xc3: {  	v51 =	vld [tilespmem:s11+$0xE430]  }
0xc4: {  	v52 =	vld [tilespmem:s11+$0x440]  }
0xc5: {  	v53 =	vld [tilespmem:s11+$0x4440]  }
0xc6: {  	v54 =	vld [tilespmem:s11+$0x5440]  }
0xc7: {  	v55 =	vld [tilespmem:s11+$0x8440]  }
0xc8: {  	v56 =	vld [tilespmem:s11+$0x9440]  }
0xc9: {  	v57 =	vld [tilespmem:s11+$0xC440]  }
0xca: {  	v58 =	vld [tilespmem:s11+$0xE440]  }
0xcb: {  	v59 =	vld [tilespmem:s11+$0x450]  }
0xcc: {  	v60 =	vld [tilespmem:s11+$0x4450]  }
0xcd: {  	v61 =	vld [tilespmem:s11+$0x5450]  }
0xce: {  	v62 =	vld [tilespmem:s11+$0x8450]  }
0xcf: {  	v63 =	vld [tilespmem:s11+$0x9450]  }
0xd0: {  	v0 =	vld [tilespmem:s11+$0xC450]  }
0xd1: {  	v1 =	vld [tilespmem:s11+$0xE450]  }
0xd2: {  	v2 =	vld [tilespmem:s11+$0x460]  }
0xd3: {  	v3 =	vld [tilespmem:s11+$0x4460]  }
0xd4: {  	v4 =	vld [tilespmem:s11+$0x5460]  }
0xd5: {  	v5 =	vld [tilespmem:s11+$0x8460]  }
0xd6: {  	v6 =	vld [tilespmem:s11+$0x9460]  }
0xd7: {  	v7 =	vld [tilespmem:s11+$0xC460]  }
0xd8: {  	v8 =	vld [tilespmem:s11+$0xE460]  }
0xd9: {  	v9 =	vld [tilespmem:s11+$0x470]  }
0xda: {  	v10 =	vld [tilespmem:s11+$0x4470]  }
0xdb: {  	v11 =	vld [tilespmem:s11+$0x5470]  }
0xdc: {  	v23 =	vmov v12;
	v12 =	vld [tilespmem:s11+$0x8470]  }
0xdd: {  	v19 =	vmov v13;
	v13 =	vld [tilespmem:s11+$0x9470]  }
0xde: {  	v20 =	vmov v14;
	v14 =	vld [tilespmem:s11+$0xC470]  }
0xdf: {  	v21 =	vmov v15;
	v15 =	vld [tilespmem:s11+$0xE470]  }
0xe0: {  	v22 =	vmov v16;
	v16 =	vld [tilespmem:s11+$0x2400]  }
0xe1: {  	v18 =	vmov v17;
	v17 =	vld [tilespmem:s11+$0x2430]  }
0xe2: {  	v24 =	vadd.f32 v25, v24;
	v25 =	vadd.f32 v27, v26;
	v26 =	vld [tilespmem:s11+$0x2410]  }
0xe3: {  	v27 =	vld [tilespmem:s11+$0x2420]  }
0xe4: {  	v36 =	vadd.f32 v36, v35;
	v35 =	vld [tilespmem:s11+$0x8480]  }
0xe5: {  	v41 =	vadd.f32 v41, v40;
	v40 =	vld [tilespmem:s11+$0x4490]  }
0xe6: {  	v43 =	vadd.f32 v43, v42;
	v42 =	vld [tilespmem:s11+$0x5490]  }
0xe7: {  	v46 =	vadd.f32 v46, v45;
	v45 =	vld [tilespmem:s11+$0x4A0]  }
0xe8: {  	v0 =	vadd.f32 v0, v63;
	v63 =	vadd.f32 v5, v4;
	v4 =	vld [tilespmem:s11+$0x44A0]  }
0xe9: {  	v50 =	vadd.f32 v50, v49;
	v49 =	vadd.f32 v7, v6;
	v6 =	vld [tilespmem:s11+$0x84A0]  }
0xea: {  	v2 =	vadd.f32 v3, v2;
	v3 =	vld [tilespmem:s11+$0xC4A0]  }
0xeb: {  	v7 =	vld [tilespmem:s11+$0xE4A0];
	v24 =	vadd.f32 v25, v24  }
0xec: {  	v25 =	vadd.f32 v29, v28;
	v28 =	vadd.f32 v32, v31;
	v32 =	vld [tilespmem:s11+$0x480]  }
0xed: {  	v47 =	vadd.f32 v48, v47;
	v29 =	vadd.f32 v34, v33;
	v33 =	vld [tilespmem:s11+$0x4480]  }
0xee: {  	v34 =	vld [tilespmem:s11+$0x5480]  }
0xef: {  	v48 =	vadd.f32 v47, v46;
	v46 =	vld [tilespmem:s11+$0xC490]  }
0xf0: {  	v31 =	vadd.f32 v12, v11;
	v11 =	vld [tilespmem:s11+$0x4C0];
	v24 =	vadd.f32 v25, v24  }
0xf1: {  	v25 =	vadd.f32 v29, v28;
	v29 =	vadd.f32 v39, v38;
	v38 =	vld [tilespmem:s11+$0xC480]  }
0xf2: {  	v52 =	vadd.f32 v53, v52;
	v53 =	vadd.f32 v55, v54;
	v39 =	vld [tilespmem:s11+$0xE480]  }
0xf3: {  	v2 =	vadd.f32 v63, v2;
	v54 =	vadd.f32 v50, v48;
	v48 =	vld [tilespmem:s11+$0xE490]  }
0xf4: {  	v56 =	vadd.f32 v57, v56;
	v50 =	vadd.f32 v14, v13;
	v13 =	vld [tilespmem:s11+$0x44B0]  }
0xf5: {  	v57 =	vadd.f32 v60, v59;
	v2 =	vadd.f32 v49, v2;
	v49 =	vld [tilespmem:s11+$0x54C0]  }
0xf6: {  	v59 =	vadd.f32 v62, v61;
	v4 =	vadd.f32 v4, v45;
	v45 =	vld [tilespmem:s11+$0x54E0]  }
0xf7: {  	v55 =	vadd.f32 v53, v52;
	v25 =	vadd.f32 v36, v25;
	v36 =	vld [tilespmem:s11+$0x9480]  }
0xf8: {  	v62 =	vadd.f32 v59, v57;
	v28 =	vadd.f32 v41, v29;
	v41 =	vld [tilespmem:s11+$0x9490]  }
0xf9: {  	v24 =	vadd.f32 v24, v30;
	v30 =	vadd.f32 v10, v9;
	v10 =	vld [tilespmem:s11+$0x54A0]  }
0xfa: {  	v61 =	vadd.f32 v56, v55;
	v9 =	vld [tilespmem:s11+$0x94A0]  }
0xfb: {  	v0 =	vadd.f32 v0, v62;
	v56 =	vshll.u32 v17, $0x10;
	v52 =	vadd.f32 v2, v8;
	v2 =	vld [tilespmem:s11+$0x4B0]  }
0xfc: {  	v14 =	vand.u32 $0xFFFF0000, v26;
	v60 =	vadd.f32 v54, v51;
	v51 =	vadd.f32 v61, v58;
	v8 =	vld [tilespmem:s11+$0x94B0]  }
0xfd: {  	v55 =	vshll.u32 v27, $0x10;
	v25 =	vadd.f32 v25, v37;
	v28 =	vadd.f32 v43, v28;
	v37 =	vld [tilespmem:s11+$0x490]  }
0xfe: {  	v54 =	vshll.u32 v26, $0x10;
	v5 =	vadd.f32 v31, v30;
	v26 =	vadd.f32 v55, v51;
	v51 =	vld [tilespmem:s11+$0x84C0]  }
0xff: {  	v31 =	vadd.f32 v14, v60;
	v14 =	vand.u32 $0xFFFF0000, v27;
	v27 =	vadd.f32 v56, v52;
	v56 =	vld [tilespmem:s11+$0xC4C0]  }
0x100: {  	v0 =	vadd.f32 v0, v1;
	v52 =	vld [tilespmem:s11+$0x4D0]  }
0x101: {  	v53 =	vshll.u32 v16, $0x10;
	v32 =	vadd.f32 v33, v32;
	v55 =	vld [tilespmem:s11+$0x4F0];
	v43 =	vadd.f32 v28, v44  }
0x102: {  	v12 =	vand.u32 $0xFFFF0000, v16;
	v44 =	vld [tilespmem:s11+$0x8490];
	v5 =	vadd.f32 v50, v5;
	v28 =	vadd.f32 v53, v24  }
0x103: {  	v29 =	vadd.f32 v12, v25;
	v12 =	vld [tilespmem:s11+$0x54B0];
	v25 =	vadd.f32 v14, v0  }
0x104: {  	v14 =	vld [tilespmem:s11+$0xC4B0];
	v6 =	vadd.f32 v6, v10;
	v3 =	vadd.f32 v3, v9  }
0x105: {  	v0 =	vld [tilespmem:s11+$0xE4B0];
	v2 =	vadd.f32 v13, v2;
	v5 =	vadd.f32 v5, v15  }
0x106: {  	v57 =	vand.u32 $0xFFFF0000, v17;
	v53 =	vld [tilespmem:s11+$0xC4E0];
	v30 =	vadd.f32 v54, v43;
	v58 =	vadd.f32 v29, v28  }
0x107: {  	v61 =	vmul.f32 v26, v26;
	v15 =	vld [tilespmem:s11+$0x84B0];
	v16 =	vadd.f32 v25, v26;
	v4 =	vadd.f32 v6, v4  }
0x108: {  	v43 =	vld [tilespmem:s11+$0x44C0];
	v47 =	vmul.f32 v29, v29;
	v24 =	vadd.f32 v57, v5;
	v59 =	vadd.f32 v31, v30  }
0x109: {  	v54 =	vld [tilespmem:s11+$0x94C0];
	v5 =	vmul.f32 v28, v28;
	v3 =	vadd.f32 v3, v4;
	v8 =	vadd.f32 v14, v8  }
0x10a: {  	v62 =	vmul.f32 v25, v25;
	v57 =	vld [tilespmem:s11+$0x54F0];
	v14 =	vadd.f32 v51, v49;
	v17 =	vadd.f32 v24, v27  }
0x10b: {  	v49 =	vld [tilespmem:s11+$0x24B0];
	v1 =	vadd.f32 v59, v58;
	v5 =	vadd.f32 v47, v5  }
0x10c: {  	v47 =	vld [tilespmem:s11+$0xE4C0];
	v58 =	vadd.f32 v62, v61;
	v59 =	vadd.f32 v35, v34  }
0x10d: {  	v61 =	vadd.f32 v40, v37;
	v62 =	vadd.f32 v44, v42;
	v37 =	vld [tilespmem:s11+$0x4E0]  }
0x10e: {  	v42 =	vadd.f32 v46, v41;
	v44 =	vld [tilespmem:s11+$0x44E0];
	v50 =	vadd.f32 v15, v12  }
0x10f: {  	v60 =	vmul.f32 v31, v31;
	v46 =	vld [tilespmem:s11+$0x84E0];
	v11 =	vadd.f32 v43, v11;
	v3 =	vadd.f32 v3, v7  }
0x110: {  	v34 =	vld [tilespmem:s11+$0x44D0];
	v16 =	vadd.f32 v17, v16;
	v17 =	vmul.f32 v30, v30;
	v32 =	vadd.f32 v59, v32  }
0x111: {  	v15 =	vld [tilespmem:s11+$0x44F0];
	v59 =	vadd.f32 v56, v54;
	v2 =	vadd.f32 v50, v2  }
0x112: {  	v63 =	vmul.f32 v24, v24;
	v12 =	vld [tilespmem:s11+$0x94E0];
	v1 =	vadd.f32 v16, v1;
	v17 =	vadd.f32 v60, v17  }
0x113: {  	v35 =	vld [tilespmem:s11+$0x84D0];
	v16 =	vmul.f32 v27, v27;
	v60 =	vadd.f32 v38, v36;
	v2 =	vadd.f32 v8, v2  }
0x114: {  	v43 =	vld [tilespmem:s11+$0xE4E0];
	v10 =	vadd.f32 v44, v37;
	v6 =	vadd.f32 v46, v45  }
0x115: {  	v38 =	vld [tilespmem:s11+$0x94D0];
	v16 =	vadd.f32 v63, v16;
	v5 =	vadd.f32 v17, v5  }
0x116: {  	v44 =	vld [tilespmem:s11+$0x2480];
	v63 =	vadd.f32 v62, v61;
	v9 =	vadd.f32 v15, v55  }
0x117: {  	v45 =	vld [tilespmem:s11+$0x2490];
	v4 =	vadd.f32 v53, v12;
	v0 =	vadd.f32 v2, v0  }
0x118: {  	v17 =	vld [tilespmem:s11+$0x54D0];
	v6 =	vadd.f32 v6, v10;
	v16 =	vadd.f32 v16, v58  }
0x119: {  	v61 =	vld [tilespmem:s11+$0x94F0];
	v33 =	vadd.f32 v42, v63;
	v58 =	vadd.f32 v14, v11  }
0x11a: {  	v14 =	vld [tilespmem:s11+$0x84F0];
	v4 =	vadd.f32 v4, v6;
	v5 =	vadd.f32 v16, v5  }
0x11b: {  	v63 =	vld [tilespmem:s11+$0xC4F0];
	v16 =	vadd.f32 v60, v32;
	v13 =	vadd.f32 v33, v48  }
0x11c: {  	v46 =	vld [tilespmem:s11+$0x24A0];
	(xrf2) =	vadd.scan.msk.f32 $0xffff, v1;
	v60 =	vadd.f32 v34, v52;
	v62 =	vadd.f32 v59, v58  }
0x11d: {  	v53 =	vand.u32 $0xFFFF0000, v49;
	v32 =	vld [tilespmem:s11+$0xC4D0];
	v17 =	vadd.f32 v35, v17;
	v4 =	vadd.f32 v4, v43  }
0x11e: {  	v10 =	vand.u32 $0xFFFF0000, v44;
	v16 =	vadd.f32 v16, v39;
	v2 =	vadd.f32 v62, v47  }
0x11f: {  	v52 =	vshll.u32 v49, $0x10;
	v10 =	vadd.f32 v10, v13;
	v41 =	vadd.f32 v17, v60  }
0x120: {  	v42 =	vld [tilespmem:s11+$0xE4D0];
	v13 =	vshll.u32 v45, $0x10;
	v7 =	vadd.f32 v14, v57;
	v8 =	vadd.f32 v63, v61  }
0x121: {  	v12 =	vshll.u32 v44, $0x10;
	v14 =	vld [tilespmem:s11+$0xE4F0];
	v37 =	vadd.f32 v13, v3;
	v33 =	vadd.f32 v52, v4  }
0x122: {  	v50 =	vshll.u32 v46, $0x10;
	v17 =	vadd.f32 v32, v38;
	v7 =	vadd.f32 v7, v9  }
0x123: {  	v51 =	vand.u32 $0xFFFF0000, v46;
	v12 =	vadd.f32 v12, v16;
	v35 =	vadd.f32 v50, v2  }
0x124: {  	v9 =	vand.u32 $0xFFFF0000, v45;
	v11 =	vadd.f32 v17, v41;
	v7 =	vadd.f32 v8, v7  }
0x125: {  	v56 =	vmul.f32 v10, v10;
	v58 =	vmul.f32 v37, v37;
	v36 =	vadd.f32 v9, v0  }
0x126: {  	(xrf2) =	vadd.scan.msk.f32 $0xffff, v5;
	v62 =	vmul.f32 v33, v33;
	v43, _, _ =	vpop (xrf2);
	v48 =	vadd.f32 v11, v42;
	v7 =	vadd.f32 v7, v14  }
0x127: {  	v54 =	vadd.f32 v10, v12;
	v55 =	vmul.f32 v12, v12;
	(v2sf) =	vpush v43, $0xF  }
0x128: {  	v59 =	vmul.f32 v36, v36;
	v34 =	vadd.f32 v51, v48;
	v32 =	vadd.f32 v53, v7  }
0x129: {  	v61 =	vmul.f32 v35, v35;
	v57 =	vadd.f32 v36, v37;
	v1 =	vadd.f32 v56, v55  }
0x12a: {  	v4 =	vadd.f32 v59, v58;
	v8 =	vmul.f32 v34, v34;
	v63 =	vmul.f32 v32, v32  }
0x12b: {  	v60 =	vadd.f32 v34, v35;
	v41 =	vadd.f32 v32, v33  }
0x12c: {  	v7 =	vadd.f32 v8, v61;
	v2 =	vadd.f32 v63, v62  }
0x12d: {  	v0 =	vadd.f32 v57, v54;
	v42 =	vadd.f32 v41, v60  }
0x12e: {  	v1 =	vadd.f32 v4, v1;
	v2 =	vadd.f32 v2, v7  }
0x12f: {  	v0 =	vadd.f32 v42, v0  }
0x130: {  	v44, _, _ =	vpop (xrf2);
	v1 =	vadd.f32 v2, v1  }
0x131: {  	(v2sf) =	vpush v44, $0xF;
	(xrf2) =	vadd.scan.msk.f32 $0xffff, v0  }
0x132: {  	(xrf2) =	vadd.scan.msk.f32 $0xffff, v1;
	_ =	sdelay $0x8  }
0x133: {  	v0, _, _ =	vpop (xrf2)  }
0x134: {  	(v2sf) =	vpush v0, $0xF;
	v45, _, _ =	vpop (xrf2)  }
0x135: {  	s2 =	spop (v2sf);
	(v2sf) =	vpush v45, $0xF  }
0x136: {  	s2 =	smul.f32 $7.812500000e-03, s2;
	_ =	sdelay $0x1  }
0x137: {  	s4 =	smul.f32 s2, s2;
	s3 =	spop (v2sf)  }
0x138: {  	s3 =	smul.f32 $7.812500000e-03, s3;
	_ =	sdelay $0x1  }
0x139: {  	s3 =	ssub.f32 s3, s4;
	_ =	sdelay $0x1  }
0x13a: {  	s3 =	sadd.f32 $9.999999970e-07, s3;
	_ =	sdelay $0x1  }
0x13b: {  	s8 =	sshrl.u32 s3, $0x1;
	s3 =	smul.f32 $5.000000000e-01, s3  }
0x13c: {  	s4 =	ssub.s32 $0x5F3759DF, s8  }
0x13d: {  	s5 =	smul.f32 s4, s3;
	_ =	sdelay $0x1  }
0x13e: {  	s5 =	smul.f32 s4, s5;
	s7 =	spop (v2sf)  }
0x13f: {  	s7 =	smul.f32 $7.812500000e-03, s7;
	s19 =	spop (v2sf)  }
0x140: {  	s19 =	smul.f32 $7.812500000e-03, s19  }
0x141: {  	s20 =	smul.f32 s7, s7  }
0x142: {  	s5 =	ssub.f32 $1.500000000e+00, s5  }
0x143: {  	s19 =	ssub.f32 s19, s20  }
0x144: {  	s4 =	smul.f32 s4, s5  }
0x145: {  	s19 =	sadd.f32 $9.999999970e-07, s19  }
0x146: {  	s20 =	smul.f32 s4, s3  }
0x147: {  	s30 =	sshrl.u32 s19, $0x1;
	s5 =	smul.f32 $5.000000000e-01, s19  }
0x148: {  	s19 =	smul.f32 s20, s4;
	s20 =	ssub.s32 $0x5F3759DF, s30  }
0x149: {  	s30 =	smul.f32 s20, s5;
	_ =	sdelay $0x1  }
0x14a: {  	s30 =	smul.f32 s20, s30  }
0x14b: {  	s19 =	ssub.f32 $1.500000000e+00, s19  }
0x14c: {  	s8 =	ssub.f32 $1.500000000e+00, s30  }
0x14d: {  	s4 =	smul.f32 s19, s4  }
0x14e: {  	s19 =	smul.f32 s20, s8  }
0x14f: {  	s3 =	smul.f32 s4, s3  }
0x150: {  	s20 =	smul.f32 s19, s5  }
0x151: {  	s3 =	smul.f32 s3, s4  }
0x152: {  	v46 =	vmov s2;
	s20 =	smul.f32 s20, s19  }
0x153: {  	v47 =	vsub.f32 v28, v46;
	v48 =	vsub.f32 v29, v46;
	s3 =	ssub.f32 $1.500000000e+00, s3  }
0x154: {  	v50 =	vsub.f32 v30, v46;
	v52 =	vsub.f32 v31, v46;
	s2 =	ssub.f32 $1.500000000e+00, s20  }
0x155: {  	v11 =	vld [tilespmem:$0x1FEE0];
	v54 =	vsub.f32 v26, v46;
	v55 =	vsub.f32 v25, v46;
	s3 =	smul.f32 s3, s4  }
0x156: {  	v49 =	vld [tilespmem:$0x1FF00];
	v56 =	vsub.f32 v27, v46;
	v0 =	vsub.f32 v24, v46;
	v57 =	vmov s7;
	s2 =	smul.f32 s2, s19  }
0x157: {  	v39 =	vld [tilespmem:$0x1FF40];
	v58 =	vsub.f32 v12, v57;
	v10 =	vsub.f32 v10, v57  }
0x158: {  	v51 =	vld [tilespmem:$0x1FF10];
	v25 =	vsub.f32 v37, v57;
	v1 =	vmul.f32 s3, v47;
	v2 =	vmul.f32 s3, v48;
	s30 =	smul.f32 s2, s5  }
0x159: {  	v53 =	vld [tilespmem:$0x1FF20];
	v36 =	vsub.f32 v36, v57;
	v3 =	vmul.f32 s3, v50;
	v4 =	vmul.f32 s3, v52  }
0x15a: {  	v38 =	vld [tilespmem:$0x1FF30];
	v43 =	vsub.f32 v35, v57;
	v5 =	vmul.f32 s3, v54;
	v1 =	vmul.f32 v1, v11;
	s4 =	smul.f32 s30, s2  }
0x15b: {  	v28 =	vld [tilespmem:$0x1FEF0];
	v46 =	vsub.f32 v34, v57;
	v6 =	vmul.f32 s3, v55;
	v2 =	vmul.f32 v2, v19  }
0x15c: {  	v40 =	vld [tilespmem:$0x1FF50];
	v7 =	vmul.f32 s3, v56;
	v3 =	vmul.f32 v3, v20;
	v1 =	vadd.f32 v1, v49;
	s4 =	ssub.f32 $1.500000000e+00, s4  }
0x15d: {  	v26 =	vld [tilespmem:$0x1FF70];
	v0 =	vmul.f32 s3, v0;
	v4 =	vmul.f32 v4, v21;
	v2 =	vadd.f32 v2, v51  }
0x15e: {  	v9 =	vld [tilespmem:$0x1FF60];
	v52 =	vsub.f32 v32, v57;
	v5 =	vmul.f32 v5, v22;
	v3 =	vadd.f32 v3, v53;
	[tilespmem:s11+$0x400] =	vst v1;
	s2 =	smul.f32 s4, s2  }
0x15f: {  	v6 =	vmul.f32 v6, v23;
	v60 =	vmul.f32 v7, v18;
	v4 =	vadd.f32 v4, v38;
	[tilespmem:s11+$0x410] =	vst v2  }
0x160: {  	v0 =	vmul.f32 v0, v28;
	v59 =	vadd.f32 v5, v39;
	[tilespmem:s11+$0x420] =	vst v3;
	v61 =	vmul.f32 s2, v58  }
0x161: {  	v62 =	vadd.f32 v6, v40;
	[tilespmem:s11+$0x430] =	vst v4;
	v63 =	vmul.f32 s2, v10;
	v42 =	vmul.f32 s2, v25  }
0x162: {  	v0 =	vadd.f32 v0, v26;
	[tilespmem:s11+$0x440] =	vst v59;
	v45 =	vmul.f32 s2, v36;
	v24 =	vmul.f32 v61, v11  }
0x163: {  	[tilespmem:s11+$0x450] =	vst v62;
	v10 =	vadd.f32 v60, v9;
	v48 =	vmul.f32 s2, v43;
	v27 =	vmul.f32 v63, v19  }
0x164: {  	[tilespmem:s11+$0x470] =	vst v0;
	v47 =	vmul.f32 v42, v20;
	v50 =	vmul.f32 v45, v21;
	v41 =	vadd.f32 v24, v49  }
0x165: {  	[tilespmem:s11+$0x460] =	vst v10;
	v44 =	vadd.f32 v27, v51;
	v49 =	vsub.f32 v33, v57;
	v51 =	vmul.f32 s2, v46  }
0x166: {  	v54 =	vmul.f32 v48, v22;
	v53 =	vadd.f32 v47, v53;
	v57 =	vmul.f32 s2, v52;
	[tilespmem:s11+$0x480] =	vst v41  }
0x167: {  	v0 =	vadd.f32 v50, v38;
	v55 =	vmul.f32 s2, v49;
	[tilespmem:s11+$0x490] =	vst v44;
	v56 =	vmul.f32 v51, v23  }
0x168: {  	p0 =	sne.s32 s0, $0x3C00;
	v58 =	vadd.f32 v54, v39;
	[tilespmem:s11+$0x4A0] =	vst v53;
	v61 =	vmul.f32 v57, v28  }
.Ltmp0:
0x169: {  	[tilespmem:s11+$0x4B0] =	vst v0;
	v59 =	vmul.f32 v55, v18;
	v60 =	vadd.f32 v56, v40;
	(pc) =	sbr.rel @p0 .LBB2_3-.Ltmp0, $4  }
0x16a: {  	[tilespmem:s11+$0x4C0] =	vst v58;
	v63 =	vadd.f32 v61, v26  }
0x16b: {  	v62 =	vadd.f32 v59, v9;
	[tilespmem:s11+$0x4D0] =	vst v60  }
0x16c: {  	v15 =	vmov v21;
	[tilespmem:s11+$0x4F0] =	vst v63  }
0x16d: {  	s0 =	sadd.s32 $0x400, s0;
	v13 =	vmovc v19;
	v16 =	vmovc v22;
	v17 =	vmov v18;
	v14 =	vmov v20;
	v12 =	vmov v23;
	[tilespmem:s11+$0x4E0] =	vst v62  }
0x16e: {  	s0 =	sshll.u32 s24, $0xD;
	s2 =	rddreg [dreg:$0x10]  }
0x16f: {  	s0 =	sadd.s32 s2, s0  }
0x170: {  	s8 =	rddreg [dreg:$0xa];
	s0 =	sshrl.u32 s0, $0x3  }
0x171: {  	s3 =	simm.s32 $0x400;
	s2 =	sadd.s32 s8, s0;
	s0 =	simm.s32 $0x0  }
0x172: {  	[hbm4b:s2+s0] =	stream.linear.scatter [tilespmem:s3], [sflag:$0x5], $0x1000, $0x38;
	[tilespmem:$0x10500] =	vst v63  }
0x173: {  	_ =	swait.ge [sflag:s6], $0x1000  }
0x174: {  	[sflag:s6] =	ssyncset.done $0x0  }
0x175: {  	[sflag:s6] =	ssyncadd.s32 $0xFFFFF000  }
0x176: {  	_ =	swait.ge [sflag:s6], $0x1000  }
0x177: {  	[sflag:s6] =	ssyncset.done $0x0  }
0x178: {  	[sflag:s6] =	ssyncadd.s32 $0xFFFFF000  }
0x179: {  	_ =	swait.ge [sflag:s6], $0x2000  }
0x17a: {  	[sflag:s6] =	ssyncset.done $0x0  }
0x17b: {  	[sflag:s6] =	ssyncadd.s32 $0xFFFFE000  }
0x17c: {  	_ =	swait.ge [sflag:s6], $0x2000  }
0x17d: {  	[sflag:s6] =	ssyncset.done $0x0  }
0x17e: {  	[sflag:s6] =	ssyncadd.s32 $0xFFFFE000  }
0x17f: {  	_ =	swait.ge [sflag:s6], $0x1000  }
0x180: {  	[sflag:s6] =	ssyncset.done $0x0  }
0x181: {  	[sflag:s6] =	ssyncadd.s32 $0xFFFFF000  }
0x182: {  	_ =	swait.ge [sflag:s6], $0x1000  }
0x183: {  	[sflag:s6] =	ssyncset.done $0x0  }
0x184: {  	[sflag:s6] =	ssyncadd.s32 $0xFFFFF000  }
0x185: {  	_ =	swait.ge [sflag:s26], $0x20  }
0x186: {  	[sflag:s26] =	ssyncset.done $0x0  }
0x187: {  	[sflag:s26] =	ssyncadd.s32 $0xFFFFFFE0  }
0x188: {  	_ =	swait.ge [sflag:s26], $0x80  }
0x189: {  	v63 =	vld [tilespmem:$0x1FFF0]  }
0x18a: {  	v1 =	vld [tilespmem:$0x1FF90]  }
0x18b: {  	v2 =	vld [tilespmem:$0x1FF80]  }
0x18c: {  	v3 =	vld [tilespmem:$0x1FFA0];
	_ =	sdelay $0x2  }
0x18d: {  	[sflag:s26] =	ssyncset.done $0x0  }
0x18e: {  	v59 =	vld [tilespmem:$0x1FFB0];
	[sflag:s26] =	ssyncadd.s32 $0xFFFFFF80  }
0x18f: {  	v0 =	vld.idx.msk [tilespmem:v63+s25+$0x0], $0xffff  }
0x190: {  	v1 =	vld.idx.msk [tilespmem:v1+s25+$0x0], $0xffff  }
0x191: {  	v2 =	vld.idx.msk [tilespmem:v2+s25+$0x0], $0xffff  }
0x192: {  	v3 =	vld.idx.msk [tilespmem:v3+s25+$0x0], $0xffff  }
0x193: {  	v60 =	vld [tilespmem:$0x1FFD0]  }
0x194: {  	v61 =	vld [tilespmem:$0x1FFC0];
	[tilespmem:$0x200] =	vst v0  }
0x195: {  	v62 =	vld [tilespmem:$0x1FFE0];
	[tilespmem:$0x220] =	vst v1  }
0x196: {  	[tilespmem:$0x280] =	vst v2  }
0x197: {  	[tilespmem:$0x2A0] =	vst v3;
	v2 =	vsub.s32 v3, v2  }
0x198: {  	v0 =	vsub.s32 v1, v0;
	[tilespmem:$0x300] =	vst v2  }
0x199: {  	[tilespmem:$0x380] =	vst v0  }
0x19a: {  	v0 =	vld.idx.msk [tilespmem:v59+s25+$0x0], $0xffff  }
0x19b: {  	v1 =	vld.idx.msk [tilespmem:v60+s25+$0x0], $0xffff  }
0x19c: {  	v2 =	vld.idx.msk [tilespmem:v61+s25+$0x0], $0xffff  }
0x19d: {  	v3 =	vld.idx.msk [tilespmem:v62+s25+$0x0], $0xffff;
	_ =	sdelay $0x1  }
0x19e: {  	[tilespmem:$0x210] =	vst v0  }
0x19f: {  	[tilespmem:$0x230] =	vst v1  }
0x1a0: {  	[tilespmem:$0x290] =	vst v2  }
0x1a1: {  	s11 =	smulhi.u32 $0x51EB851F, s1;
	[tilespmem:$0x2B0] =	vst v3;
	v2 =	vsub.s32 v3, v2  }
0x1a2: {  	v0 =	vsub.s32 v1, v0;
	[tilespmem:$0x310] =	vst v2  }
0x1a3: {  	s2 =	sshrl.u32 s11, $0x6;
	[tilespmem:$0x390] =	vst v0  }
0x1a4: {  	s2 =	smul.u32 $0xC8, s2;
	_ =	swait.ge [sflag:s10], $0x1000  }
0x1a5: {  	[sflag:s10] =	ssyncset.done $0x0  }
0x1a6: {  	s19 =	ssub.s32 s1, s2;
	[sflag:s10] =	ssyncadd.s32 $0xFFFFF000  }
0x1a7: {  	s1 =	sshll.u32 s19, $0x4;
	s20 =	rddreg [dreg:$0x2]  }
0x1a8: {  	[tilespmem:s3], [sflag:$0x1] =	stream.indirect.gather [hbm4b:s20+s28], $0x80, s0, s28, $0xb8;
	[tilespmem:$0x10500] =	vst v63  }
0x1a9: {  	s1 =	sadd.s32 s14, s1;
	s3 =	simm.s32 $0x2400  }
0x1aa: {  	[tilespmem:s3], [sflag:$0x1] =	stream.linear.gather [hbm4b:s1+s0], $0x1000, $0x38;
	[tilespmem:$0x10500] =	vst v63  }
0x1ab: {  	s5 =	simm.s32 $0x200;
	s7 =	simm.s32 $0x4400;
	s4 =	rddreg [dreg:$0x4]  }
0x1ac: {  	[tilespmem:s7], [sflag:$0x1] =	stream.indirect.gather [hbm4b:s4+s31], $0x80, s5, s31, $0xb8;
	[tilespmem:$0x10500] =	vst v63  }
0x1ad: {  	s19 =	simm.s32 $0x280;
	s11 =	rddreg [dreg:$0x5];
	s20 =	simm.s32 $0x8400  }
0x1ae: {  	[tilespmem:s20], [sflag:$0x1] =	stream.indirect.gather [hbm4b:s11+s31], $0x80, s19, s31, $0xb8;
	[tilespmem:$0x10500] =	vst v63  }
0x1af: {  	s11 =	rddreg [dreg:$0x11]  }
0x1b0: {  	s3 =	rddreg [dreg:$0x6];
	s4 =	simm.s32 $0xC400;
	s1 =	sadd.s32 s12, s11  }
0x1b1: {  	[tilespmem:s4], [sflag:$0x1] =	stream.indirect.gather [hbm4b:s3+s28], $0x80, s22, s28, $0xb8;
	[tilespmem:$0x10500] =	vst v63  }
0x1b2: {  	s1 =	smin.u32 s1, $0x31FE0  }
0x1b3: {  	s5 =	rddreg [dreg:$0x7];
	s7 =	simm.s32 $0xE400;
	s19 =	sshrl.u32 s1, $0x3  }
0x1b4: {  	[tilespmem:s7], [sflag:$0x1] =	stream.indirect.gather [hbm4b:s5+s28], $0x80, s15, s28, $0xb8;
	[tilespmem:$0x10500] =	vst v63  }
0x1b5: {  	s30 =	smov.u32 s9;
	s1 =	sshrl.u32 s1, $0x1;
	s2 =	sadd.s32 s29, s19  }
0x1b6: {  	[tilespmem:s17], [sflag:$0x4] =	stream.linear.gather [hbm4b:s2+s0], $0x20, $0x38;
	[tilespmem:$0x10500] =	vst v63  }
0x1b7: {  	s8 =	simm.s32 $0x400;
	s20 =	smov.u32 s29;
	s1 =	sadd.s32 s9, s1  }
0x1b8: {  	[tilespmem:s18], [sflag:$0x4] =	stream.linear.gather [hbm4b:s1+s0], $0x80, $0x38;
	[tilespmem:$0x10500] =	vst v63  }
.LBB2_5:
0x1b9: {  	s1 =	sshra.s32 s0, $0x2  }
0x1ba: {  	v0 =	vld [tilespmem:s1+$0x1400]  }
0x1bb: {  	v1 =	vld [tilespmem:s1+$0x6400]  }
0x1bc: {  	v2 =	vld [tilespmem:s1+$0x7400]  }
0x1bd: {  	v3 =	vld [tilespmem:s1+$0xA400]  }
0x1be: {  	v4 =	vld [tilespmem:s1+$0xB400]  }
0x1bf: {  	v5 =	vld [tilespmem:s1+$0xD400]  }
0x1c0: {  	v6 =	vld [tilespmem:s1+$0xF400]  }
0x1c1: {  	v7 =	vld [tilespmem:s1+$0x1410]  }
0x1c2: {  	v8 =	vld [tilespmem:s1+$0x6410]  }
0x1c3: {  	v9 =	vld [tilespmem:s1+$0x7410]  }
0x1c4: {  	v10 =	vld [tilespmem:s1+$0xA410]  }
0x1c5: {  	v11 =	vld [tilespmem:s1+$0xB410]  }
0x1c6: {  	v12 =	vld [tilespmem:s1+$0xD410]  }
0x1c7: {  	v13 =	vld [tilespmem:s1+$0xF410]  }
0x1c8: {  	v14 =	vld [tilespmem:s1+$0x1420]  }
0x1c9: {  	v15 =	vld [tilespmem:s1+$0x6420]  }
0x1ca: {  	v16 =	vld [tilespmem:s1+$0x7420]  }
0x1cb: {  	v17 =	vld [tilespmem:s1+$0xA420]  }
0x1cc: {  	v24 =	vld [tilespmem:s1+$0xB420]  }
0x1cd: {  	v25 =	vld [tilespmem:s1+$0xD420]  }
0x1ce: {  	v26 =	vld [tilespmem:s1+$0xF420]  }
0x1cf: {  	v27 =	vld [tilespmem:s1+$0x1430]  }
0x1d0: {  	v28 =	vld [tilespmem:s1+$0x6430]  }
0x1d1: {  	v29 =	vld [tilespmem:s1+$0x7430]  }
0x1d2: {  	v30 =	vld [tilespmem:s1+$0xA430]  }
0x1d3: {  	v31 =	vld [tilespmem:s1+$0xB430]  }
0x1d4: {  	v32 =	vld [tilespmem:s1+$0xD430]  }
0x1d5: {  	v33 =	vld [tilespmem:s1+$0xF430]  }
0x1d6: {  	v34 =	vld [tilespmem:s1+$0x1440]  }
0x1d7: {  	v35 =	vld [tilespmem:s1+$0x6440]  }
0x1d8: {  	v36 =	vld [tilespmem:s1+$0x7440]  }
0x1d9: {  	v37 =	vld [tilespmem:s1+$0xA440]  }
0x1da: {  	v38 =	vld [tilespmem:s1+$0xB440]  }
0x1db: {  	v39 =	vld [tilespmem:s1+$0xD440]  }
0x1dc: {  	v40 =	vld [tilespmem:s1+$0xF440]  }
0x1dd: {  	v41 =	vld [tilespmem:s1+$0x1450]  }
0x1de: {  	v42 =	vld [tilespmem:s1+$0x6450]  }
0x1df: {  	v43 =	vld [tilespmem:s1+$0x7450]  }
0x1e0: {  	v44 =	vld [tilespmem:s1+$0xA450]  }
0x1e1: {  	v45 =	vld [tilespmem:s1+$0xB450]  }
0x1e2: {  	v46 =	vld [tilespmem:s1+$0xD450]  }
0x1e3: {  	v47 =	vld [tilespmem:s1+$0xF450]  }
0x1e4: {  	v48 =	vld [tilespmem:s1+$0x1460]  }
0x1e5: {  	v49 =	vld [tilespmem:s1+$0x6460]  }
0x1e6: {  	v50 =	vld [tilespmem:s1+$0x7460]  }
0x1e7: {  	v51 =	vld [tilespmem:s1+$0xA460]  }
0x1e8: {  	v52 =	vld [tilespmem:s1+$0xB460]  }
0x1e9: {  	v53 =	vld [tilespmem:s1+$0xD460]  }
0x1ea: {  	v54 =	vld [tilespmem:s1+$0xF460]  }
0x1eb: {  	v55 =	vld [tilespmem:s1+$0x1470]  }
0x1ec: {  	v56 =	vld [tilespmem:s1+$0x6470]  }
0x1ed: {  	v57 =	vld [tilespmem:s1+$0x7470]  }
0x1ee: {  	v58 =	vld [tilespmem:s1+$0xA470]  }
0x1ef: {  	v59 =	vld [tilespmem:s1+$0xB470]  }
0x1f0: {  	v60 =	vld [tilespmem:s1+$0xD470]  }
0x1f1: {  	v61 =	vld [tilespmem:s1+$0xF470]  }
0x1f2: {  	v62 =	vld [tilespmem:s1+$0x3400]  }
0x1f3: {  	v0 =	vadd.f32 v1, v0;
	v1 =	vadd.f32 v3, v2;
	v2 =	vld [tilespmem:s1+$0x3410]  }
0x1f4: {  	v3 =	vld [tilespmem:s1+$0x3420];
	v24 =	vadd.f32 v25, v24;
	v25 =	vadd.f32 v28, v27  }
0x1f5: {  	v27 =	vadd.f32 v30, v29;
	v29 =	vadd.f32 v32, v31;
	v32 =	vld [tilespmem:s1+$0x7490]  }
0x1f6: {  	v37 =	vadd.f32 v37, v36;
	v36 =	vld [tilespmem:s1+$0x14A0]  }
0x1f7: {  	v0 =	vadd.f32 v1, v0;
	v1 =	vadd.f32 v5, v4;
	v4 =	vld [tilespmem:s1+$0x3430]  }
0x1f8: {  	v5 =	vadd.f32 v8, v7;
	v8 =	vld [tilespmem:s1+$0x1480]  }
0x1f9: {  	v7 =	vadd.f32 v10, v9;
	v9 =	vld [tilespmem:s1+$0x7480]  }
0x1fa: {  	v10 =	vadd.f32 v15, v14;
	v15 =	vld [tilespmem:s1+$0x6490]  }
0x1fb: {  	v14 =	vld [tilespmem:s1+$0xA490]  }
0x1fc: {  	v0 =	vadd.f32 v1, v0;
	v1 =	vld [tilespmem:s1+$0x6480]  }
0x1fd: {  	v5 =	vadd.f32 v7, v5;
	v7 =	vadd.f32 v12, v11;
	v12 =	vld [tilespmem:s1+$0xA480]  }
0x1fe: {  	v11 =	vadd.f32 v17, v16;
	v16 =	vld [tilespmem:s1+$0xF480]  }
0x1ff: {  	v17 =	vadd.f32 v35, v34;
	v34 =	vld [tilespmem:s1+$0xB490]  }
0x200: {  	v38 =	vadd.f32 v39, v38;
	v39 =	vadd.f32 v42, v41;
	v35 =	vld [tilespmem:s1+$0xD490]  }
0x201: {  	v41 =	vadd.f32 v44, v43;
	v0 =	vadd.f32 v0, v6;
	v6 =	vld [tilespmem:s1+$0xB480]  }
0x202: {  	v5 =	vadd.f32 v7, v5;
	v7 =	vadd.f32 v11, v10;
	v11 =	vld [tilespmem:s1+$0xD480]  }
0x203: {  	v42 =	vadd.f32 v49, v48;
	v28 =	vadd.f32 v27, v25;
	v10 =	vld [tilespmem:s1+$0x1490]  }
0x204: {  	v25 =	vadd.f32 v46, v45;
	v17 =	vadd.f32 v37, v17;
	v37 =	vld [tilespmem:s1+$0x64A0]  }
0x205: {  	v45 =	vadd.f32 v58, v57;
	v57 =	vshll.u32 v4, $0x10;
	v58 =	vand.u32 $0xFFFF0000, v4;
	v4 =	vld [tilespmem:s1+$0xD4B0]  }
0x206: {  	v44 =	vadd.f32 v56, v55;
	v17 =	vadd.f32 v38, v17;
	v38 =	vld [tilespmem:s1+$0x74A0]  }
0x207: {  	v7 =	vadd.f32 v24, v7;
	v24 =	vadd.f32 v41, v39;
	v39 =	vld [tilespmem:s1+$0xA4A0]  }
0x208: {  	v43 =	vadd.f32 v51, v50;
	v5 =	vadd.f32 v5, v13;
	v41 =	vld [tilespmem:s1+$0xB4A0]  }
0x209: {  	v13 =	vadd.f32 v29, v28;
	v28 =	vadd.f32 v45, v44;
	v45 =	vld [tilespmem:s1+$0x64B0]  }
0x20a: {  	v48 =	vadd.f32 v60, v59;
	v1 =	vadd.f32 v1, v8;
	v8 =	vld [tilespmem:s1+$0xA4D0]  }
0x20b: {  	v46 =	vadd.f32 v53, v52;
	v13 =	vadd.f32 v13, v33;
	v33 =	vld [tilespmem:s1+$0xF490]  }
0x20c: {  	v7 =	vadd.f32 v7, v26;
	v26 =	vadd.f32 v43, v42;
	v42 =	vld [tilespmem:s1+$0xD4A0]  }
0x20d: {  	v52 =	vshll.u32 v62, $0x10;
	v24 =	vadd.f32 v25, v24;
	v17 =	vadd.f32 v17, v40;
	v40 =	vld [tilespmem:s1+$0xF4A0]  }
0x20e: {  	v53 =	vand.u32 $0xFFFF0000, v62;
	v50 =	vadd.f32 v48, v28;
	v43 =	vld [tilespmem:s1+$0x14B0];
	v28 =	vadd.f32 v52, v0  }
0x20f: {  	v29 =	vadd.f32 v53, v5;
	v5 =	vld [tilespmem:s1+$0x74B0];
	v6 =	vadd.f32 v11, v6  }
0x210: {  	v0 =	vld [tilespmem:s1+$0xB4B0];
	v10 =	vadd.f32 v15, v10;
	v49 =	vadd.f32 v46, v26  }
0x211: {  	v55 =	vshll.u32 v3, $0x10;
	v53 =	vld [tilespmem:s1+$0xB4E0];
	v24 =	vadd.f32 v24, v47;
	v51 =	vadd.f32 v50, v61  }
0x212: {  	v11 =	vld [tilespmem:s1+$0x74E0];
	v26 =	vadd.f32 v55, v17;
	v59 =	vadd.f32 v29, v28  }
0x213: {  	v56 =	vand.u32 $0xFFFF0000, v3;
	v17 =	vld [tilespmem:s1+$0x14C0];
	v55 =	vadd.f32 v12, v9;
	v27 =	vadd.f32 v49, v54  }
0x214: {  	v47 =	vld [tilespmem:s1+$0x64C0];
	v54 =	vshll.u32 v2, $0x10;
	v25 =	vadd.f32 v56, v24;
	v24 =	vadd.f32 v58, v51  }
0x215: {  	v9 =	vld [tilespmem:s1+$0x64D0];
	v2 =	vand.u32 $0xFFFF0000, v2;
	v1 =	vadd.f32 v55, v1;
	v30 =	vadd.f32 v54, v7  }
0x216: {  	v49 =	vld [tilespmem:s1+$0x74C0];
	v31 =	vadd.f32 v2, v13;
	v0 =	vadd.f32 v4, v0  }
0x217: {  	v51 =	vld [tilespmem:s1+$0xA4C0];
	v52 =	vmul.f32 v26, v26;
	v27 =	vadd.f32 v57, v27;
	v60 =	vadd.f32 v25, v26  }
0x218: {  	v56 =	vld [tilespmem:s1+$0xD4C0];
	v62 =	vmul.f32 v25, v25;
	v1 =	vadd.f32 v6, v1;
	v13 =	vadd.f32 v31, v30  }
0x219: {  	v7 =	vld [tilespmem:s1+$0xA4B0];
	v46 =	vmul.f32 v30, v30;
	v17 =	vadd.f32 v47, v17;
	v61 =	vadd.f32 v24, v27  }
0x21a: {  	v55 =	vld [tilespmem:s1+$0x14F0];
	v50 =	vmul.f32 v31, v31;
	v62 =	vadd.f32 v62, v52;
	v1 =	vadd.f32 v1, v16  }
0x21b: {  	v48 =	vmul.f32 v29, v29;
	v2 =	vld [tilespmem:s1+$0xF4B0];
	v16 =	vadd.f32 v42, v41;
	v3 =	vadd.f32 v13, v59  }
0x21c: {  	v54 =	vld [tilespmem:s1+$0xB4C0];
	v13 =	vmul.f32 v28, v28;
	v46 =	vadd.f32 v50, v46;
	v59 =	vadd.f32 v14, v32  }
0x21d: {  	v52 =	vld [tilespmem:s1+$0x14D0];
	v50 =	vadd.f32 v45, v43;
	v44 =	vadd.f32 v61, v60;
	v60 =	vmul.f32 v27, v27  }
0x21e: {  	v6 =	vld [tilespmem:s1+$0xD4D0];
	v61 =	vmul.f32 v24, v24;
	v5 =	vadd.f32 v7, v5;
	v13 =	vadd.f32 v48, v13  }
0x21f: {  	v47 =	vld [tilespmem:s1+$0x34A0];
	v10 =	vadd.f32 v59, v10;
	v3 =	vadd.f32 v44, v3  }
0x220: {  	v14 =	vld [tilespmem:s1+$0xB4D0];
	v44 =	vadd.f32 v61, v60;
	v60 =	vadd.f32 v35, v34  }
0x221: {  	v45 =	vld [tilespmem:s1+$0x3480];
	v61 =	vadd.f32 v37, v36;
	v5 =	vadd.f32 v5, v50  }
0x222: {  	v48 =	vld [tilespmem:s1+$0xF4C0];
	v57 =	vadd.f32 v46, v13;
	v9 =	vadd.f32 v9, v52  }
0x223: {  	v34 =	vld [tilespmem:s1+$0x64E0];
	v58 =	vadd.f32 v44, v62;
	v62 =	vadd.f32 v39, v38  }
0x224: {  	v13 =	vld [tilespmem:s1+$0x14E0];
	v10 =	vadd.f32 v60, v10;
	v0 =	vadd.f32 v0, v5  }
0x225: {  	v46 =	vld [tilespmem:s1+$0xA4E0];
	v60 =	vadd.f32 v56, v54;
	v6 =	vadd.f32 v6, v14  }
0x226: {  	v44 =	vld [tilespmem:s1+$0x74D0];
	v12 =	vadd.f32 v58, v57;
	v15 =	vadd.f32 v62, v61  }
0x227: {  	v59 =	vld [tilespmem:s1+$0x74F0];
	v10 =	vadd.f32 v10, v33;
	v57 =	vadd.f32 v51, v49;
	v51 =	vshll.u32 v45, $0x10  }
0x228: {  	v58 =	vld [tilespmem:s1+$0x64F0];
	v0 =	vadd.f32 v0, v2;
	v1 =	vadd.f32 v51, v1  }
0x229: {  	(xrf2) =	vadd.scan.msk.f32 $0xffff, v3;
	v61 =	vld [tilespmem:s1+$0xA4F0];
	v15 =	vadd.f32 v16, v15;
	v17 =	vadd.f32 v57, v17  }
0x22a: {  	v16 =	vld [tilespmem:s1+$0xD4E0];
	v13 =	vadd.f32 v34, v13;
	v11 =	vadd.f32 v46, v11  }
0x22b: {  	v42 =	vld [tilespmem:s1+$0xF4D0];
	v8 =	vadd.f32 v8, v44;
	v15 =	vadd.f32 v15, v40  }
0x22c: {  	v62 =	vld [tilespmem:s1+$0xB4F0];
	v41 =	vadd.f32 v60, v17;
	v11 =	vadd.f32 v11, v13  }
0x22d: {  	v52 =	vand.u32 $0xFFFF0000, v45;
	v17 =	vld [tilespmem:s1+$0xD4F0];
	v8 =	vadd.f32 v8, v9;
	v4 =	vadd.f32 v58, v55  }
0x22e: {  	v43 =	vld [tilespmem:s1+$0xF4E0];
	v5 =	vadd.f32 v61, v59;
	v9 =	vadd.f32 v52, v10  }
0x22f: {  	v50 =	vld [tilespmem:s1+$0x34B0];
	v60 =	vmul.f32 v1, v1;
	v2 =	vadd.f32 v41, v48;
	v7 =	vadd.f32 v16, v53  }
0x230: {  	v55 =	vshll.u32 v47, $0x10;
	v4 =	vadd.f32 v5, v4;
	v16 =	vld [tilespmem:s1+$0x3490];
	v6 =	vadd.f32 v6, v8  }
0x231: {  	v44 =	vld [tilespmem:s1+$0xF4F0];
	v59 =	vadd.f32 v9, v1;
	v61 =	vmul.f32 v9, v9;
	v35 =	vadd.f32 v55, v2  }
0x232: {  	v46 =	vadd.f32 v17, v62;
	v7 =	vadd.f32 v7, v11  }
0x233: {  	v56 =	vand.u32 $0xFFFF0000, v47;
	v47, _, _ =	vpop (xrf2);
	v48 =	vadd.f32 v6, v42;
	v2 =	vadd.f32 v61, v60  }
0x234: {  	v57 =	vshll.u32 v50, $0x10;
	(v2sf) =	vpush v47, $0xF;
	v4 =	vadd.f32 v46, v4  }
0x235: {  	v49 =	vadd.f32 v7, v43;
	v34 =	vadd.f32 v56, v48;
	v53 =	vshll.u32 v16, $0x10  }
0x236: {  	(xrf2) =	vadd.scan.msk.f32 $0xffff, v12;
	v54 =	vand.u32 $0xFFFF0000, v16;
	v4 =	vadd.f32 v4, v44;
	v37 =	vadd.f32 v53, v15  }
0x237: {  	v58 =	vand.u32 $0xFFFF0000, v50;
	v36 =	vadd.f32 v54, v0;
	v33 =	vadd.f32 v57, v49  }
0x238: {  	v15 =	vmul.f32 v35, v35;
	v41 =	vmul.f32 v34, v34;
	v32 =	vadd.f32 v58, v4  }
0x239: {  	v14 =	vadd.f32 v34, v35;
	v12 =	vmul.f32 v37, v37;
	v13 =	vmul.f32 v36, v36  }
0x23a: {  	v62 =	vadd.f32 v36, v37;
	v42 =	vmul.f32 v33, v33;
	v43 =	vmul.f32 v32, v32  }
0x23b: {  	v8 =	vadd.f32 v41, v15;
	v44 =	vadd.f32 v32, v33  }
0x23c: {  	v5 =	vadd.f32 v13, v12;
	v3 =	vadd.f32 v43, v42  }
0x23d: {  	v0 =	vadd.f32 v62, v59;
	v46 =	vadd.f32 v44, v14  }
0x23e: {  	v2 =	vadd.f32 v5, v2;
	v3 =	vadd.f32 v3, v8  }
0x23f: {  	v0 =	vadd.f32 v46, v0  }
0x240: {  	v48, _, _ =	vpop (xrf2);
	v2 =	vadd.f32 v3, v2  }
0x241: {  	(v2sf) =	vpush v48, $0xF;
	(xrf2) =	vadd.scan.msk.f32 $0xffff, v0  }
0x242: {  	(xrf2) =	vadd.scan.msk.f32 $0xffff, v2;
	_ =	sdelay $0x8  }
0x243: {  	v0, _, _ =	vpop (xrf2)  }
0x244: {  	(v2sf) =	vpush v0, $0xF;
	v49, _, _ =	vpop (xrf2)  }
0x245: {  	s2 =	spop (v2sf);
	(v2sf) =	vpush v49, $0xF  }
0x246: {  	s2 =	smul.f32 $7.812500000e-03, s2;
	_ =	sdelay $0x1  }
0x247: {  	s4 =	smul.f32 s2, s2;
	s3 =	spop (v2sf)  }
0x248: {  	s3 =	smul.f32 $7.812500000e-03, s3;
	_ =	sdelay $0x1  }
0x249: {  	s3 =	ssub.f32 s3, s4;
	_ =	sdelay $0x1  }
0x24a: {  	s3 =	sadd.f32 $9.999999970e-07, s3;
	_ =	sdelay $0x1  }
0x24b: {  	s11 =	sshrl.u32 s3, $0x1;
	s3 =	smul.f32 $5.000000000e-01, s3  }
0x24c: {  	s4 =	ssub.s32 $0x5F3759DF, s11  }
0x24d: {  	s5 =	smul.f32 s4, s3;
	_ =	sdelay $0x1  }
0x24e: {  	s5 =	smul.f32 s4, s5;
	s7 =	spop (v2sf)  }
0x24f: {  	s7 =	smul.f32 $7.812500000e-03, s7;
	s11 =	spop (v2sf)  }
0x250: {  	s11 =	smul.f32 $7.812500000e-03, s11  }
0x251: {  	s12 =	smul.f32 s7, s7  }
0x252: {  	s5 =	ssub.f32 $1.500000000e+00, s5  }
0x253: {  	s11 =	ssub.f32 s11, s12  }
0x254: {  	s4 =	smul.f32 s4, s5  }
0x255: {  	s12 =	sadd.f32 $9.999999970e-07, s11  }
0x256: {  	s19 =	smul.f32 s4, s3  }
0x257: {  	s29 =	sshrl.u32 s12, $0x1;
	s5 =	smul.f32 $5.000000000e-01, s12  }
0x258: {  	s11 =	smul.f32 s19, s4;
	s12 =	ssub.s32 $0x5F3759DF, s29  }
0x259: {  	s19 =	smul.f32 s12, s5;
	_ =	sdelay $0x1  }
0x25a: {  	s19 =	smul.f32 s12, s19  }
0x25b: {  	s11 =	ssub.f32 $1.500000000e+00, s11  }
0x25c: {  	s9 =	ssub.f32 $1.500000000e+00, s19  }
0x25d: {  	s4 =	smul.f32 s11, s4  }
0x25e: {  	s11 =	smul.f32 s12, s9  }
0x25f: {  	s3 =	smul.f32 s4, s3  }
0x260: {  	s12 =	smul.f32 s11, s5  }
0x261: {  	s3 =	smul.f32 s3, s4  }
0x262: {  	v50 =	vmov s2;
	s19 =	smul.f32 s12, s11  }
0x263: {  	v51 =	vsub.f32 v28, v50;
	v52 =	vsub.f32 v29, v50;
	s3 =	ssub.f32 $1.500000000e+00, s3  }
0x264: {  	v54 =	vsub.f32 v30, v50;
	v56 =	vsub.f32 v31, v50;
	s2 =	ssub.f32 $1.500000000e+00, s19  }
0x265: {  	v45 =	vld [tilespmem:$0x1FEE0];
	v58 =	vsub.f32 v26, v50;
	v59 =	vsub.f32 v25, v50;
	s3 =	smul.f32 s3, s4  }
0x266: {  	v39 =	vld [tilespmem:$0x1FF40];
	v60 =	vsub.f32 v27, v50;
	v0 =	vsub.f32 v24, v50;
	v61 =	vmov s7;
	s2 =	smul.f32 s2, s11  }
0x267: {  	v53 =	vld [tilespmem:$0x1FF00];
	v1 =	vsub.f32 v1, v61;
	v9 =	vsub.f32 v9, v61  }
0x268: {  	v55 =	vld [tilespmem:$0x1FF10];
	v25 =	vsub.f32 v37, v61;
	v41 =	vsub.f32 v36, v61;
	v2 =	vmul.f32 s3, v51;
	s29 =	smul.f32 s2, s5  }
0x269: {  	v57 =	vld [tilespmem:$0x1FF20];
	v43 =	vsub.f32 v35, v61;
	v3 =	vmul.f32 s3, v52;
	v4 =	vmul.f32 s3, v54  }
0x26a: {  	v38 =	vld [tilespmem:$0x1FF30];
	v46 =	vsub.f32 v34, v61;
	v5 =	vmul.f32 s3, v56;
	v2 =	vmul.f32 v2, v45;
	s4 =	smul.f32 s29, s2  }
0x26b: {  	v40 =	vld [tilespmem:$0x1FF50];
	v48 =	vsub.f32 v33, v61;
	v6 =	vmul.f32 s3, v58;
	v3 =	vmul.f32 v3, v19  }
0x26c: {  	v28 =	vld [tilespmem:$0x1FEF0];
	v7 =	vmul.f32 s3, v59;
	v4 =	vmul.f32 v4, v20;
	v2 =	vadd.f32 v2, v53;
	s4 =	ssub.f32 $1.500000000e+00, s4  }
0x26d: {  	v15 =	vld [tilespmem:$0x1FF60];
	v8 =	vmul.f32 s3, v60;
	v5 =	vmul.f32 v5, v21;
	v3 =	vadd.f32 v3, v55  }
0x26e: {  	v26 =	vld [tilespmem:$0x1FF70];
	v0 =	vmul.f32 s3, v0;
	v6 =	vmul.f32 v6, v22;
	v4 =	vadd.f32 v4, v57;
	[tilespmem:s1+$0x1400] =	vst v2;
	s2 =	smul.f32 s4, s2  }
0x26f: {  	v51 =	vsub.f32 v32, v61;
	v7 =	vmul.f32 v7, v23;
	v5 =	vadd.f32 v5, v38;
	[tilespmem:s1+$0x1410] =	vst v3  }
0x270: {  	v12 =	vmul.f32 v8, v18;
	v62 =	vadd.f32 v6, v39;
	[tilespmem:s1+$0x1420] =	vst v4;
	v1 =	vmul.f32 s2, v1  }
0x271: {  	v0 =	vmul.f32 v0, v28;
	v13 =	vadd.f32 v7, v40;
	[tilespmem:s1+$0x1430] =	vst v5;
	v14 =	vmul.f32 s2, v9  }
0x272: {  	v24 =	vadd.f32 v12, v15;
	[tilespmem:s1+$0x1440] =	vst v62;
	v42 =	vmul.f32 s2, v25;
	v1 =	vmul.f32 v1, v45  }
0x273: {  	v0 =	vadd.f32 v0, v26;
	[tilespmem:s1+$0x1450] =	vst v13;
	v54 =	vmul.f32 s2, v48;
	v27 =	vmul.f32 v14, v19  }
0x274: {  	[tilespmem:s1+$0x1460] =	vst v24;
	v56 =	vmul.f32 s2, v51;
	v2 =	vmul.f32 v42, v20;
	v1 =	vadd.f32 v1, v53  }
0x275: {  	[tilespmem:s1+$0x1470] =	vst v0;
	v45 =	vmul.f32 s2, v41;
	v58 =	vmul.f32 v54, v18;
	v44 =	vadd.f32 v27, v55  }
0x276: {  	v47 =	vmul.f32 s2, v43;
	v60 =	vmul.f32 v56, v28;
	v52 =	vadd.f32 v2, v57;
	[tilespmem:s1+$0x1480] =	vst v1  }
0x277: {  	v50 =	vmul.f32 s2, v46;
	v49 =	vmul.f32 v45, v21;
	v61 =	vadd.f32 v58, v15;
	[tilespmem:s1+$0x1490] =	vst v44  }
0x278: {  	p0 =	sne.s32 s0, $0x3C00;
	v53 =	vmul.f32 v47, v22;
	v62 =	vadd.f32 v60, v26;
	[tilespmem:s1+$0x14A0] =	vst v52  }
.Ltmp1:
0x279: {  	v55 =	vmul.f32 v50, v23;
	v0 =	vadd.f32 v49, v38;
	[tilespmem:s1+$0x14E0] =	vst v61;
	(pc) =	sbr.rel @p0 .LBB2_5-.Ltmp1, $4  }
0x27a: {  	v57 =	vadd.f32 v53, v39;
	[tilespmem:s1+$0x14F0] =	vst v62  }
0x27b: {  	v59 =	vadd.f32 v55, v40;
	[tilespmem:s1+$0x14B0] =	vst v0  }
0x27c: {  	[tilespmem:s1+$0x14C0] =	vst v57  }
0x27d: {  	s0 =	sadd.s32 $0x400, s0;
	[tilespmem:s1+$0x14D0] =	vst v59  }
0x27e: {  	s24 =	sadd.s32 $0x1, s24  }
0x27f: {  	p0 =	sne.s32 s24, $0x64  }
.Ltmp2:
0x280: {  	_ = 	snop;
	(pc) =	sbr.rel @p0 .LBB2_2-.Ltmp2, $4  }
0x281: {  	s0 =	sadd.s32 s13, s16  }
0x282: {  	s1 =	rddreg [dreg:$0xa];
	s0 =	sshll.u32 s0, $0x4  }
0x283: {  	v17 =	vmov v18;
	s29 =	simm.s32 $0x0;
	s4 =	simm.s32 $0x1400;
	s0 =	sadd.s32 s1, s0  }
0x284: {  	v14 =	vmovc v20;
	v13 =	vmovc v19;
	v16 =	vmov v22;
	v15 =	vmov v21;
	v12 =	vmov v23;
	[hbm4b:s0+s29] =	stream.linear.scatter [tilespmem:s4], [sflag:$0x6], $0x1000, $0x38;
	[tilespmem:$0x10500] =	vst v63  }
0x285: {  	_ =	swait.ge [sflag:s21], $0x1000  }
0x286: {  	[sflag:s21] =	ssyncset.done $0x0  }
0x287: {  	[sflag:s21] =	ssyncadd.s32 $0xFFFFF000  }
0x288: {  	_ =	swait.ge [sflag:s21], $0x1000  }
0x289: {  	[sflag:s21] =	ssyncset.done $0x0  }
0x28a: {  	[sflag:s21] =	ssyncadd.s32 $0xFFFFF000  }
0x28b: {  	_ =	swait.ge [sflag:s21], $0x2000  }
0x28c: {  	[sflag:s21] =	ssyncset.done $0x0  }
0x28d: {  	[sflag:s21] =	ssyncadd.s32 $0xFFFFE000  }
0x28e: {  	_ =	swait.ge [sflag:s21], $0x2000  }
0x28f: {  	[sflag:s21] =	ssyncset.done $0x0  }
0x290: {  	[sflag:s21] =	ssyncadd.s32 $0xFFFFE000  }
0x291: {  	_ =	swait.ge [sflag:s21], $0x1000  }
0x292: {  	[sflag:s21] =	ssyncset.done $0x0  }
0x293: {  	[sflag:s21] =	ssyncadd.s32 $0xFFFFF000  }
0x294: {  	_ =	swait.ge [sflag:s21], $0x1000  }
0x295: {  	[sflag:s21] =	ssyncset.done $0x0  }
0x296: {  	[sflag:s21] =	ssyncadd.s32 $0xFFFFF000  }
0x297: {  	_ =	swait.ge [sflag:s23], $0x20  }
0x298: {  	[sflag:s23] =	ssyncset.done $0x0  }
0x299: {  	[sflag:s23] =	ssyncadd.s32 $0xFFFFFFE0  }
0x29a: {  	_ =	swait.ge [sflag:s23], $0x80  }
0x29b: {  	[sflag:s23] =	ssyncset.done $0x0  }
0x29c: {  	s1 =	simm.s32 $0x6;
	[sflag:s23] =	ssyncadd.s32 $0xFFFFFF80  }
0x29d: {  	_ =	swait.ge [sflag:s1], $0x1000  }
0x29e: {  	s2 =	rddreg [dreg:$0x13]  }
0x29f: {  	s0 =	rddreg [dreg:$0x12];
	s2 =	sadd.s32 $0x1, s2  }
0x2a0: {  	p0 =	sne.s32 s2, s0  }
.Ltmp3:
0x2a1: {  	_ = 	snop;
	(pc) =	sbr.rel @p0 .LBB2_1-.Ltmp3, $3  }
0x2a2: {  	_ =	sdelay $0x1  }
0x2a3: {  	[sflag:s1] =	ssyncset.done $0x0  }
0x2a4: {  	[sflag:s1] =	ssyncadd.s32 $0xFFFFF000  }
0x2a5: {  	_ =	sfence.sel $0x180000  }
0x2a6: {  	[bflag:$0x0] =	sbarrier.arrive $0xFFFF  }
0x2a7: {  	_ =	strace $0x90000047  }
0x2a8: {  	s0 =	stileid.u32;
	[bflag:$0x2] =	sbarrier.arrive $0xFFFF  }
0x2a9: {  	p0 =	sne.s32 s0, $0x0;
	s0 =	rddreg [dreg:$0xb]  }
0x2aa: {  	s0 =	sadd.s32 @!p0 $0x100000, s0  }
0x2ab: {  	[sflag:s0] =	ssyncadd.tile.s32 @!p0 $0x1;
	_ =	shalt  }
.Lfunc_end2:
_tile_overlayer_lowered:
.L_overlay_start_2:
0x2ac: {  	(tag) =	ssettag $0x2  }
0x2ad: {  	s0 =	rddreg [dreg:$0x0];
	s2 =	stileid.u32  }
0x2ae: {  	s1 =	rddreg [dreg:$0x1];
	p0 =	sne.s32 s2, $0x0  }
0x2af: {  	s3 =	rddreg [dreg:$0x2];
	[bflag:$0x3] =	sbarrier.arrive $0xFFFF;
	s2 =	simm.s32 @!p0 $0x1C07  }
0x2b0: {  	[timem:s3], [sflag:s2] =	dma.local @!p0 [hbm:s0], s1  }
0x2b1: {  	s0 =	simm.s32 @!p0 $0x7  }
0x2b2: {  	_ =	swait.ge @!p0 [sflag:s0], s1  }
0x2b3: {  	s1 =	ssub.s32 @!p0 $0x0, s1;
	[sflag:s0] =	ssyncset.done @!p0 $0x0  }
0x2b4: {  	[sflag:s0] =	ssyncadd.s32 @!p0 s1  }
0x2b5: {  	[bflag:$0x3] =	sbarrier.arrive $0xFFFF  }
0x2b6: {  	_ =	shalt  }

</sc_bundles>
